<compile_context>
chip_gen: v7x
topology: tpu7x:2x2x1
jax: 0.10.2.dev20260603
libtpu: 0.0.44.dev20260713+nightly
codegen_flags: <defaults>
</compile_context>

<pallas_src>
import jax
import jax.numpy as jnp
from jax import lax
from jax.experimental import pallas as pl
from jax.experimental.pallas import tpu as pltpu
from jax.experimental.pallas import tpu_sc as plsc

N_TOK = 204800
N_BAGS = 4096
VOCAB = 100000
EMB_D = 64
NQ = EMB_D // 16
NC = 2
NS = 16
NW = NC * NS
BPW = N_BAGS // NW
C = 512
CSUB = 4
CB = C // CSUB

def _tile_body(in_hbm, off_hbm, w_hbm, tab_hbm, out_hbm,
               offs_v, idx_v, w_v, rows_v, acc_v,
               lin0, lin1, gat0, gat1):
    lin_sem = (lin0, lin1)
    gat_sem = (gat0, gat1)
    wid = lax.axis_index("s") * NC + lax.axis_index("c")
    base_bag = wid * BPW

    pltpu.sync_copy(off_hbm.at[pl.ds(base_bag, BPW)], offs_v.at[pl.ds(0, BPW)])

    @pl.when(wid == NW - 1)
    def _():
        offs_v[pl.ds(BPW, 16)] = jnp.full((16,), N_TOK, jnp.int32)

    @pl.when(wid < NW - 1)
    def _():
        pltpu.sync_copy(off_hbm.at[pl.ds(base_bag + BPW, 16)],
                        offs_v.at[pl.ds(BPW, 16)])

    def zero_body(kz, carry):
        for q in range(NQ):
            acc_v[kz, pl.ds(16 * q, 16)] = jnp.zeros((16,), jnp.float32)
        return carry

    lax.fori_loop(0, BPW, zero_body, 0)

    start = offs_v[pl.ds(0, 16)][0]
    end = offs_v[pl.ds(BPW, 16)][0]
    c0 = start // C
    c1 = (end + (C - 1)) // C

    def fire_lin(c, b):
        for i in range(CSUB):
            pltpu.async_copy(in_hbm.at[pl.ds(c * C + CB * i, CB)],
                             idx_v.at[b, i], lin_sem[b])
        pltpu.async_copy(w_hbm.at[pl.ds(c * C, C)],
                         w_v.at[b, pl.ds(0, C)], lin_sem[b])

    def wait_lin(b):
        for i in range(CSUB):
            pltpu.make_async_copy(in_hbm.at[pl.ds(CB * i, CB)],
                                  idx_v.at[b, i], lin_sem[b]).wait()
        pltpu.make_async_copy(w_hbm.at[pl.ds(0, C)],
                              w_v.at[b, pl.ds(0, C)], lin_sem[b]).wait()

    def fire_gat(b):
        for i in range(CSUB):
            pltpu.async_copy(tab_hbm.at[idx_v.at[b, i]],
                             rows_v.at[b, pl.ds(CB * i, CB)], gat_sem[b])

    def wait_gat(b):
        for i in range(CSUB):
            pltpu.make_async_copy(tab_hbm.at[idx_v.at[b, i]],
                                  rows_v.at[b, pl.ds(CB * i, CB)],
                                  gat_sem[b]).wait()

    @pl.when(c0 < c1)
    def _():
        fire_lin(c0, 0)

    @pl.when(c0 + 1 < c1)
    def _():
        fire_lin(c0 + 1, 1)

    @pl.when(c0 < c1)
    def _():
        wait_lin(0)
        fire_gat(0)

    def compute_chunk(c, b, k):
        cbase = c * C
        hi = jnp.minimum(end, cbase + C)

        def count_body(g, cnt):
            d = hi - offs_v[pl.ds(16 * g, 16)]
            m = jnp.minimum(jnp.maximum(d, 0), 1)
            return cnt + jnp.sum(m)

        n_lt = lax.fori_loop(0, BPW // 16, count_body, jnp.int32(0))

        def bag_body(kk, carry):
            o01 = offs_v[pl.ds(kk, 16)]
            lo = jnp.maximum(o01[0], cbase)
            hi_k = jnp.minimum(o01[1], hi)

            def tok_body(p, accs):
                j = p - cbase
                w = w_v[b, pl.ds(j, 16)][0]
                return tuple(accs[q] + w * rows_v[b, j, pl.ds(16 * q, 16)]
                             for q in range(NQ))

            accs = lax.fori_loop(
                lo, hi_k, tok_body,
                tuple(jnp.zeros((16,), jnp.float32) for _ in range(NQ)))

            @pl.when(hi_k > lo)
            def _():
                for q in range(NQ):
                    plsc.addupdate(acc_v.at[kk, pl.ds(16 * q, 16)], accs[q])

            return carry

        lax.fori_loop(k, n_lt, bag_body, jnp.int32(0))

        straddle = offs_v[pl.ds(n_lt, 16)][0] > hi
        return jnp.maximum(k, n_lt - jnp.where(straddle, 1, 0))

    def pair_body(i2, k):
        for u in range(2):
            c = c0 + 2 * i2 + u
            b = u

            @pl.when(c + 1 < c1)
            def _():
                wait_lin(1 - b)
                fire_gat(1 - b)

            @pl.when(c < c1)
            def _():
                wait_gat(b)

            k = compute_chunk(c, b, k)

            @pl.when(c + 2 < c1)
            def _():
                fire_lin(c + 2, b)
        return k

    nhalf = (c1 - c0 + 1) // 2
    lax.fori_loop(0, nhalf, pair_body, jnp.int32(0))

    pltpu.sync_copy(acc_v, out_hbm.at[pl.ds(base_bag, BPW)])


def kernel(input_, offsets, emb_weights, emb_table):
    mesh = plsc.VectorSubcoreMesh(core_axis_name="c", subcore_axis_name="s",
                                  num_cores=NC, num_subcores=NS)
    run = pl.kernel(
        _tile_body,
        out_type=jax.ShapeDtypeStruct((N_BAGS, EMB_D), jnp.float32),
        mesh=mesh,
        scratch_types=[
            pltpu.VMEM((BPW + 16,), jnp.int32),
            pltpu.VMEM((2, CSUB, CB), jnp.int32),
            pltpu.VMEM((2, C + 16), jnp.float32),
            pltpu.VMEM((2, C, EMB_D), jnp.float32),
            pltpu.VMEM((BPW, EMB_D), jnp.float32),
            pltpu.SemaphoreType.DMA,
            pltpu.SemaphoreType.DMA,
            pltpu.SemaphoreType.DMA,
            pltpu.SemaphoreType.DMA,
        ],
        compiler_params=pltpu.CompilerParams(needs_layout_passes=False,
                                             use_tc_tiling_on_sc=False),
    )
    return run(input_.astype(jnp.int32), offsets.astype(jnp.int32),
               emb_weights, emb_table)

# --- scband reference (transcript-rebuilt; emitter-appended) ---
"""Pipeline reference for scband-mm-average-attention-8538394984703 (READ-ONLY COPY).

The authoritative reference and input builder live on the scoring server;
editing this copy changes nothing except your own understanding.
"""

import jax, jax.numpy as jnp
import numpy as np

N_TOKENS = 204800
N_BAGS = 4096
VOCAB = 100000
EMB_DIM = 64


def setup_inputs(seed: int = 0) -> dict:
    key = jax.random.key(seed)
    k1, k2, k3, k4 = jax.random.split(key, 4)
    input_ = jax.random.randint(k1, (N_TOKENS,), 0, VOCAB)
    offsets = jnp.sort(jax.random.randint(k2, (N_BAGS,), 0, N_TOKENS))
    # EmbeddingBag-style offsets: first bag starts at 0
    offsets = offsets.at[0].set(0)
    emb_weights = jax.random.uniform(k3, (N_TOKENS,), dtype=jnp.float32)
    emb_table = jax.random.normal(k4, (VOCAB, EMB_DIM), dtype=jnp.float32)
    return {
        "input_": input_,
        "offsets": offsets,
        "emb_weights": emb_weights,
        "emb_table": emb_table,
    }


def reference(input_, offsets, emb_weights, emb_table):
    # self.emb(input_): embedding gather -> [N, D]
    x = jnp.take(emb_table, input_, axis=0)
    # optional per-token weights (attention weights)
    x = x * emb_weights[:, None]
    # build_lens(input_, offsets): lens[i] = offsets[i+1] - offsets[i], last = N - offsets[-1]
    # sum_var_parts(x, lens, w): sparse-matmul / segment-sum of variable-length parts
    n = input_.shape[0]
    b = offsets.shape[0]
    seg_ids = jnp.searchsorted(offsets, jnp.arange(n), side="right") - 1
    out = jax.ops.segment_sum(x, seg_ids, num_segments=b)
    return out

if __name__ == "__main__":
    import jax
    _d = setup_inputs()
    print(jax.jit(kernel)(*tuple(_d.values())))

</pallas_src>

<mosaic_0001>
#map = affine_map<(d0, d1) -> (0)>
#map1 = affine_map<(d0, d1) -> (0, 0)>
module attributes {stable_mosaic.version = 14 : i64} {
  func.func @_tile_body(%arg0: i32, %arg1: i32, %arg2: memref<204800xi32, #tpu.memory_space<hbm>>, %arg3: memref<4096xi32, #tpu.memory_space<hbm>>, %arg4: memref<204800xf32, #tpu.memory_space<hbm>>, %arg5: memref<100000x64xf32, #tpu.memory_space<hbm>>, %arg6: memref<4096x64xf32, #tpu.memory_space<hbm>>, %arg7: memref<144xi32, #tpu.memory_space<vmem>>, %arg8: memref<2x4x128xi32, #tpu.memory_space<vmem>>, %arg9: memref<2x528xf32, #tpu.memory_space<vmem>>, %arg10: memref<2x512x64xf32, #tpu.memory_space<vmem>>, %arg11: memref<128x64xf32, #tpu.memory_space<vmem>>, %arg12: memref<!tpu.dma_semaphore, #tpu.memory_space<semaphore_mem>>, %arg13: memref<!tpu.dma_semaphore, #tpu.memory_space<semaphore_mem>>, %arg14: memref<!tpu.dma_semaphore, #tpu.memory_space<semaphore_mem>>, %arg15: memref<!tpu.dma_semaphore, #tpu.memory_space<semaphore_mem>>) attributes {dimension_semantics = [#tpu.dimension_semantics<core_parallel>, #tpu.dimension_semantics<subcore_parallel>], iteration_bounds = array<i64: 2, 16>, scalar_prefetch = 0 : i64, scratch_operands = 9 : i64, tpu.core_type = #tpu.core_type<sc_vector_subcore>, window_params = [{transform_indices = #map}, {transform_indices = #map}, {transform_indices = #map}, {transform_indices = #map1}, {transform_indices = #map1}]} {
    %mul3A = arith.constant 2 : i32
    %mul3A_0 = arith.muli %arg1, %mul3A : i32
    %add3A = arith.addi %mul3A_0, %arg0 : i32
    %mul3A_1 = arith.constant 128 : i32
    %mul3A_2 = arith.muli %add3A, %mul3A_1 : i32
    "tpu.region"() ({
      %run_scoped3A = tpu.sem_alloc : memref<!tpu.dma_semaphore, #tpu.memory_space<semaphore_mem>>
      %dma_start3A = arith.constant 0 : i32
      %dma_start3A_113 = tpu.memref_slice %arg7[%dma_start3A] : memref<144xi32, #tpu.memory_space<vmem>> -> memref<128xi32, #tpu.memory_space<vmem>>
      %dma_start3A_114 = tpu.memref_slice %arg3[%mul3A_2] : memref<4096xi32, #tpu.memory_space<hbm>> -> memref<128xi32, #tpu.memory_space<hbm>>
      %dma_start3A_115 = arith.constant 0 : i32
      %dma_start3A_116 = tpu.memref_slice %arg7[%dma_start3A_115] : memref<144xi32, #tpu.memory_space<vmem>> -> memref<128xi32, #tpu.memory_space<vmem>>
      %dma_start3A_117 = tpu.memref_slice %arg3[%mul3A_2] : memref<4096xi32, #tpu.memory_space<hbm>> -> memref<128xi32, #tpu.memory_space<hbm>>
      tpu.enqueue_dma source(%dma_start3A_117 : memref<128xi32, #tpu.memory_space<hbm>>) target(%dma_start3A_116 : memref<128xi32, #tpu.memory_space<vmem>>) target_semaphore(%run_scoped3A : memref<!tpu.dma_semaphore, #tpu.memory_space<semaphore_mem>>)
      %dma_wait3A = arith.constant 0 : i32
      %dma_wait3A_118 = tpu.memref_slice %arg7[%dma_wait3A] : memref<144xi32, #tpu.memory_space<vmem>> -> memref<128xi32, #tpu.memory_space<vmem>>
      %dma_wait3A_119 = tpu.memref_slice %arg3[%mul3A_2] : memref<4096xi32, #tpu.memory_space<hbm>> -> memref<128xi32, #tpu.memory_space<hbm>>
      %dma_wait3A_120 = arith.constant 0 : i32
      %dma_wait3A_121 = tpu.memref_slice %arg7[%dma_wait3A_120] : memref<144xi32, #tpu.memory_space<vmem>> -> memref<128xi32, #tpu.memory_space<vmem>>
      %dma_wait3A_122 = tpu.memref_slice %arg3[%mul3A_2] : memref<4096xi32, #tpu.memory_space<hbm>> -> memref<128xi32, #tpu.memory_space<hbm>>
      tpu.wait_dma2 semaphore(%run_scoped3A : memref<!tpu.dma_semaphore, #tpu.memory_space<semaphore_mem>>) src(%dma_wait3A_122 : memref<128xi32, #tpu.memory_space<hbm>>) dst(%dma_wait3A_121 : memref<128xi32, #tpu.memory_space<vmem>>)
      tpu.yield
    }) : () -> ()
    %eq3A = arith.constant 31 : i32
    %eq3A_3 = arith.cmpi eq, %add3A, %eq3A : i32
    %convert_element_type3A = arith.extui %eq3A_3 : i1 to i32
    %cond3A = arith.constant 0 : i32
    %cond3A_4 = arith.cmpi ne, %convert_element_type3A, %cond3A : i32
    scf.if %cond3A_4 {
      %broadcast_in_dim3A = arith.constant 204800 : i32
      %broadcast_in_dim3A_113 = vector.broadcast %broadcast_in_dim3A : i32 to vector<16xi32>
      %swap3A = arith.constant 128 : index
      %swap3A_114 = tpu.vector_load %arg7[%swap3A] {strides = array<i32>} : memref<144xi32, #tpu.memory_space<vmem>>, vector<16xi32>,
      tpu.vector_store %arg7[%swap3A], %broadcast_in_dim3A_113 {strides = array<i32>} : memref<144xi32, #tpu.memory_space<vmem>>, vector<16xi32>,
    } else {
    }
    %lt3A = arith.constant 31 : i32
    %lt3A_5 = arith.cmpi slt, %add3A, %lt3A : i32
    %convert_element_type3A_6 = arith.extui %lt3A_5 : i1 to i32
    %cond3A_7 = arith.constant 0 : i32
    %cond3A_8 = arith.cmpi ne, %convert_element_type3A_6, %cond3A_7 : i32
    scf.if %cond3A_8 {
      %add3A_113 = arith.constant 128 : i32
      %add3A_114 = arith.addi %mul3A_2, %add3A_113 : i32
      "tpu.region"() ({
        %run_scoped3A = tpu.sem_alloc : memref<!tpu.dma_semaphore, #tpu.memory_space<semaphore_mem>>
        %dma_start3A = arith.constant 128 : i32
        %dma_start3A_115 = tpu.memref_slice %arg7[%dma_start3A] : memref<144xi32, #tpu.memory_space<vmem>> -> memref<16xi32, #tpu.memory_space<vmem>>
        %dma_start3A_116 = tpu.memref_slice %arg3[%add3A_114] : memref<4096xi32, #tpu.memory_space<hbm>> -> memref<16xi32, #tpu.memory_space<hbm>>
        %dma_start3A_117 = arith.constant 128 : i32
        %dma_start3A_118 = tpu.memref_slice %arg7[%dma_start3A_117] : memref<144xi32, #tpu.memory_space<vmem>> -> memref<16xi32, #tpu.memory_space<vmem>>
        %dma_start3A_119 = tpu.memref_slice %arg3[%add3A_114] : memref<4096xi32, #tpu.memory_space<hbm>> -> memref<16xi32, #tpu.memory_space<hbm>>
        tpu.enqueue_dma source(%dma_start3A_119 : memref<16xi32, #tpu.memory_space<hbm>>) target(%dma_start3A_118 : memref<16xi32, #tpu.memory_space<vmem>>) target_semaphore(%run_scoped3A : memref<!tpu.dma_semaphore, #tpu.memory_space<semaphore_mem>>)
        %dma_wait3A = arith.constant 128 : i32
        %dma_wait3A_120 = tpu.memref_slice %arg7[%dma_wait3A] : memref<144xi32, #tpu.memory_space<vmem>> -> memref<16xi32, #tpu.memory_space<vmem>>
        %dma_wait3A_121 = tpu.memref_slice %arg3[%add3A_114] : memref<4096xi32, #tpu.memory_space<hbm>> -> memref<16xi32, #tpu.memory_space<hbm>>
        %dma_wait3A_122 = arith.constant 128 : i32
        %dma_wait3A_123 = tpu.memref_slice %arg7[%dma_wait3A_122] : memref<144xi32, #tpu.memory_space<vmem>> -> memref<16xi32, #tpu.memory_space<vmem>>
        %dma_wait3A_124 = tpu.memref_slice %arg3[%add3A_114] : memref<4096xi32, #tpu.memory_space<hbm>> -> memref<16xi32, #tpu.memory_space<hbm>>
        tpu.wait_dma2 semaphore(%run_scoped3A : memref<!tpu.dma_semaphore, #tpu.memory_space<semaphore_mem>>) src(%dma_wait3A_124 : memref<16xi32, #tpu.memory_space<hbm>>) dst(%dma_wait3A_123 : memref<16xi32, #tpu.memory_space<vmem>>)
        tpu.yield
      }) : () -> ()
    } else {
    }
    %scan3A = arith.constant 0 : i32
    %scan3A_9 = arith.constant 0 : i32
    %scan3A_10 = arith.constant 128 : i32
    %scan3A_11 = arith.addi %scan3A_9, %scan3A_10 : i32
    %scan3A_12 = arith.constant 1 : i32
    scf.for %scan3A_113 = %scan3A_9 to %scan3A_11 step %scan3A_12  : i32 {
      %broadcast_in_dim3A = arith.constant 0.000000e+00 : f32
      %broadcast_in_dim3A_114 = vector.broadcast %broadcast_in_dim3A : f32 to vector<16xf32>
      %swap3A = arith.index_cast %scan3A_113 : i32 to index
      %swap3A_115 = arith.constant 0 : index
      %swap3A_116 = tpu.vector_load %arg11[%swap3A, %swap3A_115] {strides = array<i32>} : memref<128x64xf32, #tpu.memory_space<vmem>>, vector<16xf32>,
      tpu.vector_store %arg11[%swap3A, %swap3A_115], %broadcast_in_dim3A_114 {strides = array<i32>} : memref<128x64xf32, #tpu.memory_space<vmem>>, vector<16xf32>,
      %broadcast_in_dim3A_117 = arith.constant 0.000000e+00 : f32
      %broadcast_in_dim3A_118 = vector.broadcast %broadcast_in_dim3A_117 : f32 to vector<16xf32>
      %swap3A_119 = arith.index_cast %scan3A_113 : i32 to index
      %swap3A_120 = arith.constant 16 : index
      %swap3A_121 = tpu.vector_load %arg11[%swap3A_119, %swap3A_120] {strides = array<i32>} : memref<128x64xf32, #tpu.memory_space<vmem>>, vector<16xf32>,
      tpu.vector_store %arg11[%swap3A_119, %swap3A_120], %broadcast_in_dim3A_118 {strides = array<i32>} : memref<128x64xf32, #tpu.memory_space<vmem>>, vector<16xf32>,
      %broadcast_in_dim3A_122 = arith.constant 0.000000e+00 : f32
      %broadcast_in_dim3A_123 = vector.broadcast %broadcast_in_dim3A_122 : f32 to vector<16xf32>
      %swap3A_124 = arith.index_cast %scan3A_113 : i32 to index
      %swap3A_125 = arith.constant 32 : index
      %swap3A_126 = tpu.vector_load %arg11[%swap3A_124, %swap3A_125] {strides = array<i32>} : memref<128x64xf32, #tpu.memory_space<vmem>>, vector<16xf32>,
      tpu.vector_store %arg11[%swap3A_124, %swap3A_125], %broadcast_in_dim3A_123 {strides = array<i32>} : memref<128x64xf32, #tpu.memory_space<vmem>>, vector<16xf32>,
      %broadcast_in_dim3A_127 = arith.constant 0.000000e+00 : f32
      %broadcast_in_dim3A_128 = vector.broadcast %broadcast_in_dim3A_127 : f32 to vector<16xf32>
      %swap3A_129 = arith.index_cast %scan3A_113 : i32 to index
      %swap3A_130 = arith.constant 48 : index
      %swap3A_131 = tpu.vector_load %arg11[%swap3A_129, %swap3A_130] {strides = array<i32>} : memref<128x64xf32, #tpu.memory_space<vmem>>, vector<16xf32>,
      tpu.vector_store %arg11[%swap3A_129, %swap3A_130], %broadcast_in_dim3A_128 {strides = array<i32>} : memref<128x64xf32, #tpu.memory_space<vmem>>, vector<16xf32>,
    }
    %scan3A_13 = arith.constant 128 : i32
    %get3A = arith.constant 0 : index
    %get3A_14 = tpu.vector_load %arg7[%get3A] {strides = array<i32>} : memref<144xi32, #tpu.memory_space<vmem>>, vector<16xi32>,
    %slice3A = vector.extract_strided_slice %get3A_14 {offsets = [0], sizes = [1], strides = [1]} : vector<16xi32> to vector<1xi32>
    %squeeze3A = vector.extract %slice3A[0] : i32 from vector<1xi32>
    %get3A_15 = arith.constant 128 : index
    %get3A_16 = tpu.vector_load %arg7[%get3A_15] {strides = array<i32>} : memref<144xi32, #tpu.memory_space<vmem>>, vector<16xi32>,
    %slice3A_17 = vector.extract_strided_slice %get3A_16 {offsets = [0], sizes = [1], strides = [1]} : vector<16xi32> to vector<1xi32>
    %squeeze3A_18 = vector.extract %slice3A_17[0] : i32 from vector<1xi32>
    %jit3A = arith.constant 512 : i32
    %div3A = arith.divsi %squeeze3A, %jit3A : i32
    %sign3A = arith.constant 0 : i32
    %sign3A_19 = arith.cmpi sgt, %squeeze3A, %sign3A : i32
    %sign3A_20 = arith.extui %sign3A_19 : i1 to i32
    %sign3A_21 = arith.constant 0 : i32
    %sign3A_22 = arith.cmpi slt, %squeeze3A, %sign3A_21 : i32
    %sign3A_23 = arith.extui %sign3A_22 : i1 to i32
    %sign3A_24 = arith.subi %sign3A_20, %sign3A_23 : i32
    %sign3A_25 = arith.constant 0 : i32
    %sign3A_26 = arith.cmpi sgt, %jit3A, %sign3A_25 : i32
    %sign3A_27 = arith.extui %sign3A_26 : i1 to i32
    %sign3A_28 = arith.constant 0 : i32
    %sign3A_29 = arith.cmpi slt, %jit3A, %sign3A_28 : i32
    %sign3A_30 = arith.extui %sign3A_29 : i1 to i32
    %sign3A_31 = arith.subi %sign3A_27, %sign3A_30 : i32
    %ne3A = arith.cmpi ne, %sign3A_24, %sign3A_31 : i32
    %rem3A = arith.remsi %squeeze3A, %jit3A : i32
    %ne3A_32 = arith.constant 0 : i32
    %ne3A_33 = arith.cmpi ne, %rem3A, %ne3A_32 : i32
    %and3A = arith.andi %ne3A, %ne3A_33 : i1
    %sub3A = arith.constant 1 : i32
    %sub3A_34 = arith.subi %div3A, %sub3A : i32
    %select_n3A = arith.select %and3A, %sub3A_34, %div3A : i32
    %add3A_35 = arith.constant 511 : i32
    %add3A_36 = arith.addi %squeeze3A_18, %add3A_35 : i32
    %jit3A_37 = arith.constant 512 : i32
    %div3A_38 = arith.divsi %add3A_36, %jit3A_37 : i32
    %sign3A_39 = arith.constant 0 : i32
    %sign3A_40 = arith.cmpi sgt, %add3A_36, %sign3A_39 : i32
    %sign3A_41 = arith.extui %sign3A_40 : i1 to i32
    %sign3A_42 = arith.constant 0 : i32
    %sign3A_43 = arith.cmpi slt, %add3A_36, %sign3A_42 : i32
    %sign3A_44 = arith.extui %sign3A_43 : i1 to i32
    %sign3A_45 = arith.subi %sign3A_41, %sign3A_44 : i32
    %sign3A_46 = arith.constant 0 : i32
    %sign3A_47 = arith.cmpi sgt, %jit3A_37, %sign3A_46 : i32
    %sign3A_48 = arith.extui %sign3A_47 : i1 to i32
    %sign3A_49 = arith.constant 0 : i32
    %sign3A_50 = arith.cmpi slt, %jit3A_37, %sign3A_49 : i32
    %sign3A_51 = arith.extui %sign3A_50 : i1 to i32
    %sign3A_52 = arith.subi %sign3A_48, %sign3A_51 : i32
    %ne3A_53 = arith.cmpi ne, %sign3A_45, %sign3A_52 : i32
    %rem3A_54 = arith.remsi %add3A_36, %jit3A_37 : i32
    %ne3A_55 = arith.constant 0 : i32
    %ne3A_56 = arith.cmpi ne, %rem3A_54, %ne3A_55 : i32
    %and3A_57 = arith.andi %ne3A_53, %ne3A_56 : i1
    %sub3A_58 = arith.constant 1 : i32
    %sub3A_59 = arith.subi %div3A_38, %sub3A_58 : i32
    %select_n3A_60 = arith.select %and3A_57, %sub3A_59, %div3A_38 : i32
    %lt3A_61 = arith.cmpi slt, %select_n3A, %select_n3A_60 : i32
    %convert_element_type3A_62 = arith.extui %lt3A_61 : i1 to i32
    %cond3A_63 = arith.constant 0 : i32
    %cond3A_64 = arith.cmpi ne, %convert_element_type3A_62, %cond3A_63 : i32
    scf.if %cond3A_64 {
      %mul3A_113 = arith.constant 512 : i32
      %mul3A_114 = arith.muli %select_n3A, %mul3A_113 : i32
      %add3A_115 = arith.constant 0 : i32
      %add3A_116 = arith.addi %mul3A_114, %add3A_115 : i32
      %dma_start3A = arith.constant 0 : i32
      %dma_start3A_117 = arith.constant 0 : i32
      %dma_start3A_118 = arith.constant 0 : i32
      %dma_start3A_119 = tpu.memref_slice %arg8[%dma_start3A, %dma_start3A_117, %dma_start3A_118] : memref<2x4x128xi32, #tpu.memory_space<vmem>> -> memref<1x1x128xi32, #tpu.memory_space<vmem>>
      %dma_start3A_120 = tpu.memref_squeeze %dma_start3A_119 : memref<1x1x128xi32, #tpu.memory_space<vmem>> -> memref<128xi32, #tpu.memory_space<vmem>>
      %dma_start3A_121 = tpu.memref_slice %arg2[%add3A_116] : memref<204800xi32, #tpu.memory_space<hbm>> -> memref<128xi32, #tpu.memory_space<hbm>>
      %dma_start3A_122 = arith.constant 0 : i32
      %dma_start3A_123 = tpu.memref_slice %arg8[%dma_start3A, %dma_start3A_117, %dma_start3A_122] : memref<2x4x128xi32, #tpu.memory_space<vmem>> -> memref<1x1x128xi32, #tpu.memory_space<vmem>>
      %dma_start3A_124 = tpu.memref_squeeze %dma_start3A_123 : memref<1x1x128xi32, #tpu.memory_space<vmem>> -> memref<128xi32, #tpu.memory_space<vmem>>
      %dma_start3A_125 = tpu.memref_slice %arg2[%add3A_116] : memref<204800xi32, #tpu.memory_space<hbm>> -> memref<128xi32, #tpu.memory_space<hbm>>
      tpu.enqueue_dma source(%dma_start3A_125 : memref<128xi32, #tpu.memory_space<hbm>>) target(%dma_start3A_124 : memref<128xi32, #tpu.memory_space<vmem>>) target_semaphore(%arg12 : memref<!tpu.dma_semaphore, #tpu.memory_space<semaphore_mem>>)
      %mul3A_126 = arith.constant 512 : i32
      %mul3A_127 = arith.muli %select_n3A, %mul3A_126 : i32
      %add3A_128 = arith.constant 128 : i32
      %add3A_129 = arith.addi %mul3A_127, %add3A_128 : i32
      %dma_start3A_130 = arith.constant 0 : i32
      %dma_start3A_131 = arith.constant 1 : i32
      %dma_start3A_132 = arith.constant 0 : i32
      %dma_start3A_133 = tpu.memref_slice %arg8[%dma_start3A_130, %dma_start3A_131, %dma_start3A_132] : memref<2x4x128xi32, #tpu.memory_space<vmem>> -> memref<1x1x128xi32, #tpu.memory_space<vmem>>
      %dma_start3A_134 = tpu.memref_squeeze %dma_start3A_133 : memref<1x1x128xi32, #tpu.memory_space<vmem>> -> memref<128xi32, #tpu.memory_space<vmem>>
      %dma_start3A_135 = tpu.memref_slice %arg2[%add3A_129] : memref<204800xi32, #tpu.memory_space<hbm>> -> memref<128xi32, #tpu.memory_space<hbm>>
      %dma_start3A_136 = arith.constant 0 : i32
      %dma_start3A_137 = tpu.memref_slice %arg8[%dma_start3A_130, %dma_start3A_131, %dma_start3A_136] : memref<2x4x128xi32, #tpu.memory_space<vmem>> -> memref<1x1x128xi32, #tpu.memory_space<vmem>>
      %dma_start3A_138 = tpu.memref_squeeze %dma_start3A_137 : memref<1x1x128xi32, #tpu.memory_space<vmem>> -> memref<128xi32, #tpu.memory_space<vmem>>
      %dma_start3A_139 = tpu.memref_slice %arg2[%add3A_129] : memref<204800xi32, #tpu.memory_space<hbm>> -> memref<128xi32, #tpu.memory_space<hbm>>
      tpu.enqueue_dma source(%dma_start3A_139 : memref<128xi32, #tpu.memory_space<hbm>>) target(%dma_start3A_138 : memref<128xi32, #tpu.memory_space<vmem>>) target_semaphore(%arg12 : memref<!tpu.dma_semaphore, #tpu.memory_space<semaphore_mem>>)
      %mul3A_140 = arith.constant 512 : i32
      %mul3A_141 = arith.muli %select_n3A, %mul3A_140 : i32
      %add3A_142 = arith.constant 256 : i32
      %add3A_143 = arith.addi %mul3A_141, %add3A_142 : i32
      %dma_start3A_144 = arith.constant 0 : i32
      %dma_start3A_145 = arith.constant 2 : i32
      %dma_start3A_146 = arith.constant 0 : i32
      %dma_start3A_147 = tpu.memref_slice %arg8[%dma_start3A_144, %dma_start3A_145, %dma_start3A_146] : memref<2x4x128xi32, #tpu.memory_space<vmem>> -> memref<1x1x128xi32, #tpu.memory_space<vmem>>
      %dma_start3A_148 = tpu.memref_squeeze %dma_start3A_147 : memref<1x1x128xi32, #tpu.memory_space<vmem>> -> memref<128xi32, #tpu.memory_space<vmem>>
      %dma_start3A_149 = tpu.memref_slice %arg2[%add3A_143] : memref<204800xi32, #tpu.memory_space<hbm>> -> memref<128xi32, #tpu.memory_space<hbm>>
      %dma_start3A_150 = arith.constant 0 : i32
      %dma_start3A_151 = tpu.memref_slice %arg8[%dma_start3A_144, %dma_start3A_145, %dma_start3A_150] : memref<2x4x128xi32, #tpu.memory_space<vmem>> -> memref<1x1x128xi32, #tpu.memory_space<vmem>>
      %dma_start3A_152 = tpu.memref_squeeze %dma_start3A_151 : memref<1x1x128xi32, #tpu.memory_space<vmem>> -> memref<128xi32, #tpu.memory_space<vmem>>
      %dma_start3A_153 = tpu.memref_slice %arg2[%add3A_143] : memref<204800xi32, #tpu.memory_space<hbm>> -> memref<128xi32, #tpu.memory_space<hbm>>
      tpu.enqueue_dma source(%dma_start3A_153 : memref<128xi32, #tpu.memory_space<hbm>>) target(%dma_start3A_152 : memref<128xi32, #tpu.memory_space<vmem>>) target_semaphore(%arg12 : memref<!tpu.dma_semaphore, #tpu.memory_space<semaphore_mem>>)
      %mul3A_154 = arith.constant 512 : i32
      %mul3A_155 = arith.muli %select_n3A, %mul3A_154 : i32
      %add3A_156 = arith.constant 384 : i32
      %add3A_157 = arith.addi %mul3A_155, %add3A_156 : i32
      %dma_start3A_158 = arith.constant 0 : i32
      %dma_start3A_159 = arith.constant 3 : i32
      %dma_start3A_160 = arith.constant 0 : i32
      %dma_start3A_161 = tpu.memref_slice %arg8[%dma_start3A_158, %dma_start3A_159, %dma_start3A_160] : memref<2x4x128xi32, #tpu.memory_space<vmem>> -> memref<1x1x128xi32, #tpu.memory_space<vmem>>
      %dma_start3A_162 = tpu.memref_squeeze %dma_start3A_161 : memref<1x1x128xi32, #tpu.memory_space<vmem>> -> memref<128xi32, #tpu.memory_space<vmem>>
      %dma_start3A_163 = tpu.memref_slice %arg2[%add3A_157] : memref<204800xi32, #tpu.memory_space<hbm>> -> memref<128xi32, #tpu.memory_space<hbm>>
      %dma_start3A_164 = arith.constant 0 : i32
      %dma_start3A_165 = tpu.memref_slice %arg8[%dma_start3A_158, %dma_start3A_159, %dma_start3A_164] : memref<2x4x128xi32, #tpu.memory_space<vmem>> -> memref<1x1x128xi32, #tpu.memory_space<vmem>>
      %dma_start3A_166 = tpu.memref_squeeze %dma_start3A_165 : memref<1x1x128xi32, #tpu.memory_space<vmem>> -> memref<128xi32, #tpu.memory_space<vmem>>
      %dma_start3A_167 = tpu.memref_slice %arg2[%add3A_157] : memref<204800xi32, #tpu.memory_space<hbm>> -> memref<128xi32, #tpu.memory_space<hbm>>
      tpu.enqueue_dma source(%dma_start3A_167 : memref<128xi32, #tpu.memory_space<hbm>>) target(%dma_start3A_166 : memref<128xi32, #tpu.memory_space<vmem>>) target_semaphore(%arg12 : memref<!tpu.dma_semaphore, #tpu.memory_space<semaphore_mem>>)
      %mul3A_168 = arith.constant 512 : i32
      %mul3A_169 = arith.muli %select_n3A, %mul3A_168 : i32
      %dma_start3A_170 = arith.constant 0 : i32
      %dma_start3A_171 = arith.constant 0 : i32
      %dma_start3A_172 = tpu.memref_slice %arg9[%dma_start3A_170, %dma_start3A_171] : memref<2x528xf32, #tpu.memory_space<vmem>> -> memref<1x512xf32, #tpu.memory_space<vmem>>
      %dma_start3A_173 = tpu.memref_squeeze %dma_start3A_172 : memref<1x512xf32, #tpu.memory_space<vmem>> -> memref<512xf32, #tpu.memory_space<vmem>>
      %dma_start3A_174 = tpu.memref_slice %arg4[%mul3A_169] : memref<204800xf32, #tpu.memory_space<hbm>> -> memref<512xf32, #tpu.memory_space<hbm>>
      %dma_start3A_175 = arith.constant 0 : i32
      %dma_start3A_176 = tpu.memref_slice %arg9[%dma_start3A_170, %dma_start3A_175] : memref<2x528xf32, #tpu.memory_space<vmem>> -> memref<1x512xf32, #tpu.memory_space<vmem>>
      %dma_start3A_177 = tpu.memref_squeeze %dma_start3A_176 : memref<1x512xf32, #tpu.memory_space<vmem>> -> memref<512xf32, #tpu.memory_space<vmem>>
      %dma_start3A_178 = tpu.memref_slice %arg4[%mul3A_169] : memref<204800xf32, #tpu.memory_space<hbm>> -> memref<512xf32, #tpu.memory_space<hbm>>
      tpu.enqueue_dma source(%dma_start3A_178 : memref<512xf32, #tpu.memory_space<hbm>>) target(%dma_start3A_177 : memref<512xf32, #tpu.memory_space<vmem>>) target_semaphore(%arg12 : memref<!tpu.dma_semaphore, #tpu.memory_space<semaphore_mem>>)
    } else {
    }
    %add3A_65 = arith.constant 1 : i32
    %add3A_66 = arith.addi %select_n3A, %add3A_65 : i32
    %lt3A_67 = arith.cmpi slt, %add3A_66, %select_n3A_60 : i32
    %convert_element_type3A_68 = arith.extui %lt3A_67 : i1 to i32
    %cond3A_69 = arith.constant 0 : i32
    %cond3A_70 = arith.cmpi ne, %convert_element_type3A_68, %cond3A_69 : i32
    scf.if %cond3A_70 {
      %add3A_113 = arith.constant 1 : i32
      %add3A_114 = arith.addi %select_n3A, %add3A_113 : i32
      %mul3A_115 = arith.constant 512 : i32
      %mul3A_116 = arith.muli %add3A_114, %mul3A_115 : i32
      %add3A_117 = arith.constant 0 : i32
      %add3A_118 = arith.addi %mul3A_116, %add3A_117 : i32
      %dma_start3A = arith.constant 1 : i32
      %dma_start3A_119 = arith.constant 0 : i32
      %dma_start3A_120 = arith.constant 0 : i32
      %dma_start3A_121 = tpu.memref_slice %arg8[%dma_start3A, %dma_start3A_119, %dma_start3A_120] : memref<2x4x128xi32, #tpu.memory_space<vmem>> -> memref<1x1x128xi32, #tpu.memory_space<vmem>>
      %dma_start3A_122 = tpu.memref_squeeze %dma_start3A_121 : memref<1x1x128xi32, #tpu.memory_space<vmem>> -> memref<128xi32, #tpu.memory_space<vmem>>
      %dma_start3A_123 = tpu.memref_slice %arg2[%add3A_118] : memref<204800xi32, #tpu.memory_space<hbm>> -> memref<128xi32, #tpu.memory_space<hbm>>
      %dma_start3A_124 = arith.constant 0 : i32
      %dma_start3A_125 = tpu.memref_slice %arg8[%dma_start3A, %dma_start3A_119, %dma_start3A_124] : memref<2x4x128xi32, #tpu.memory_space<vmem>> -> memref<1x1x128xi32, #tpu.memory_space<vmem>>
      %dma_start3A_126 = tpu.memref_squeeze %dma_start3A_125 : memref<1x1x128xi32, #tpu.memory_space<vmem>> -> memref<128xi32, #tpu.memory_space<vmem>>
      %dma_start3A_127 = tpu.memref_slice %arg2[%add3A_118] : memref<204800xi32, #tpu.memory_space<hbm>> -> memref<128xi32, #tpu.memory_space<hbm>>
      tpu.enqueue_dma source(%dma_start3A_127 : memref<128xi32, #tpu.memory_space<hbm>>) target(%dma_start3A_126 : memref<128xi32, #tpu.memory_space<vmem>>) target_semaphore(%arg13 : memref<!tpu.dma_semaphore, #tpu.memory_space<semaphore_mem>>)
      %mul3A_128 = arith.constant 512 : i32
      %mul3A_129 = arith.muli %add3A_114, %mul3A_128 : i32
      %add3A_130 = arith.constant 128 : i32
      %add3A_131 = arith.addi %mul3A_129, %add3A_130 : i32
      %dma_start3A_132 = arith.constant 1 : i32
      %dma_start3A_133 = arith.constant 1 : i32
      %dma_start3A_134 = arith.constant 0 : i32
      %dma_start3A_135 = tpu.memref_slice %arg8[%dma_start3A_132, %dma_start3A_133, %dma_start3A_134] : memref<2x4x128xi32, #tpu.memory_space<vmem>> -> memref<1x1x128xi32, #tpu.memory_space<vmem>>
      %dma_start3A_136 = tpu.memref_squeeze %dma_start3A_135 : memref<1x1x128xi32, #tpu.memory_space<vmem>> -> memref<128xi32, #tpu.memory_space<vmem>>
      %dma_start3A_137 = tpu.memref_slice %arg2[%add3A_131] : memref<204800xi32, #tpu.memory_space<hbm>> -> memref<128xi32, #tpu.memory_space<hbm>>
      %dma_start3A_138 = arith.constant 0 : i32
      %dma_start3A_139 = tpu.memref_slice %arg8[%dma_start3A_132, %dma_start3A_133, %dma_start3A_138] : memref<2x4x128xi32, #tpu.memory_space<vmem>> -> memref<1x1x128xi32, #tpu.memory_space<vmem>>
      %dma_start3A_140 = tpu.memref_squeeze %dma_start3A_139 : memref<1x1x128xi32, #tpu.memory_space<vmem>> -> memref<128xi32, #tpu.memory_space<vmem>>
      %dma_start3A_141 = tpu.memref_slice %arg2[%add3A_131] : memref<204800xi32, #tpu.memory_space<hbm>> -> memref<128xi32, #tpu.memory_space<hbm>>
      tpu.enqueue_dma source(%dma_start3A_141 : memref<128xi32, #tpu.memory_space<hbm>>) target(%dma_start3A_140 : memref<128xi32, #tpu.memory_space<vmem>>) target_semaphore(%arg13 : memref<!tpu.dma_semaphore, #tpu.memory_space<semaphore_mem>>)
      %mul3A_142 = arith.constant 512 : i32
      %mul3A_143 = arith.muli %add3A_114, %mul3A_142 : i32
      %add3A_144 = arith.constant 256 : i32
      %add3A_145 = arith.addi %mul3A_143, %add3A_144 : i32
      %dma_start3A_146 = arith.constant 1 : i32
      %dma_start3A_147 = arith.constant 2 : i32
      %dma_start3A_148 = arith.constant 0 : i32
      %dma_start3A_149 = tpu.memref_slice %arg8[%dma_start3A_146, %dma_start3A_147, %dma_start3A_148] : memref<2x4x128xi32, #tpu.memory_space<vmem>> -> memref<1x1x128xi32, #tpu.memory_space<vmem>>
      %dma_start3A_150 = tpu.memref_squeeze %dma_start3A_149 : memref<1x1x128xi32, #tpu.memory_space<vmem>> -> memref<128xi32, #tpu.memory_space<vmem>>
      %dma_start3A_151 = tpu.memref_slice %arg2[%add3A_145] : memref<204800xi32, #tpu.memory_space<hbm>> -> memref<128xi32, #tpu.memory_space<hbm>>
      %dma_start3A_152 = arith.constant 0 : i32
      %dma_start3A_153 = tpu.memref_slice %arg8[%dma_start3A_146, %dma_start3A_147, %dma_start3A_152] : memref<2x4x128xi32, #tpu.memory_space<vmem>> -> memref<1x1x128xi32, #tpu.memory_space<vmem>>
      %dma_start3A_154 = tpu.memref_squeeze %dma_start3A_153 : memref<1x1x128xi32, #tpu.memory_space<vmem>> -> memref<128xi32, #tpu.memory_space<vmem>>
      %dma_start3A_155 = tpu.memref_slice %arg2[%add3A_145] : memref<204800xi32, #tpu.memory_space<hbm>> -> memref<128xi32, #tpu.memory_space<hbm>>
      tpu.enqueue_dma source(%dma_start3A_155 : memref<128xi32, #tpu.memory_space<hbm>>) target(%dma_start3A_154 : memref<128xi32, #tpu.memory_space<vmem>>) target_semaphore(%arg13 : memref<!tpu.dma_semaphore, #tpu.memory_space<semaphore_mem>>)
      %mul3A_156 = arith.constant 512 : i32
      %mul3A_157 = arith.muli %add3A_114, %mul3A_156 : i32
      %add3A_158 = arith.constant 384 : i32
      %add3A_159 = arith.addi %mul3A_157, %add3A_158 : i32
      %dma_start3A_160 = arith.constant 1 : i32
      %dma_start3A_161 = arith.constant 3 : i32
      %dma_start3A_162 = arith.constant 0 : i32
      %dma_start3A_163 = tpu.memref_slice %arg8[%dma_start3A_160, %dma_start3A_161, %dma_start3A_162] : memref<2x4x128xi32, #tpu.memory_space<vmem>> -> memref<1x1x128xi32, #tpu.memory_space<vmem>>
      %dma_start3A_164 = tpu.memref_squeeze %dma_start3A_163 : memref<1x1x128xi32, #tpu.memory_space<vmem>> -> memref<128xi32, #tpu.memory_space<vmem>>
      %dma_start3A_165 = tpu.memref_slice %arg2[%add3A_159] : memref<204800xi32, #tpu.memory_space<hbm>> -> memref<128xi32, #tpu.memory_space<hbm>>
      %dma_start3A_166 = arith.constant 0 : i32
      %dma_start3A_167 = tpu.memref_slice %arg8[%dma_start3A_160, %dma_start3A_161, %dma_start3A_166] : memref<2x4x128xi32, #tpu.memory_space<vmem>> -> memref<1x1x128xi32, #tpu.memory_space<vmem>>
      %dma_start3A_168 = tpu.memref_squeeze %dma_start3A_167 : memref<1x1x128xi32, #tpu.memory_space<vmem>> -> memref<128xi32, #tpu.memory_space<vmem>>
      %dma_start3A_169 = tpu.memref_slice %arg2[%add3A_159] : memref<204800xi32, #tpu.memory_space<hbm>> -> memref<128xi32, #tpu.memory_space<hbm>>
      tpu.enqueue_dma source(%dma_start3A_169 : memref<128xi32, #tpu.memory_space<hbm>>) target(%dma_start3A_168 : memref<128xi32, #tpu.memory_space<vmem>>) target_semaphore(%arg13 : memref<!tpu.dma_semaphore, #tpu.memory_space<semaphore_mem>>)
      %mul3A_170 = arith.constant 512 : i32
      %mul3A_171 = arith.muli %add3A_114, %mul3A_170 : i32
      %dma_start3A_172 = arith.constant 1 : i32
      %dma_start3A_173 = arith.constant 0 : i32
      %dma_start3A_174 = tpu.memref_slice %arg9[%dma_start3A_172, %dma_start3A_173] : memref<2x528xf32, #tpu.memory_space<vmem>> -> memref<1x512xf32, #tpu.memory_space<vmem>>
      %dma_start3A_175 = tpu.memref_squeeze %dma_start3A_174 : memref<1x512xf32, #tpu.memory_space<vmem>> -> memref<512xf32, #tpu.memory_space<vmem>>
      %dma_start3A_176 = tpu.memref_slice %arg4[%mul3A_171] : memref<204800xf32, #tpu.memory_space<hbm>> -> memref<512xf32, #tpu.memory_space<hbm>>
      %dma_start3A_177 = arith.constant 0 : i32
      %dma_start3A_178 = tpu.memref_slice %arg9[%dma_start3A_172, %dma_start3A_177] : memref<2x528xf32, #tpu.memory_space<vmem>> -> memref<1x512xf32, #tpu.memory_space<vmem>>
      %dma_start3A_179 = tpu.memref_squeeze %dma_start3A_178 : memref<1x512xf32, #tpu.memory_space<vmem>> -> memref<512xf32, #tpu.memory_space<vmem>>
      %dma_start3A_180 = tpu.memref_slice %arg4[%mul3A_171] : memref<204800xf32, #tpu.memory_space<hbm>> -> memref<512xf32, #tpu.memory_space<hbm>>
      tpu.enqueue_dma source(%dma_start3A_180 : memref<512xf32, #tpu.memory_space<hbm>>) target(%dma_start3A_179 : memref<512xf32, #tpu.memory_space<vmem>>) target_semaphore(%arg13 : memref<!tpu.dma_semaphore, #tpu.memory_space<semaphore_mem>>)
    } else {
    }
    %lt3A_71 = arith.cmpi slt, %select_n3A, %select_n3A_60 : i32
    %convert_element_type3A_72 = arith.extui %lt3A_71 : i1 to i32
    %cond3A_73 = arith.constant 0 : i32
    %cond3A_74 = arith.cmpi ne, %convert_element_type3A_72, %cond3A_73 : i32
    scf.if %cond3A_74 {
      %dma_wait3A = arith.constant 0 : i32
      %dma_wait3A_113 = arith.constant 0 : i32
      %dma_wait3A_114 = arith.constant 0 : i32
      %dma_wait3A_115 = tpu.memref_slice %arg8[%dma_wait3A, %dma_wait3A_113, %dma_wait3A_114] : memref<2x4x128xi32, #tpu.memory_space<vmem>> -> memref<1x1x128xi32, #tpu.memory_space<vmem>>
      %dma_wait3A_116 = tpu.memref_squeeze %dma_wait3A_115 : memref<1x1x128xi32, #tpu.memory_space<vmem>> -> memref<128xi32, #tpu.memory_space<vmem>>
      %dma_wait3A_117 = arith.constant 0 : i32
      %dma_wait3A_118 = tpu.memref_slice %arg2[%dma_wait3A_117] : memref<204800xi32, #tpu.memory_space<hbm>> -> memref<128xi32, #tpu.memory_space<hbm>>
      %dma_wait3A_119 = arith.constant 0 : i32
      %dma_wait3A_120 = tpu.memref_slice %arg8[%dma_wait3A, %dma_wait3A_113, %dma_wait3A_119] : memref<2x4x128xi32, #tpu.memory_space<vmem>> -> memref<1x1x128xi32, #tpu.memory_space<vmem>>
      %dma_wait3A_121 = tpu.memref_squeeze %dma_wait3A_120 : memref<1x1x128xi32, #tpu.memory_space<vmem>> -> memref<128xi32, #tpu.memory_space<vmem>>
      %dma_wait3A_122 = arith.constant 0 : i32
      %dma_wait3A_123 = tpu.memref_slice %arg2[%dma_wait3A_122] : memref<204800xi32, #tpu.memory_space<hbm>> -> memref<128xi32, #tpu.memory_space<hbm>>
      tpu.wait_dma2 semaphore(%arg12 : memref<!tpu.dma_semaphore, #tpu.memory_space<semaphore_mem>>) src(%dma_wait3A_123 : memref<128xi32, #tpu.memory_space<hbm>>) dst(%dma_wait3A_121 : memref<128xi32, #tpu.memory_space<vmem>>)
      %dma_wait3A_124 = arith.constant 0 : i32
      %dma_wait3A_125 = arith.constant 1 : i32
      %dma_wait3A_126 = arith.constant 0 : i32
      %dma_wait3A_127 = tpu.memref_slice %arg8[%dma_wait3A_124, %dma_wait3A_125, %dma_wait3A_126] : memref<2x4x128xi32, #tpu.memory_space<vmem>> -> memref<1x1x128xi32, #tpu.memory_space<vmem>>
      %dma_wait3A_128 = tpu.memref_squeeze %dma_wait3A_127 : memref<1x1x128xi32, #tpu.memory_space<vmem>> -> memref<128xi32, #tpu.memory_space<vmem>>
      %dma_wait3A_129 = arith.constant 128 : i32
      %dma_wait3A_130 = tpu.memref_slice %arg2[%dma_wait3A_129] : memref<204800xi32, #tpu.memory_space<hbm>> -> memref<128xi32, #tpu.memory_space<hbm>>
      %dma_wait3A_131 = arith.constant 0 : i32
      %dma_wait3A_132 = tpu.memref_slice %arg8[%dma_wait3A_124, %dma_wait3A_125, %dma_wait3A_131] : memref<2x4x128xi32, #tpu.memory_space<vmem>> -> memref<1x1x128xi32, #tpu.memory_space<vmem>>
      %dma_wait3A_133 = tpu.memref_squeeze %dma_wait3A_132 : memref<1x1x128xi32, #tpu.memory_space<vmem>> -> memref<128xi32, #tpu.memory_space<vmem>>
      %dma_wait3A_134 = arith.constant 128 : i32
      %dma_wait3A_135 = tpu.memref_slice %arg2[%dma_wait3A_134] : memref<204800xi32, #tpu.memory_space<hbm>> -> memref<128xi32, #tpu.memory_space<hbm>>
      tpu.wait_dma2 semaphore(%arg12 : memref<!tpu.dma_semaphore, #tpu.memory_space<semaphore_mem>>) src(%dma_wait3A_135 : memref<128xi32, #tpu.memory_space<hbm>>) dst(%dma_wait3A_133 : memref<128xi32, #tpu.memory_space<vmem>>)
      %dma_wait3A_136 = arith.constant 0 : i32
      %dma_wait3A_137 = arith.constant 2 : i32
      %dma_wait3A_138 = arith.constant 0 : i32
      %dma_wait3A_139 = tpu.memref_slice %arg8[%dma_wait3A_136, %dma_wait3A_137, %dma_wait3A_138] : memref<2x4x128xi32, #tpu.memory_space<vmem>> -> memref<1x1x128xi32, #tpu.memory_space<vmem>>
      %dma_wait3A_140 = tpu.memref_squeeze %dma_wait3A_139 : memref<1x1x128xi32, #tpu.memory_space<vmem>> -> memref<128xi32, #tpu.memory_space<vmem>>
      %dma_wait3A_141 = arith.constant 256 : i32
      %dma_wait3A_142 = tpu.memref_slice %arg2[%dma_wait3A_141] : memref<204800xi32, #tpu.memory_space<hbm>> -> memref<128xi32, #tpu.memory_space<hbm>>
      %dma_wait3A_143 = arith.constant 0 : i32
      %dma_wait3A_144 = tpu.memref_slice %arg8[%dma_wait3A_136, %dma_wait3A_137, %dma_wait3A_143] : memref<2x4x128xi32, #tpu.memory_space<vmem>> -> memref<1x1x128xi32, #tpu.memory_space<vmem>>
      %dma_wait3A_145 = tpu.memref_squeeze %dma_wait3A_144 : memref<1x1x128xi32, #tpu.memory_space<vmem>> -> memref<128xi32, #tpu.memory_space<vmem>>
      %dma_wait3A_146 = arith.constant 256 : i32
      %dma_wait3A_147 = tpu.memref_slice %arg2[%dma_wait3A_146] : memref<204800xi32, #tpu.memory_space<hbm>> -> memref<128xi32, #tpu.memory_space<hbm>>
      tpu.wait_dma2 semaphore(%arg12 : memref<!tpu.dma_semaphore, #tpu.memory_space<semaphore_mem>>) src(%dma_wait3A_147 : memref<128xi32, #tpu.memory_space<hbm>>) dst(%dma_wait3A_145 : memref<128xi32, #tpu.memory_space<vmem>>)
      %dma_wait3A_148 = arith.constant 0 : i32
      %dma_wait3A_149 = arith.constant 3 : i32
      %dma_wait3A_150 = arith.constant 0 : i32
      %dma_wait3A_151 = tpu.memref_slice %arg8[%dma_wait3A_148, %dma_wait3A_149, %dma_wait3A_150] : memref<2x4x128xi32, #tpu.memory_space<vmem>> -> memref<1x1x128xi32, #tpu.memory_space<vmem>>
      %dma_wait3A_152 = tpu.memref_squeeze %dma_wait3A_151 : memref<1x1x128xi32, #tpu.memory_space<vmem>> -> memref<128xi32, #tpu.memory_space<vmem>>
      %dma_wait3A_153 = arith.constant 384 : i32
      %dma_wait3A_154 = tpu.memref_slice %arg2[%dma_wait3A_153] : memref<204800xi32, #tpu.memory_space<hbm>> -> memref<128xi32, #tpu.memory_space<hbm>>
      %dma_wait3A_155 = arith.constant 0 : i32
      %dma_wait3A_156 = tpu.memref_slice %arg8[%dma_wait3A_148, %dma_wait3A_149, %dma_wait3A_155] : memref<2x4x128xi32, #tpu.memory_space<vmem>> -> memref<1x1x128xi32, #tpu.memory_space<vmem>>
      %dma_wait3A_157 = tpu.memref_squeeze %dma_wait3A_156 : memref<1x1x128xi32, #tpu.memory_space<vmem>> -> memref<128xi32, #tpu.memory_space<vmem>>
      %dma_wait3A_158 = arith.constant 384 : i32
      %dma_wait3A_159 = tpu.memref_slice %arg2[%dma_wait3A_158] : memref<204800xi32, #tpu.memory_space<hbm>> -> memref<128xi32, #tpu.memory_space<hbm>>
      tpu.wait_dma2 semaphore(%arg12 : memref<!tpu.dma_semaphore, #tpu.memory_space<semaphore_mem>>) src(%dma_wait3A_159 : memref<128xi32, #tpu.memory_space<hbm>>) dst(%dma_wait3A_157 : memref<128xi32, #tpu.memory_space<vmem>>)
      %dma_wait3A_160 = arith.constant 0 : i32
      %dma_wait3A_161 = arith.constant 0 : i32
      %dma_wait3A_162 = tpu.memref_slice %arg9[%dma_wait3A_160, %dma_wait3A_161] : memref<2x528xf32, #tpu.memory_space<vmem>> -> memref<1x512xf32, #tpu.memory_space<vmem>>
      %dma_wait3A_163 = tpu.memref_squeeze %dma_wait3A_162 : memref<1x512xf32, #tpu.memory_space<vmem>> -> memref<512xf32, #tpu.memory_space<vmem>>
      %dma_wait3A_164 = arith.constant 0 : i32
      %dma_wait3A_165 = tpu.memref_slice %arg4[%dma_wait3A_164] : memref<204800xf32, #tpu.memory_space<hbm>> -> memref<512xf32, #tpu.memory_space<hbm>>
      %dma_wait3A_166 = arith.constant 0 : i32
      %dma_wait3A_167 = tpu.memref_slice %arg9[%dma_wait3A_160, %dma_wait3A_166] : memref<2x528xf32, #tpu.memory_space<vmem>> -> memref<1x512xf32, #tpu.memory_space<vmem>>
      %dma_wait3A_168 = tpu.memref_squeeze %dma_wait3A_167 : memref<1x512xf32, #tpu.memory_space<vmem>> -> memref<512xf32, #tpu.memory_space<vmem>>
      %dma_wait3A_169 = arith.constant 0 : i32
      %dma_wait3A_170 = tpu.memref_slice %arg4[%dma_wait3A_169] : memref<204800xf32, #tpu.memory_space<hbm>> -> memref<512xf32, #tpu.memory_space<hbm>>
      tpu.wait_dma2 semaphore(%arg12 : memref<!tpu.dma_semaphore, #tpu.memory_space<semaphore_mem>>) src(%dma_wait3A_170 : memref<512xf32, #tpu.memory_space<hbm>>) dst(%dma_wait3A_168 : memref<512xf32, #tpu.memory_space<vmem>>)
      %dma_start3A = arith.constant 0 : i32
      %dma_start3A_171 = arith.constant 0 : i32
      %dma_start3A_172 = arith.constant 0 : i32
      %dma_start3A_173 = arith.constant 0 : i32
      %dma_start3A_174 = arith.constant 0 : i32
      %dma_start3A_175 = tpu.memref_slice %arg10[%dma_start3A_172, %dma_start3A_173, %dma_start3A_174] : memref<2x512x64xf32, #tpu.memory_space<vmem>> -> memref<1x128x64xf32, #tpu.memory_space<vmem>>
      %dma_start3A_176 = tpu.memref_squeeze %dma_start3A_175 : memref<1x128x64xf32, #tpu.memory_space<vmem>> -> memref<128x64xf32, #tpu.memory_space<vmem>>
      %dma_start3A_177 = arith.constant 0 : i32
      %dma_start3A_178 = tpu.memref_slice %arg8[%dma_start3A, %dma_start3A_171, %dma_start3A_177] : memref<2x4x128xi32, #tpu.memory_space<vmem>> -> memref<1x1x128xi32, #tpu.memory_space<vmem>>
      %dma_start3A_179 = tpu.memref_squeeze %dma_start3A_178 : memref<1x1x128xi32, #tpu.memory_space<vmem>> -> memref<128xi32, #tpu.memory_space<vmem>>
      %dma_start3A_180 = arith.constant 0 : i32
      %dma_start3A_181 = arith.constant 0 : i32
      %dma_start3A_182 = tpu.memref_slice %arg5[%dma_start3A_180, %dma_start3A_181] : memref<100000x64xf32, #tpu.memory_space<hbm>> -> memref<100000x64xf32, #tpu.memory_space<hbm>>
      tpu.enqueue_indirect_dma source(%dma_start3A_182 : memref<100000x64xf32, #tpu.memory_space<hbm>>) target(%dma_start3A_176 : memref<128x64xf32, #tpu.memory_space<vmem>>) offsets(%dma_start3A_179 : memref<128xi32, #tpu.memory_space<vmem>>) semaphore(%arg14 : memref<!tpu.dma_semaphore, #tpu.memory_space<semaphore_mem>>)
      %dma_start3A_183 = arith.constant 0 : i32
      %dma_start3A_184 = arith.constant 1 : i32
      %dma_start3A_185 = arith.constant 0 : i32
      %dma_start3A_186 = arith.constant 128 : i32
      %dma_start3A_187 = arith.constant 0 : i32
      %dma_start3A_188 = tpu.memref_slice %arg10[%dma_start3A_185, %dma_start3A_186, %dma_start3A_187] : memref<2x512x64xf32, #tpu.memory_space<vmem>> -> memref<1x128x64xf32, #tpu.memory_space<vmem>>
      %dma_start3A_189 = tpu.memref_squeeze %dma_start3A_188 : memref<1x128x64xf32, #tpu.memory_space<vmem>> -> memref<128x64xf32, #tpu.memory_space<vmem>>
      %dma_start3A_190 = arith.constant 0 : i32
      %dma_start3A_191 = tpu.memref_slice %arg8[%dma_start3A_183, %dma_start3A_184, %dma_start3A_190] : memref<2x4x128xi32, #tpu.memory_space<vmem>> -> memref<1x1x128xi32, #tpu.memory_space<vmem>>
      %dma_start3A_192 = tpu.memref_squeeze %dma_start3A_191 : memref<1x1x128xi32, #tpu.memory_space<vmem>> -> memref<128xi32, #tpu.memory_space<vmem>>
      %dma_start3A_193 = arith.constant 0 : i32
      %dma_start3A_194 = arith.constant 0 : i32
      %dma_start3A_195 = tpu.memref_slice %arg5[%dma_start3A_193, %dma_start3A_194] : memref<100000x64xf32, #tpu.memory_space<hbm>> -> memref<100000x64xf32, #tpu.memory_space<hbm>>
      tpu.enqueue_indirect_dma source(%dma_start3A_195 : memref<100000x64xf32, #tpu.memory_space<hbm>>) target(%dma_start3A_189 : memref<128x64xf32, #tpu.memory_space<vmem>>) offsets(%dma_start3A_192 : memref<128xi32, #tpu.memory_space<vmem>>) semaphore(%arg14 : memref<!tpu.dma_semaphore, #tpu.memory_space<semaphore_mem>>)
      %dma_start3A_196 = arith.constant 0 : i32
      %dma_start3A_197 = arith.constant 2 : i32
      %dma_start3A_198 = arith.constant 0 : i32
      %dma_start3A_199 = arith.constant 256 : i32
      %dma_start3A_200 = arith.constant 0 : i32
      %dma_start3A_201 = tpu.memref_slice %arg10[%dma_start3A_198, %dma_start3A_199, %dma_start3A_200] : memref<2x512x64xf32, #tpu.memory_space<vmem>> -> memref<1x128x64xf32, #tpu.memory_space<vmem>>
      %dma_start3A_202 = tpu.memref_squeeze %dma_start3A_201 : memref<1x128x64xf32, #tpu.memory_space<vmem>> -> memref<128x64xf32, #tpu.memory_space<vmem>>
      %dma_start3A_203 = arith.constant 0 : i32
      %dma_start3A_204 = tpu.memref_slice %arg8[%dma_start3A_196, %dma_start3A_197, %dma_start3A_203] : memref<2x4x128xi32, #tpu.memory_space<vmem>> -> memref<1x1x128xi32, #tpu.memory_space<vmem>>
      %dma_start3A_205 = tpu.memref_squeeze %dma_start3A_204 : memref<1x1x128xi32, #tpu.memory_space<vmem>> -> memref<128xi32, #tpu.memory_space<vmem>>
      %dma_start3A_206 = arith.constant 0 : i32
      %dma_start3A_207 = arith.constant 0 : i32
      %dma_start3A_208 = tpu.memref_slice %arg5[%dma_start3A_206, %dma_start3A_207] : memref<100000x64xf32, #tpu.memory_space<hbm>> -> memref<100000x64xf32, #tpu.memory_space<hbm>>
      tpu.enqueue_indirect_dma source(%dma_start3A_208 : memref<100000x64xf32, #tpu.memory_space<hbm>>) target(%dma_start3A_202 : memref<128x64xf32, #tpu.memory_space<vmem>>) offsets(%dma_start3A_205 : memref<128xi32, #tpu.memory_space<vmem>>) semaphore(%arg14 : memref<!tpu.dma_semaphore, #tpu.memory_space<semaphore_mem>>)
      %dma_start3A_209 = arith.constant 0 : i32
      %dma_start3A_210 = arith.constant 3 : i32
      %dma_start3A_211 = arith.constant 0 : i32
      %dma_start3A_212 = arith.constant 384 : i32
      %dma_start3A_213 = arith.constant 0 : i32
      %dma_start3A_214 = tpu.memref_slice %arg10[%dma_start3A_211, %dma_start3A_212, %dma_start3A_213] : memref<2x512x64xf32, #tpu.memory_space<vmem>> -> memref<1x128x64xf32, #tpu.memory_space<vmem>>
      %dma_start3A_215 = tpu.memref_squeeze %dma_start3A_214 : memref<1x128x64xf32, #tpu.memory_space<vmem>> -> memref<128x64xf32, #tpu.memory_space<vmem>>
      %dma_start3A_216 = arith.constant 0 : i32
      %dma_start3A_217 = tpu.memref_slice %arg8[%dma_start3A_209, %dma_start3A_210, %dma_start3A_216] : memref<2x4x128xi32, #tpu.memory_space<vmem>> -> memref<1x1x128xi32, #tpu.memory_space<vmem>>
      %dma_start3A_218 = tpu.memref_squeeze %dma_start3A_217 : memref<1x1x128xi32, #tpu.memory_space<vmem>> -> memref<128xi32, #tpu.memory_space<vmem>>
      %dma_start3A_219 = arith.constant 0 : i32
      %dma_start3A_220 = arith.constant 0 : i32
      %dma_start3A_221 = tpu.memref_slice %arg5[%dma_start3A_219, %dma_start3A_220] : memref<100000x64xf32, #tpu.memory_space<hbm>> -> memref<100000x64xf32, #tpu.memory_space<hbm>>
      tpu.enqueue_indirect_dma source(%dma_start3A_221 : memref<100000x64xf32, #tpu.memory_space<hbm>>) target(%dma_start3A_215 : memref<128x64xf32, #tpu.memory_space<vmem>>) offsets(%dma_start3A_218 : memref<128xi32, #tpu.memory_space<vmem>>) semaphore(%arg14 : memref<!tpu.dma_semaphore, #tpu.memory_space<semaphore_mem>>)
    } else {
    }
    %sub3A_75 = arith.subi %select_n3A_60, %select_n3A : i32
    %add3A_76 = arith.constant 1 : i32
    %add3A_77 = arith.addi %sub3A_75, %add3A_76 : i32
    %jit3A_78 = arith.constant 2 : i32
    %div3A_79 = arith.divsi %add3A_77, %jit3A_78 : i32
    %sign3A_80 = arith.constant 0 : i32
    %sign3A_81 = arith.cmpi sgt, %add3A_77, %sign3A_80 : i32
    %sign3A_82 = arith.extui %sign3A_81 : i1 to i32
    %sign3A_83 = arith.constant 0 : i32
    %sign3A_84 = arith.cmpi slt, %add3A_77, %sign3A_83 : i32
    %sign3A_85 = arith.extui %sign3A_84 : i1 to i32
    %sign3A_86 = arith.subi %sign3A_82, %sign3A_85 : i32
    %sign3A_87 = arith.constant 0 : i32
    %sign3A_88 = arith.cmpi sgt, %jit3A_78, %sign3A_87 : i32
    %sign3A_89 = arith.extui %sign3A_88 : i1 to i32
    %sign3A_90 = arith.constant 0 : i32
    %sign3A_91 = arith.cmpi slt, %jit3A_78, %sign3A_90 : i32
    %sign3A_92 = arith.extui %sign3A_91 : i1 to i32
    %sign3A_93 = arith.subi %sign3A_89, %sign3A_92 : i32
    %ne3A_94 = arith.cmpi ne, %sign3A_86, %sign3A_93 : i32
    %rem3A_95 = arith.remsi %add3A_77, %jit3A_78 : i32
    %ne3A_96 = arith.constant 0 : i32
    %ne3A_97 = arith.cmpi ne, %rem3A_95, %ne3A_96 : i32
    %and3A_98 = arith.andi %ne3A_94, %ne3A_97 : i1
    %sub3A_99 = arith.constant 1 : i32
    %sub3A_100 = arith.subi %div3A_79, %sub3A_99 : i32
    %select_n3A_101 = arith.select %and3A_98, %sub3A_100, %div3A_79 : i32
    %while3A = arith.constant 0 : i32
    %while3A_102 = arith.constant 0 : i32
    %while3A_103 = arith.subi %select_n3A_101, %while3A : i32
    %while3A_104 = arith.addi %while3A, %while3A_103 : i32
    %while3A_105 = arith.constant 1 : i32
    %while3A_106 = arith.divsi %while3A_103, %while3A_105 : i32
    %while3A_107 = arith.muli %while3A_106, %while3A_105 : i32
    %while3A_108 = arith.addi %while3A, %while3A_107 : i32
    %while3A_109 = arith.constant 1 : i32
    %while3A_110 = scf.for %while3A_113 = %while3A to %while3A_108 step %while3A_109 iter_args(%while3A_114 = %while3A_102) -> (i32)  : i32 {
      %mul3A_115 = arith.constant 2 : i32
      %mul3A_116 = arith.muli %mul3A_115, %while3A_113 : i32
      %add3A_117 = arith.addi %select_n3A, %mul3A_116 : i32
      %add3A_118 = arith.constant 0 : i32
      %add3A_119 = arith.addi %add3A_117, %add3A_118 : i32
      %add3A_120 = arith.constant 1 : i32
      %add3A_121 = arith.addi %add3A_119, %add3A_120 : i32
      %lt3A_122 = arith.cmpi slt, %add3A_121, %select_n3A_60 : i32
      %convert_element_type3A_123 = arith.extui %lt3A_122 : i1 to i32
      %cond3A_124 = arith.constant 0 : i32
      %cond3A_125 = arith.cmpi ne, %convert_element_type3A_123, %cond3A_124 : i32
      scf.if %cond3A_125 {
        %dma_wait3A = arith.constant 1 : i32
        %dma_wait3A_216 = arith.constant 0 : i32
        %dma_wait3A_217 = arith.constant 0 : i32
        %dma_wait3A_218 = tpu.memref_slice %arg8[%dma_wait3A, %dma_wait3A_216, %dma_wait3A_217] : memref<2x4x128xi32, #tpu.memory_space<vmem>> -> memref<1x1x128xi32, #tpu.memory_space<vmem>>
        %dma_wait3A_219 = tpu.memref_squeeze %dma_wait3A_218 : memref<1x1x128xi32, #tpu.memory_space<vmem>> -> memref<128xi32, #tpu.memory_space<vmem>>
        %dma_wait3A_220 = arith.constant 0 : i32
        %dma_wait3A_221 = tpu.memref_slice %arg2[%dma_wait3A_220] : memref<204800xi32, #tpu.memory_space<hbm>> -> memref<128xi32, #tpu.memory_space<hbm>>
        %dma_wait3A_222 = arith.constant 0 : i32
        %dma_wait3A_223 = tpu.memref_slice %arg8[%dma_wait3A, %dma_wait3A_216, %dma_wait3A_222] : memref<2x4x128xi32, #tpu.memory_space<vmem>> -> memref<1x1x128xi32, #tpu.memory_space<vmem>>
        %dma_wait3A_224 = tpu.memref_squeeze %dma_wait3A_223 : memref<1x1x128xi32, #tpu.memory_space<vmem>> -> memref<128xi32, #tpu.memory_space<vmem>>
        %dma_wait3A_225 = arith.constant 0 : i32
        %dma_wait3A_226 = tpu.memref_slice %arg2[%dma_wait3A_225] : memref<204800xi32, #tpu.memory_space<hbm>> -> memref<128xi32, #tpu.memory_space<hbm>>
        tpu.wait_dma2 semaphore(%arg13 : memref<!tpu.dma_semaphore, #tpu.memory_space<semaphore_mem>>) src(%dma_wait3A_226 : memref<128xi32, #tpu.memory_space<hbm>>) dst(%dma_wait3A_224 : memref<128xi32, #tpu.memory_space<vmem>>)
        %dma_wait3A_227 = arith.constant 1 : i32
        %dma_wait3A_228 = arith.constant 1 : i32
        %dma_wait3A_229 = arith.constant 0 : i32
        %dma_wait3A_230 = tpu.memref_slice %arg8[%dma_wait3A_227, %dma_wait3A_228, %dma_wait3A_229] : memref<2x4x128xi32, #tpu.memory_space<vmem>> -> memref<1x1x128xi32, #tpu.memory_space<vmem>>
        %dma_wait3A_231 = tpu.memref_squeeze %dma_wait3A_230 : memref<1x1x128xi32, #tpu.memory_space<vmem>> -> memref<128xi32, #tpu.memory_space<vmem>>
        %dma_wait3A_232 = arith.constant 128 : i32
        %dma_wait3A_233 = tpu.memref_slice %arg2[%dma_wait3A_232] : memref<204800xi32, #tpu.memory_space<hbm>> -> memref<128xi32, #tpu.memory_space<hbm>>
        %dma_wait3A_234 = arith.constant 0 : i32
        %dma_wait3A_235 = tpu.memref_slice %arg8[%dma_wait3A_227, %dma_wait3A_228, %dma_wait3A_234] : memref<2x4x128xi32, #tpu.memory_space<vmem>> -> memref<1x1x128xi32, #tpu.memory_space<vmem>>
        %dma_wait3A_236 = tpu.memref_squeeze %dma_wait3A_235 : memref<1x1x128xi32, #tpu.memory_space<vmem>> -> memref<128xi32, #tpu.memory_space<vmem>>
        %dma_wait3A_237 = arith.constant 128 : i32
        %dma_wait3A_238 = tpu.memref_slice %arg2[%dma_wait3A_237] : memref<204800xi32, #tpu.memory_space<hbm>> -> memref<128xi32, #tpu.memory_space<hbm>>
        tpu.wait_dma2 semaphore(%arg13 : memref<!tpu.dma_semaphore, #tpu.memory_space<semaphore_mem>>) src(%dma_wait3A_238 : memref<128xi32, #tpu.memory_space<hbm>>) dst(%dma_wait3A_236 : memref<128xi32, #tpu.memory_space<vmem>>)
        %dma_wait3A_239 = arith.constant 1 : i32
        %dma_wait3A_240 = arith.constant 2 : i32
        %dma_wait3A_241 = arith.constant 0 : i32
        %dma_wait3A_242 = tpu.memref_slice %arg8[%dma_wait3A_239, %dma_wait3A_240, %dma_wait3A_241] : memref<2x4x128xi32, #tpu.memory_space<vmem>> -> memref<1x1x128xi32, #tpu.memory_space<vmem>>
        %dma_wait3A_243 = tpu.memref_squeeze %dma_wait3A_242 : memref<1x1x128xi32, #tpu.memory_space<vmem>> -> memref<128xi32, #tpu.memory_space<vmem>>
        %dma_wait3A_244 = arith.constant 256 : i32
        %dma_wait3A_245 = tpu.memref_slice %arg2[%dma_wait3A_244] : memref<204800xi32, #tpu.memory_space<hbm>> -> memref<128xi32, #tpu.memory_space<hbm>>
        %dma_wait3A_246 = arith.constant 0 : i32
        %dma_wait3A_247 = tpu.memref_slice %arg8[%dma_wait3A_239, %dma_wait3A_240, %dma_wait3A_246] : memref<2x4x128xi32, #tpu.memory_space<vmem>> -> memref<1x1x128xi32, #tpu.memory_space<vmem>>
        %dma_wait3A_248 = tpu.memref_squeeze %dma_wait3A_247 : memref<1x1x128xi32, #tpu.memory_space<vmem>> -> memref<128xi32, #tpu.memory_space<vmem>>
        %dma_wait3A_249 = arith.constant 256 : i32
        %dma_wait3A_250 = tpu.memref_slice %arg2[%dma_wait3A_249] : memref<204800xi32, #tpu.memory_space<hbm>> -> memref<128xi32, #tpu.memory_space<hbm>>
        tpu.wait_dma2 semaphore(%arg13 : memref<!tpu.dma_semaphore, #tpu.memory_space<semaphore_mem>>) src(%dma_wait3A_250 : memref<128xi32, #tpu.memory_space<hbm>>) dst(%dma_wait3A_248 : memref<128xi32, #tpu.memory_space<vmem>>)
        %dma_wait3A_251 = arith.constant 1 : i32
        %dma_wait3A_252 = arith.constant 3 : i32
        %dma_wait3A_253 = arith.constant 0 : i32
        %dma_wait3A_254 = tpu.memref_slice %arg8[%dma_wait3A_251, %dma_wait3A_252, %dma_wait3A_253] : memref<2x4x128xi32, #tpu.memory_space<vmem>> -> memref<1x1x128xi32, #tpu.memory_space<vmem>>
        %dma_wait3A_255 = tpu.memref_squeeze %dma_wait3A_254 : memref<1x1x128xi32, #tpu.memory_space<vmem>> -> memref<128xi32, #tpu.memory_space<vmem>>
        %dma_wait3A_256 = arith.constant 384 : i32
        %dma_wait3A_257 = tpu.memref_slice %arg2[%dma_wait3A_256] : memref<204800xi32, #tpu.memory_space<hbm>> -> memref<128xi32, #tpu.memory_space<hbm>>
        %dma_wait3A_258 = arith.constant 0 : i32
        %dma_wait3A_259 = tpu.memref_slice %arg8[%dma_wait3A_251, %dma_wait3A_252, %dma_wait3A_258] : memref<2x4x128xi32, #tpu.memory_space<vmem>> -> memref<1x1x128xi32, #tpu.memory_space<vmem>>
        %dma_wait3A_260 = tpu.memref_squeeze %dma_wait3A_259 : memref<1x1x128xi32, #tpu.memory_space<vmem>> -> memref<128xi32, #tpu.memory_space<vmem>>
        %dma_wait3A_261 = arith.constant 384 : i32
        %dma_wait3A_262 = tpu.memref_slice %arg2[%dma_wait3A_261] : memref<204800xi32, #tpu.memory_space<hbm>> -> memref<128xi32, #tpu.memory_space<hbm>>
        tpu.wait_dma2 semaphore(%arg13 : memref<!tpu.dma_semaphore, #tpu.memory_space<semaphore_mem>>) src(%dma_wait3A_262 : memref<128xi32, #tpu.memory_space<hbm>>) dst(%dma_wait3A_260 : memref<128xi32, #tpu.memory_space<vmem>>)
        %dma_wait3A_263 = arith.constant 1 : i32
        %dma_wait3A_264 = arith.constant 0 : i32
        %dma_wait3A_265 = tpu.memref_slice %arg9[%dma_wait3A_263, %dma_wait3A_264] : memref<2x528xf32, #tpu.memory_space<vmem>> -> memref<1x512xf32, #tpu.memory_space<vmem>>
        %dma_wait3A_266 = tpu.memref_squeeze %dma_wait3A_265 : memref<1x512xf32, #tpu.memory_space<vmem>> -> memref<512xf32, #tpu.memory_space<vmem>>
        %dma_wait3A_267 = arith.constant 0 : i32
        %dma_wait3A_268 = tpu.memref_slice %arg4[%dma_wait3A_267] : memref<204800xf32, #tpu.memory_space<hbm>> -> memref<512xf32, #tpu.memory_space<hbm>>
        %dma_wait3A_269 = arith.constant 0 : i32
        %dma_wait3A_270 = tpu.memref_slice %arg9[%dma_wait3A_263, %dma_wait3A_269] : memref<2x528xf32, #tpu.memory_space<vmem>> -> memref<1x512xf32, #tpu.memory_space<vmem>>
        %dma_wait3A_271 = tpu.memref_squeeze %dma_wait3A_270 : memref<1x512xf32, #tpu.memory_space<vmem>> -> memref<512xf32, #tpu.memory_space<vmem>>
        %dma_wait3A_272 = arith.constant 0 : i32
        %dma_wait3A_273 = tpu.memref_slice %arg4[%dma_wait3A_272] : memref<204800xf32, #tpu.memory_space<hbm>> -> memref<512xf32, #tpu.memory_space<hbm>>
        tpu.wait_dma2 semaphore(%arg13 : memref<!tpu.dma_semaphore, #tpu.memory_space<semaphore_mem>>) src(%dma_wait3A_273 : memref<512xf32, #tpu.memory_space<hbm>>) dst(%dma_wait3A_271 : memref<512xf32, #tpu.memory_space<vmem>>)
        %dma_start3A = arith.constant 1 : i32
        %dma_start3A_274 = arith.constant 0 : i32
        %dma_start3A_275 = arith.constant 1 : i32
        %dma_start3A_276 = arith.constant 0 : i32
        %dma_start3A_277 = arith.constant 0 : i32
        %dma_start3A_278 = tpu.memref_slice %arg10[%dma_start3A_275, %dma_start3A_276, %dma_start3A_277] : memref<2x512x64xf32, #tpu.memory_space<vmem>> -> memref<1x128x64xf32, #tpu.memory_space<vmem>>
        %dma_start3A_279 = tpu.memref_squeeze %dma_start3A_278 : memref<1x128x64xf32, #tpu.memory_space<vmem>> -> memref<128x64xf32, #tpu.memory_space<vmem>>
        %dma_start3A_280 = arith.constant 0 : i32
        %dma_start3A_281 = tpu.memref_slice %arg8[%dma_start3A, %dma_start3A_274, %dma_start3A_280] : memref<2x4x128xi32, #tpu.memory_space<vmem>> -> memref<1x1x128xi32, #tpu.memory_space<vmem>>
        %dma_start3A_282 = tpu.memref_squeeze %dma_start3A_281 : memref<1x1x128xi32, #tpu.memory_space<vmem>> -> memref<128xi32, #tpu.memory_space<vmem>>
        %dma_start3A_283 = arith.constant 0 : i32
        %dma_start3A_284 = arith.constant 0 : i32
        %dma_start3A_285 = tpu.memref_slice %arg5[%dma_start3A_283, %dma_start3A_284] : memref<100000x64xf32, #tpu.memory_space<hbm>> -> memref<100000x64xf32, #tpu.memory_space<hbm>>
        tpu.enqueue_indirect_dma source(%dma_start3A_285 : memref<100000x64xf32, #tpu.memory_space<hbm>>) target(%dma_start3A_279 : memref<128x64xf32, #tpu.memory_space<vmem>>) offsets(%dma_start3A_282 : memref<128xi32, #tpu.memory_space<vmem>>) semaphore(%arg15 : memref<!tpu.dma_semaphore, #tpu.memory_space<semaphore_mem>>)
        %dma_start3A_286 = arith.constant 1 : i32
        %dma_start3A_287 = arith.constant 1 : i32
        %dma_start3A_288 = arith.constant 1 : i32
        %dma_start3A_289 = arith.constant 128 : i32
        %dma_start3A_290 = arith.constant 0 : i32
        %dma_start3A_291 = tpu.memref_slice %arg10[%dma_start3A_288, %dma_start3A_289, %dma_start3A_290] : memref<2x512x64xf32, #tpu.memory_space<vmem>> -> memref<1x128x64xf32, #tpu.memory_space<vmem>>
        %dma_start3A_292 = tpu.memref_squeeze %dma_start3A_291 : memref<1x128x64xf32, #tpu.memory_space<vmem>> -> memref<128x64xf32, #tpu.memory_space<vmem>>
        %dma_start3A_293 = arith.constant 0 : i32
        %dma_start3A_294 = tpu.memref_slice %arg8[%dma_start3A_286, %dma_start3A_287, %dma_start3A_293] : memref<2x4x128xi32, #tpu.memory_space<vmem>> -> memref<1x1x128xi32, #tpu.memory_space<vmem>>
        %dma_start3A_295 = tpu.memref_squeeze %dma_start3A_294 : memref<1x1x128xi32, #tpu.memory_space<vmem>> -> memref<128xi32, #tpu.memory_space<vmem>>
        %dma_start3A_296 = arith.constant 0 : i32
        %dma_start3A_297 = arith.constant 0 : i32
        %dma_start3A_298 = tpu.memref_slice %arg5[%dma_start3A_296, %dma_start3A_297] : memref<100000x64xf32, #tpu.memory_space<hbm>> -> memref<100000x64xf32, #tpu.memory_space<hbm>>
        tpu.enqueue_indirect_dma source(%dma_start3A_298 : memref<100000x64xf32, #tpu.memory_space<hbm>>) target(%dma_start3A_292 : memref<128x64xf32, #tpu.memory_space<vmem>>) offsets(%dma_start3A_295 : memref<128xi32, #tpu.memory_space<vmem>>) semaphore(%arg15 : memref<!tpu.dma_semaphore, #tpu.memory_space<semaphore_mem>>)
        %dma_start3A_299 = arith.constant 1 : i32
        %dma_start3A_300 = arith.constant 2 : i32
        %dma_start3A_301 = arith.constant 1 : i32
        %dma_start3A_302 = arith.constant 256 : i32
        %dma_start3A_303 = arith.constant 0 : i32
        %dma_start3A_304 = tpu.memref_slice %arg10[%dma_start3A_301, %dma_start3A_302, %dma_start3A_303] : memref<2x512x64xf32, #tpu.memory_space<vmem>> -> memref<1x128x64xf32, #tpu.memory_space<vmem>>
        %dma_start3A_305 = tpu.memref_squeeze %dma_start3A_304 : memref<1x128x64xf32, #tpu.memory_space<vmem>> -> memref<128x64xf32, #tpu.memory_space<vmem>>
        %dma_start3A_306 = arith.constant 0 : i32
        %dma_start3A_307 = tpu.memref_slice %arg8[%dma_start3A_299, %dma_start3A_300, %dma_start3A_306] : memref<2x4x128xi32, #tpu.memory_space<vmem>> -> memref<1x1x128xi32, #tpu.memory_space<vmem>>
        %dma_start3A_308 = tpu.memref_squeeze %dma_start3A_307 : memref<1x1x128xi32, #tpu.memory_space<vmem>> -> memref<128xi32, #tpu.memory_space<vmem>>
        %dma_start3A_309 = arith.constant 0 : i32
        %dma_start3A_310 = arith.constant 0 : i32
        %dma_start3A_311 = tpu.memref_slice %arg5[%dma_start3A_309, %dma_start3A_310] : memref<100000x64xf32, #tpu.memory_space<hbm>> -> memref<100000x64xf32, #tpu.memory_space<hbm>>
        tpu.enqueue_indirect_dma source(%dma_start3A_311 : memref<100000x64xf32, #tpu.memory_space<hbm>>) target(%dma_start3A_305 : memref<128x64xf32, #tpu.memory_space<vmem>>) offsets(%dma_start3A_308 : memref<128xi32, #tpu.memory_space<vmem>>) semaphore(%arg15 : memref<!tpu.dma_semaphore, #tpu.memory_space<semaphore_mem>>)
        %dma_start3A_312 = arith.constant 1 : i32
        %dma_start3A_313 = arith.constant 3 : i32
        %dma_start3A_314 = arith.constant 1 : i32
        %dma_start3A_315 = arith.constant 384 : i32
        %dma_start3A_316 = arith.constant 0 : i32
        %dma_start3A_317 = tpu.memref_slice %arg10[%dma_start3A_314, %dma_start3A_315, %dma_start3A_316] : memref<2x512x64xf32, #tpu.memory_space<vmem>> -> memref<1x128x64xf32, #tpu.memory_space<vmem>>
        %dma_start3A_318 = tpu.memref_squeeze %dma_start3A_317 : memref<1x128x64xf32, #tpu.memory_space<vmem>> -> memref<128x64xf32, #tpu.memory_space<vmem>>
        %dma_start3A_319 = arith.constant 0 : i32
        %dma_start3A_320 = tpu.memref_slice %arg8[%dma_start3A_312, %dma_start3A_313, %dma_start3A_319] : memref<2x4x128xi32, #tpu.memory_space<vmem>> -> memref<1x1x128xi32, #tpu.memory_space<vmem>>
        %dma_start3A_321 = tpu.memref_squeeze %dma_start3A_320 : memref<1x1x128xi32, #tpu.memory_space<vmem>> -> memref<128xi32, #tpu.memory_space<vmem>>
        %dma_start3A_322 = arith.constant 0 : i32
        %dma_start3A_323 = arith.constant 0 : i32
        %dma_start3A_324 = tpu.memref_slice %arg5[%dma_start3A_322, %dma_start3A_323] : memref<100000x64xf32, #tpu.memory_space<hbm>> -> memref<100000x64xf32, #tpu.memory_space<hbm>>
        tpu.enqueue_indirect_dma source(%dma_start3A_324 : memref<100000x64xf32, #tpu.memory_space<hbm>>) target(%dma_start3A_318 : memref<128x64xf32, #tpu.memory_space<vmem>>) offsets(%dma_start3A_321 : memref<128xi32, #tpu.memory_space<vmem>>) semaphore(%arg15 : memref<!tpu.dma_semaphore, #tpu.memory_space<semaphore_mem>>)
      } else {
      }
      %lt3A_126 = arith.cmpi slt, %add3A_119, %select_n3A_60 : i32
      %convert_element_type3A_127 = arith.extui %lt3A_126 : i1 to i32
      %cond3A_128 = arith.constant 0 : i32
      %cond3A_129 = arith.cmpi ne, %convert_element_type3A_127, %cond3A_128 : i32
      scf.if %cond3A_129 {
        %dma_wait3A = arith.constant 0 : i32
        %dma_wait3A_216 = arith.constant 0 : i32
        %dma_wait3A_217 = arith.constant 0 : i32
        %dma_wait3A_218 = arith.constant 0 : i32
        %dma_wait3A_219 = arith.constant 0 : i32
        %dma_wait3A_220 = tpu.memref_slice %arg10[%dma_wait3A_217, %dma_wait3A_218, %dma_wait3A_219] : memref<2x512x64xf32, #tpu.memory_space<vmem>> -> memref<1x128x64xf32, #tpu.memory_space<vmem>>
        %dma_wait3A_221 = tpu.memref_squeeze %dma_wait3A_220 : memref<1x128x64xf32, #tpu.memory_space<vmem>> -> memref<128x64xf32, #tpu.memory_space<vmem>>
        %dma_wait3A_222 = arith.constant 0 : i32
        %dma_wait3A_223 = tpu.memref_slice %arg8[%dma_wait3A, %dma_wait3A_216, %dma_wait3A_222] : memref<2x4x128xi32, #tpu.memory_space<vmem>> -> memref<1x1x128xi32, #tpu.memory_space<vmem>>
        %dma_wait3A_224 = tpu.memref_squeeze %dma_wait3A_223 : memref<1x1x128xi32, #tpu.memory_space<vmem>> -> memref<128xi32, #tpu.memory_space<vmem>>
        %dma_wait3A_225 = arith.constant 0 : i32
        %dma_wait3A_226 = arith.constant 0 : i32
        %dma_wait3A_227 = tpu.memref_slice %arg5[%dma_wait3A_225, %dma_wait3A_226] : memref<100000x64xf32, #tpu.memory_space<hbm>> -> memref<100000x64xf32, #tpu.memory_space<hbm>>
        tpu.wait_indirect_dma semaphore(%arg14 : memref<!tpu.dma_semaphore, #tpu.memory_space<semaphore_mem>>) src(%dma_wait3A_227 : memref<100000x64xf32, #tpu.memory_space<hbm>>) dst(%dma_wait3A_221 : memref<128x64xf32, #tpu.memory_space<vmem>>)
        %dma_wait3A_228 = arith.constant 0 : i32
        %dma_wait3A_229 = arith.constant 1 : i32
        %dma_wait3A_230 = arith.constant 0 : i32
        %dma_wait3A_231 = arith.constant 128 : i32
        %dma_wait3A_232 = arith.constant 0 : i32
        %dma_wait3A_233 = tpu.memref_slice %arg10[%dma_wait3A_230, %dma_wait3A_231, %dma_wait3A_232] : memref<2x512x64xf32, #tpu.memory_space<vmem>> -> memref<1x128x64xf32, #tpu.memory_space<vmem>>
        %dma_wait3A_234 = tpu.memref_squeeze %dma_wait3A_233 : memref<1x128x64xf32, #tpu.memory_space<vmem>> -> memref<128x64xf32, #tpu.memory_space<vmem>>
        %dma_wait3A_235 = arith.constant 0 : i32
        %dma_wait3A_236 = tpu.memref_slice %arg8[%dma_wait3A_228, %dma_wait3A_229, %dma_wait3A_235] : memref<2x4x128xi32, #tpu.memory_space<vmem>> -> memref<1x1x128xi32, #tpu.memory_space<vmem>>
        %dma_wait3A_237 = tpu.memref_squeeze %dma_wait3A_236 : memref<1x1x128xi32, #tpu.memory_space<vmem>> -> memref<128xi32, #tpu.memory_space<vmem>>
        %dma_wait3A_238 = arith.constant 0 : i32
        %dma_wait3A_239 = arith.constant 0 : i32
        %dma_wait3A_240 = tpu.memref_slice %arg5[%dma_wait3A_238, %dma_wait3A_239] : memref<100000x64xf32, #tpu.memory_space<hbm>> -> memref<100000x64xf32, #tpu.memory_space<hbm>>
        tpu.wait_indirect_dma semaphore(%arg14 : memref<!tpu.dma_semaphore, #tpu.memory_space<semaphore_mem>>) src(%dma_wait3A_240 : memref<100000x64xf32, #tpu.memory_space<hbm>>) dst(%dma_wait3A_234 : memref<128x64xf32, #tpu.memory_space<vmem>>)
        %dma_wait3A_241 = arith.constant 0 : i32
        %dma_wait3A_242 = arith.constant 2 : i32
        %dma_wait3A_243 = arith.constant 0 : i32
        %dma_wait3A_244 = arith.constant 256 : i32
        %dma_wait3A_245 = arith.constant 0 : i32
        %dma_wait3A_246 = tpu.memref_slice %arg10[%dma_wait3A_243, %dma_wait3A_244, %dma_wait3A_245] : memref<2x512x64xf32, #tpu.memory_space<vmem>> -> memref<1x128x64xf32, #tpu.memory_space<vmem>>
        %dma_wait3A_247 = tpu.memref_squeeze %dma_wait3A_246 : memref<1x128x64xf32, #tpu.memory_space<vmem>> -> memref<128x64xf32, #tpu.memory_space<vmem>>
        %dma_wait3A_248 = arith.constant 0 : i32
        %dma_wait3A_249 = tpu.memref_slice %arg8[%dma_wait3A_241, %dma_wait3A_242, %dma_wait3A_248] : memref<2x4x128xi32, #tpu.memory_space<vmem>> -> memref<1x1x128xi32, #tpu.memory_space<vmem>>
        %dma_wait3A_250 = tpu.memref_squeeze %dma_wait3A_249 : memref<1x1x128xi32, #tpu.memory_space<vmem>> -> memref<128xi32, #tpu.memory_space<vmem>>
        %dma_wait3A_251 = arith.constant 0 : i32
        %dma_wait3A_252 = arith.constant 0 : i32
        %dma_wait3A_253 = tpu.memref_slice %arg5[%dma_wait3A_251, %dma_wait3A_252] : memref<100000x64xf32, #tpu.memory_space<hbm>> -> memref<100000x64xf32, #tpu.memory_space<hbm>>
        tpu.wait_indirect_dma semaphore(%arg14 : memref<!tpu.dma_semaphore, #tpu.memory_space<semaphore_mem>>) src(%dma_wait3A_253 : memref<100000x64xf32, #tpu.memory_space<hbm>>) dst(%dma_wait3A_247 : memref<128x64xf32, #tpu.memory_space<vmem>>)
        %dma_wait3A_254 = arith.constant 0 : i32
        %dma_wait3A_255 = arith.constant 3 : i32
        %dma_wait3A_256 = arith.constant 0 : i32
        %dma_wait3A_257 = arith.constant 384 : i32
        %dma_wait3A_258 = arith.constant 0 : i32
        %dma_wait3A_259 = tpu.memref_slice %arg10[%dma_wait3A_256, %dma_wait3A_257, %dma_wait3A_258] : memref<2x512x64xf32, #tpu.memory_space<vmem>> -> memref<1x128x64xf32, #tpu.memory_space<vmem>>
        %dma_wait3A_260 = tpu.memref_squeeze %dma_wait3A_259 : memref<1x128x64xf32, #tpu.memory_space<vmem>> -> memref<128x64xf32, #tpu.memory_space<vmem>>
        %dma_wait3A_261 = arith.constant 0 : i32
        %dma_wait3A_262 = tpu.memref_slice %arg8[%dma_wait3A_254, %dma_wait3A_255, %dma_wait3A_261] : memref<2x4x128xi32, #tpu.memory_space<vmem>> -> memref<1x1x128xi32, #tpu.memory_space<vmem>>
        %dma_wait3A_263 = tpu.memref_squeeze %dma_wait3A_262 : memref<1x1x128xi32, #tpu.memory_space<vmem>> -> memref<128xi32, #tpu.memory_space<vmem>>
        %dma_wait3A_264 = arith.constant 0 : i32
        %dma_wait3A_265 = arith.constant 0 : i32
        %dma_wait3A_266 = tpu.memref_slice %arg5[%dma_wait3A_264, %dma_wait3A_265] : memref<100000x64xf32, #tpu.memory_space<hbm>> -> memref<100000x64xf32, #tpu.memory_space<hbm>>
        tpu.wait_indirect_dma semaphore(%arg14 : memref<!tpu.dma_semaphore, #tpu.memory_space<semaphore_mem>>) src(%dma_wait3A_266 : memref<100000x64xf32, #tpu.memory_space<hbm>>) dst(%dma_wait3A_260 : memref<128x64xf32, #tpu.memory_space<vmem>>)
      } else {
      }
      %mul3A_130 = arith.constant 512 : i32
      %mul3A_131 = arith.muli %add3A_119, %mul3A_130 : i32
      %add3A_132 = arith.constant 512 : i32
      %add3A_133 = arith.addi %mul3A_131, %add3A_132 : i32
      %min3A = arith.minsi %squeeze3A_18, %add3A_133 : i32
      %scan3A_134 = arith.constant 0 : i32
      %scan3A_135 = arith.constant 0 : i32
      %scan3A_136 = arith.constant 8 : i32
      %scan3A_137 = arith.addi %scan3A_135, %scan3A_136 : i32
      %scan3A_138 = arith.constant 1 : i32
      %scan3A_139 = scf.for %scan3A_216 = %scan3A_135 to %scan3A_137 step %scan3A_138 iter_args(%scan3A_217 = %scan3A_134) -> (i32)  : i32 {
        %mul3A_218 = arith.constant 16 : i32
        %mul3A_219 = arith.muli %mul3A_218, %scan3A_216 : i32
        %get3A_220 = arith.index_cast %mul3A_219 : i32 to index
        %get3A_221 = tpu.vector_load %arg7[%get3A_220] {strides = array<i32>} : memref<144xi32, #tpu.memory_space<vmem>>, vector<16xi32>,
        %sub3A_222 = vector.broadcast %min3A : i32 to vector<16xi32>
        %sub3A_223 = arith.subi %sub3A_222, %get3A_221 : vector<16xi32>
        %max3A_224 = arith.constant 0 : i32
        %max3A_225 = vector.broadcast %max3A_224 : i32 to vector<16xi32>
        %max3A_226 = arith.maxsi %sub3A_223, %max3A_225 : vector<16xi32>
        %min3A_227 = arith.constant 1 : i32
        %min3A_228 = vector.broadcast %min3A_227 : i32 to vector<16xi32>
        %min3A_229 = arith.minsi %max3A_226, %min3A_228 : vector<16xi32>
        %reduce_sum3A = arith.constant true
        %reduce_sum3A_230 = vector.broadcast %reduce_sum3A : i1 to vector<16xi1>
        %reduce_sum3A_231 = tpu.scan <sum>, %min3A_229 masked %reduce_sum3A_230 : vector<16xi32>, vector<16xi1> -> vector<16xi32>
        %reduce_sum3A_232 = vector.extract %reduce_sum3A_231[15] : i32 from vector<16xi32>
        %add3A_233 = arith.addi %scan3A_217, %reduce_sum3A_232 : i32
        scf.yield %add3A_233 : i32
      }
      %scan3A_140 = arith.constant 8 : i32
      %while3A_141 = arith.constant 0 : i32
      %while3A_142 = arith.subi %scan3A_139, %while3A_114 : i32
      %while3A_143 = arith.addi %while3A_114, %while3A_142 : i32
      %while3A_144 = arith.constant 1 : i32
      %while3A_145 = arith.divsi %while3A_142, %while3A_144 : i32
      %while3A_146 = arith.muli %while3A_145, %while3A_144 : i32
      %while3A_147 = arith.addi %while3A_114, %while3A_146 : i32
      %while3A_148 = arith.constant 1 : i32
      scf.for %while3A_216 = %while3A_114 to %while3A_147 step %while3A_148  : i32 {
        %get3A_217 = arith.index_cast %while3A_216 : i32 to index
        %get3A_218 = tpu.vector_load %arg7[%get3A_217] {strides = array<i32>} : memref<144xi32, #tpu.memory_space<vmem>>, vector<16xi32>,
        %slice3A_219 = vector.extract_strided_slice %get3A_218 {offsets = [0], sizes = [1], strides = [1]} : vector<16xi32> to vector<1xi32>
        %squeeze3A_220 = vector.extract %slice3A_219[0] : i32 from vector<1xi32>
        %max3A_221 = arith.maxsi %squeeze3A_220, %mul3A_131 : i32
        %slice3A_222 = vector.extract_strided_slice %get3A_218 {offsets = [1], sizes = [1], strides = [1]} : vector<16xi32> to vector<1xi32>
        %squeeze3A_223 = vector.extract %slice3A_222[0] : i32 from vector<1xi32>
        %min3A_224 = arith.minsi %squeeze3A_223, %min3A : i32
        %broadcast_in_dim3A = arith.constant 0.000000e+00 : f32
        %broadcast_in_dim3A_225 = vector.broadcast %broadcast_in_dim3A : f32 to vector<16xf32>
        %broadcast_in_dim3A_226 = arith.constant 0.000000e+00 : f32
        %broadcast_in_dim3A_227 = vector.broadcast %broadcast_in_dim3A_226 : f32 to vector<16xf32>
        %broadcast_in_dim3A_228 = arith.constant 0.000000e+00 : f32
        %broadcast_in_dim3A_229 = vector.broadcast %broadcast_in_dim3A_228 : f32 to vector<16xf32>
        %broadcast_in_dim3A_230 = arith.constant 0.000000e+00 : f32
        %broadcast_in_dim3A_231 = vector.broadcast %broadcast_in_dim3A_230 : f32 to vector<16xf32>
        %while3A_232 = arith.subi %min3A_224, %max3A_221 : i32
        %while3A_233 = arith.addi %max3A_221, %while3A_232 : i32
        %while3A_234 = arith.constant 1 : i32
        %while3A_235 = arith.divsi %while3A_232, %while3A_234 : i32
        %while3A_236 = arith.muli %while3A_235, %while3A_234 : i32
        %while3A_237 = arith.addi %max3A_221, %while3A_236 : i32
        %while3A_238 = arith.constant 1 : i32
        %while3A_239:4 = scf.for %while3A_246 = %max3A_221 to %while3A_237 step %while3A_238 iter_args(%while3A_247 = %broadcast_in_dim3A_225, %while3A_248 = %broadcast_in_dim3A_227, %while3A_249 = %broadcast_in_dim3A_229, %while3A_250 = %broadcast_in_dim3A_231) -> (vector<16xf32>, vector<16xf32>, vector<16xf32>, vector<16xf32>)  : i32 {
          %sub3A_251 = arith.subi %while3A_246, %mul3A_131 : i32
          %get3A_252 = arith.constant 0 : i32
          %get3A_253 = arith.index_cast %get3A_252 : i32 to index
          %get3A_254 = arith.index_cast %sub3A_251 : i32 to index
          %get3A_255 = tpu.vector_load %arg9[%get3A_253, %get3A_254] {strides = array<i32>} : memref<2x528xf32, #tpu.memory_space<vmem>>, vector<16xf32>,
          %slice3A_256 = vector.extract_strided_slice %get3A_255 {offsets = [0], sizes = [1], strides = [1]} : vector<16xf32> to vector<1xf32>
          %squeeze3A_257 = vector.extract %slice3A_256[0] : f32 from vector<1xf32>
          %get3A_258 = arith.constant 0 : i32
          %get3A_259 = arith.index_cast %get3A_258 : i32 to index
          %get3A_260 = arith.index_cast %sub3A_251 : i32 to index
          %get3A_261 = arith.constant 0 : index
          %get3A_262 = tpu.vector_load %arg10[%get3A_259, %get3A_260, %get3A_261] {strides = array<i32>} : memref<2x512x64xf32, #tpu.memory_space<vmem>>, vector<16xf32>,
          %mul3A_263 = vector.broadcast %squeeze3A_257 : f32 to vector<16xf32>
          %mul3A_264 = arith.mulf %mul3A_263, %get3A_262 : vector<16xf32>
          %add3A_265 = arith.addf %while3A_247, %mul3A_264 : vector<16xf32>
          %get3A_266 = arith.constant 0 : i32
          %get3A_267 = arith.index_cast %get3A_266 : i32 to index
          %get3A_268 = arith.index_cast %sub3A_251 : i32 to index
          %get3A_269 = arith.constant 16 : index
          %get3A_270 = tpu.vector_load %arg10[%get3A_267, %get3A_268, %get3A_269] {strides = array<i32>} : memref<2x512x64xf32, #tpu.memory_space<vmem>>, vector<16xf32>,
          %mul3A_271 = vector.broadcast %squeeze3A_257 : f32 to vector<16xf32>
          %mul3A_272 = arith.mulf %mul3A_271, %get3A_270 : vector<16xf32>
          %add3A_273 = arith.addf %while3A_248, %mul3A_272 : vector<16xf32>
          %get3A_274 = arith.constant 0 : i32
          %get3A_275 = arith.index_cast %get3A_274 : i32 to index
          %get3A_276 = arith.index_cast %sub3A_251 : i32 to index
          %get3A_277 = arith.constant 32 : index
          %get3A_278 = tpu.vector_load %arg10[%get3A_275, %get3A_276, %get3A_277] {strides = array<i32>} : memref<2x512x64xf32, #tpu.memory_space<vmem>>, vector<16xf32>,
          %mul3A_279 = vector.broadcast %squeeze3A_257 : f32 to vector<16xf32>
          %mul3A_280 = arith.mulf %mul3A_279, %get3A_278 : vector<16xf32>
          %add3A_281 = arith.addf %while3A_249, %mul3A_280 : vector<16xf32>
          %get3A_282 = arith.constant 0 : i32
          %get3A_283 = arith.index_cast %get3A_282 : i32 to index
          %get3A_284 = arith.index_cast %sub3A_251 : i32 to index
          %get3A_285 = arith.constant 48 : index
          %get3A_286 = tpu.vector_load %arg10[%get3A_283, %get3A_284, %get3A_285] {strides = array<i32>} : memref<2x512x64xf32, #tpu.memory_space<vmem>>, vector<16xf32>,
          %mul3A_287 = vector.broadcast %squeeze3A_257 : f32 to vector<16xf32>
          %mul3A_288 = arith.mulf %mul3A_287, %get3A_286 : vector<16xf32>
          %add3A_289 = arith.addf %while3A_250, %mul3A_288 : vector<16xf32>
          scf.yield %add3A_265, %add3A_273, %add3A_281, %add3A_289 : vector<16xf32>, vector<16xf32>, vector<16xf32>, vector<16xf32>
        }
        %while3A_240 = arith.constant 1 : i32
        %while3A_241:4 = scf.for %while3A_246 = %while3A_237 to %while3A_233 step %while3A_240 iter_args(%while3A_247 = %while3A_239#0, %while3A_248 = %while3A_239#1, %while3A_249 = %while3A_239#2, %while3A_250 = %while3A_239#3) -> (vector<16xf32>, vector<16xf32>, vector<16xf32>, vector<16xf32>)  : i32 {
          %sub3A_251 = arith.subi %while3A_246, %mul3A_131 : i32
          %get3A_252 = arith.constant 0 : i32
          %get3A_253 = arith.index_cast %get3A_252 : i32 to index
          %get3A_254 = arith.index_cast %sub3A_251 : i32 to index
          %get3A_255 = tpu.vector_load %arg9[%get3A_253, %get3A_254] {strides = array<i32>} : memref<2x528xf32, #tpu.memory_space<vmem>>, vector<16xf32>,
          %slice3A_256 = vector.extract_strided_slice %get3A_255 {offsets = [0], sizes = [1], strides = [1]} : vector<16xf32> to vector<1xf32>
          %squeeze3A_257 = vector.extract %slice3A_256[0] : f32 from vector<1xf32>
          %get3A_258 = arith.constant 0 : i32
          %get3A_259 = arith.index_cast %get3A_258 : i32 to index
          %get3A_260 = arith.index_cast %sub3A_251 : i32 to index
          %get3A_261 = arith.constant 0 : index
          %get3A_262 = tpu.vector_load %arg10[%get3A_259, %get3A_260, %get3A_261] {strides = array<i32>} : memref<2x512x64xf32, #tpu.memory_space<vmem>>, vector<16xf32>,
          %mul3A_263 = vector.broadcast %squeeze3A_257 : f32 to vector<16xf32>
          %mul3A_264 = arith.mulf %mul3A_263, %get3A_262 : vector<16xf32>
          %add3A_265 = arith.addf %while3A_247, %mul3A_264 : vector<16xf32>
          %get3A_266 = arith.constant 0 : i32
          %get3A_267 = arith.index_cast %get3A_266 : i32 to index
          %get3A_268 = arith.index_cast %sub3A_251 : i32 to index
          %get3A_269 = arith.constant 16 : index
          %get3A_270 = tpu.vector_load %arg10[%get3A_267, %get3A_268, %get3A_269] {strides = array<i32>} : memref<2x512x64xf32, #tpu.memory_space<vmem>>, vector<16xf32>,
          %mul3A_271 = vector.broadcast %squeeze3A_257 : f32 to vector<16xf32>
          %mul3A_272 = arith.mulf %mul3A_271, %get3A_270 : vector<16xf32>
          %add3A_273 = arith.addf %while3A_248, %mul3A_272 : vector<16xf32>
          %get3A_274 = arith.constant 0 : i32
          %get3A_275 = arith.index_cast %get3A_274 : i32 to index
          %get3A_276 = arith.index_cast %sub3A_251 : i32 to index
          %get3A_277 = arith.constant 32 : index
          %get3A_278 = tpu.vector_load %arg10[%get3A_275, %get3A_276, %get3A_277] {strides = array<i32>} : memref<2x512x64xf32, #tpu.memory_space<vmem>>, vector<16xf32>,
          %mul3A_279 = vector.broadcast %squeeze3A_257 : f32 to vector<16xf32>
          %mul3A_280 = arith.mulf %mul3A_279, %get3A_278 : vector<16xf32>
          %add3A_281 = arith.addf %while3A_249, %mul3A_280 : vector<16xf32>
          %get3A_282 = arith.constant 0 : i32
          %get3A_283 = arith.index_cast %get3A_282 : i32 to index
          %get3A_284 = arith.index_cast %sub3A_251 : i32 to index
          %get3A_285 = arith.constant 48 : index
          %get3A_286 = tpu.vector_load %arg10[%get3A_283, %get3A_284, %get3A_285] {strides = array<i32>} : memref<2x512x64xf32, #tpu.memory_space<vmem>>, vector<16xf32>,
          %mul3A_287 = vector.broadcast %squeeze3A_257 : f32 to vector<16xf32>
          %mul3A_288 = arith.mulf %mul3A_287, %get3A_286 : vector<16xf32>
          %add3A_289 = arith.addf %while3A_250, %mul3A_288 : vector<16xf32>
          scf.yield %add3A_265, %add3A_273, %add3A_281, %add3A_289 : vector<16xf32>, vector<16xf32>, vector<16xf32>, vector<16xf32>
        }
        %gt3A_242 = arith.cmpi sgt, %min3A_224, %max3A_221 : i32
        %convert_element_type3A_243 = arith.extui %gt3A_242 : i1 to i32
        %cond3A_244 = arith.constant 0 : i32
        %cond3A_245 = arith.cmpi ne, %convert_element_type3A_243, %cond3A_244 : i32
        scf.if %cond3A_245 {
          %swap3A = arith.index_cast %while3A_216 : i32 to index
          %swap3A_246 = arith.constant 0 : index
          %swap3A_247 = tpu.vector_load %arg11[%swap3A, %swap3A_246] {strides = array<i32>} : memref<128x64xf32, #tpu.memory_space<vmem>>, vector<16xf32>,
          tpu.vector_store %arg11[%swap3A, %swap3A_246], %while3A_241#0 {add = true, strides = array<i32>} : memref<128x64xf32, #tpu.memory_space<vmem>>, vector<16xf32>,
          %swap3A_248 = arith.index_cast %while3A_216 : i32 to index
          %swap3A_249 = arith.constant 16 : index
          %swap3A_250 = tpu.vector_load %arg11[%swap3A_248, %swap3A_249] {strides = array<i32>} : memref<128x64xf32, #tpu.memory_space<vmem>>, vector<16xf32>,
          tpu.vector_store %arg11[%swap3A_248, %swap3A_249], %while3A_241#1 {add = true, strides = array<i32>} : memref<128x64xf32, #tpu.memory_space<vmem>>, vector<16xf32>,
          %swap3A_251 = arith.index_cast %while3A_216 : i32 to index
          %swap3A_252 = arith.constant 32 : index
          %swap3A_253 = tpu.vector_load %arg11[%swap3A_251, %swap3A_252] {strides = array<i32>} : memref<128x64xf32, #tpu.memory_space<vmem>>, vector<16xf32>,
          tpu.vector_store %arg11[%swap3A_251, %swap3A_252], %while3A_241#2 {add = true, strides = array<i32>} : memref<128x64xf32, #tpu.memory_space<vmem>>, vector<16xf32>,
          %swap3A_254 = arith.index_cast %while3A_216 : i32 to index
          %swap3A_255 = arith.constant 48 : index
          %swap3A_256 = tpu.vector_load %arg11[%swap3A_254, %swap3A_255] {strides = array<i32>} : memref<128x64xf32, #tpu.memory_space<vmem>>, vector<16xf32>,
          tpu.vector_store %arg11[%swap3A_254, %swap3A_255], %while3A_241#3 {add = true, strides = array<i32>} : memref<128x64xf32, #tpu.memory_space<vmem>>, vector<16xf32>,
        } else {
        }
      }
      %while3A_149 = arith.constant 1 : i32
      scf.for %while3A_216 = %while3A_147 to %while3A_143 step %while3A_149  : i32 {
        %get3A_217 = arith.index_cast %while3A_216 : i32 to index
        %get3A_218 = tpu.vector_load %arg7[%get3A_217] {strides = array<i32>} : memref<144xi32, #tpu.memory_space<vmem>>, vector<16xi32>,
        %slice3A_219 = vector.extract_strided_slice %get3A_218 {offsets = [0], sizes = [1], strides = [1]} : vector<16xi32> to vector<1xi32>
        %squeeze3A_220 = vector.extract %slice3A_219[0] : i32 from vector<1xi32>
        %max3A_221 = arith.maxsi %squeeze3A_220, %mul3A_131 : i32
        %slice3A_222 = vector.extract_strided_slice %get3A_218 {offsets = [1], sizes = [1], strides = [1]} : vector<16xi32> to vector<1xi32>
        %squeeze3A_223 = vector.extract %slice3A_222[0] : i32 from vector<1xi32>
        %min3A_224 = arith.minsi %squeeze3A_223, %min3A : i32
        %broadcast_in_dim3A = arith.constant 0.000000e+00 : f32
        %broadcast_in_dim3A_225 = vector.broadcast %broadcast_in_dim3A : f32 to vector<16xf32>
        %broadcast_in_dim3A_226 = arith.constant 0.000000e+00 : f32
        %broadcast_in_dim3A_227 = vector.broadcast %broadcast_in_dim3A_226 : f32 to vector<16xf32>
        %broadcast_in_dim3A_228 = arith.constant 0.000000e+00 : f32
        %broadcast_in_dim3A_229 = vector.broadcast %broadcast_in_dim3A_228 : f32 to vector<16xf32>
        %broadcast_in_dim3A_230 = arith.constant 0.000000e+00 : f32
        %broadcast_in_dim3A_231 = vector.broadcast %broadcast_in_dim3A_230 : f32 to vector<16xf32>
        %while3A_232 = arith.subi %min3A_224, %max3A_221 : i32
        %while3A_233 = arith.addi %max3A_221, %while3A_232 : i32
        %while3A_234 = arith.constant 1 : i32
        %while3A_235 = arith.divsi %while3A_232, %while3A_234 : i32
        %while3A_236 = arith.muli %while3A_235, %while3A_234 : i32
        %while3A_237 = arith.addi %max3A_221, %while3A_236 : i32
        %while3A_238 = arith.constant 1 : i32
        %while3A_239:4 = scf.for %while3A_246 = %max3A_221 to %while3A_237 step %while3A_238 iter_args(%while3A_247 = %broadcast_in_dim3A_225, %while3A_248 = %broadcast_in_dim3A_227, %while3A_249 = %broadcast_in_dim3A_229, %while3A_250 = %broadcast_in_dim3A_231) -> (vector<16xf32>, vector<16xf32>, vector<16xf32>, vector<16xf32>)  : i32 {
          %sub3A_251 = arith.subi %while3A_246, %mul3A_131 : i32
          %get3A_252 = arith.constant 0 : i32
          %get3A_253 = arith.index_cast %get3A_252 : i32 to index
          %get3A_254 = arith.index_cast %sub3A_251 : i32 to index
          %get3A_255 = tpu.vector_load %arg9[%get3A_253, %get3A_254] {strides = array<i32>} : memref<2x528xf32, #tpu.memory_space<vmem>>, vector<16xf32>,
          %slice3A_256 = vector.extract_strided_slice %get3A_255 {offsets = [0], sizes = [1], strides = [1]} : vector<16xf32> to vector<1xf32>
          %squeeze3A_257 = vector.extract %slice3A_256[0] : f32 from vector<1xf32>
          %get3A_258 = arith.constant 0 : i32
          %get3A_259 = arith.index_cast %get3A_258 : i32 to index
          %get3A_260 = arith.index_cast %sub3A_251 : i32 to index
          %get3A_261 = arith.constant 0 : index
          %get3A_262 = tpu.vector_load %arg10[%get3A_259, %get3A_260, %get3A_261] {strides = array<i32>} : memref<2x512x64xf32, #tpu.memory_space<vmem>>, vector<16xf32>,
          %mul3A_263 = vector.broadcast %squeeze3A_257 : f32 to vector<16xf32>
          %mul3A_264 = arith.mulf %mul3A_263, %get3A_262 : vector<16xf32>
          %add3A_265 = arith.addf %while3A_247, %mul3A_264 : vector<16xf32>
          %get3A_266 = arith.constant 0 : i32
          %get3A_267 = arith.index_cast %get3A_266 : i32 to index
          %get3A_268 = arith.index_cast %sub3A_251 : i32 to index
          %get3A_269 = arith.constant 16 : index
          %get3A_270 = tpu.vector_load %arg10[%get3A_267, %get3A_268, %get3A_269] {strides = array<i32>} : memref<2x512x64xf32, #tpu.memory_space<vmem>>, vector<16xf32>,
          %mul3A_271 = vector.broadcast %squeeze3A_257 : f32 to vector<16xf32>
          %mul3A_272 = arith.mulf %mul3A_271, %get3A_270 : vector<16xf32>
          %add3A_273 = arith.addf %while3A_248, %mul3A_272 : vector<16xf32>
          %get3A_274 = arith.constant 0 : i32
          %get3A_275 = arith.index_cast %get3A_274 : i32 to index
          %get3A_276 = arith.index_cast %sub3A_251 : i32 to index
          %get3A_277 = arith.constant 32 : index
          %get3A_278 = tpu.vector_load %arg10[%get3A_275, %get3A_276, %get3A_277] {strides = array<i32>} : memref<2x512x64xf32, #tpu.memory_space<vmem>>, vector<16xf32>,
          %mul3A_279 = vector.broadcast %squeeze3A_257 : f32 to vector<16xf32>
          %mul3A_280 = arith.mulf %mul3A_279, %get3A_278 : vector<16xf32>
          %add3A_281 = arith.addf %while3A_249, %mul3A_280 : vector<16xf32>
          %get3A_282 = arith.constant 0 : i32
          %get3A_283 = arith.index_cast %get3A_282 : i32 to index
          %get3A_284 = arith.index_cast %sub3A_251 : i32 to index
          %get3A_285 = arith.constant 48 : index
          %get3A_286 = tpu.vector_load %arg10[%get3A_283, %get3A_284, %get3A_285] {strides = array<i32>} : memref<2x512x64xf32, #tpu.memory_space<vmem>>, vector<16xf32>,
          %mul3A_287 = vector.broadcast %squeeze3A_257 : f32 to vector<16xf32>
          %mul3A_288 = arith.mulf %mul3A_287, %get3A_286 : vector<16xf32>
          %add3A_289 = arith.addf %while3A_250, %mul3A_288 : vector<16xf32>
          scf.yield %add3A_265, %add3A_273, %add3A_281, %add3A_289 : vector<16xf32>, vector<16xf32>, vector<16xf32>, vector<16xf32>
        }
        %while3A_240 = arith.constant 1 : i32
        %while3A_241:4 = scf.for %while3A_246 = %while3A_237 to %while3A_233 step %while3A_240 iter_args(%while3A_247 = %while3A_239#0, %while3A_248 = %while3A_239#1, %while3A_249 = %while3A_239#2, %while3A_250 = %while3A_239#3) -> (vector<16xf32>, vector<16xf32>, vector<16xf32>, vector<16xf32>)  : i32 {
          %sub3A_251 = arith.subi %while3A_246, %mul3A_131 : i32
          %get3A_252 = arith.constant 0 : i32
          %get3A_253 = arith.index_cast %get3A_252 : i32 to index
          %get3A_254 = arith.index_cast %sub3A_251 : i32 to index
          %get3A_255 = tpu.vector_load %arg9[%get3A_253, %get3A_254] {strides = array<i32>} : memref<2x528xf32, #tpu.memory_space<vmem>>, vector<16xf32>,
          %slice3A_256 = vector.extract_strided_slice %get3A_255 {offsets = [0], sizes = [1], strides = [1]} : vector<16xf32> to vector<1xf32>
          %squeeze3A_257 = vector.extract %slice3A_256[0] : f32 from vector<1xf32>
          %get3A_258 = arith.constant 0 : i32
          %get3A_259 = arith.index_cast %get3A_258 : i32 to index
          %get3A_260 = arith.index_cast %sub3A_251 : i32 to index
          %get3A_261 = arith.constant 0 : index
          %get3A_262 = tpu.vector_load %arg10[%get3A_259, %get3A_260, %get3A_261] {strides = array<i32>} : memref<2x512x64xf32, #tpu.memory_space<vmem>>, vector<16xf32>,
          %mul3A_263 = vector.broadcast %squeeze3A_257 : f32 to vector<16xf32>
          %mul3A_264 = arith.mulf %mul3A_263, %get3A_262 : vector<16xf32>
          %add3A_265 = arith.addf %while3A_247, %mul3A_264 : vector<16xf32>
          %get3A_266 = arith.constant 0 : i32
          %get3A_267 = arith.index_cast %get3A_266 : i32 to index
          %get3A_268 = arith.index_cast %sub3A_251 : i32 to index
          %get3A_269 = arith.constant 16 : index
          %get3A_270 = tpu.vector_load %arg10[%get3A_267, %get3A_268, %get3A_269] {strides = array<i32>} : memref<2x512x64xf32, #tpu.memory_space<vmem>>, vector<16xf32>,
          %mul3A_271 = vector.broadcast %squeeze3A_257 : f32 to vector<16xf32>
          %mul3A_272 = arith.mulf %mul3A_271, %get3A_270 : vector<16xf32>
          %add3A_273 = arith.addf %while3A_248, %mul3A_272 : vector<16xf32>
          %get3A_274 = arith.constant 0 : i32
          %get3A_275 = arith.index_cast %get3A_274 : i32 to index
          %get3A_276 = arith.index_cast %sub3A_251 : i32 to index
          %get3A_277 = arith.constant 32 : index
          %get3A_278 = tpu.vector_load %arg10[%get3A_275, %get3A_276, %get3A_277] {strides = array<i32>} : memref<2x512x64xf32, #tpu.memory_space<vmem>>, vector<16xf32>,
          %mul3A_279 = vector.broadcast %squeeze3A_257 : f32 to vector<16xf32>
          %mul3A_280 = arith.mulf %mul3A_279, %get3A_278 : vector<16xf32>
          %add3A_281 = arith.addf %while3A_249, %mul3A_280 : vector<16xf32>
          %get3A_282 = arith.constant 0 : i32
          %get3A_283 = arith.index_cast %get3A_282 : i32 to index
          %get3A_284 = arith.index_cast %sub3A_251 : i32 to index
          %get3A_285 = arith.constant 48 : index
          %get3A_286 = tpu.vector_load %arg10[%get3A_283, %get3A_284, %get3A_285] {strides = array<i32>} : memref<2x512x64xf32, #tpu.memory_space<vmem>>, vector<16xf32>,
          %mul3A_287 = vector.broadcast %squeeze3A_257 : f32 to vector<16xf32>
          %mul3A_288 = arith.mulf %mul3A_287, %get3A_286 : vector<16xf32>
          %add3A_289 = arith.addf %while3A_250, %mul3A_288 : vector<16xf32>
          scf.yield %add3A_265, %add3A_273, %add3A_281, %add3A_289 : vector<16xf32>, vector<16xf32>, vector<16xf32>, vector<16xf32>
        }
        %gt3A_242 = arith.cmpi sgt, %min3A_224, %max3A_221 : i32
        %convert_element_type3A_243 = arith.extui %gt3A_242 : i1 to i32
        %cond3A_244 = arith.constant 0 : i32
        %cond3A_245 = arith.cmpi ne, %convert_element_type3A_243, %cond3A_244 : i32
        scf.if %cond3A_245 {
          %swap3A = arith.index_cast %while3A_216 : i32 to index
          %swap3A_246 = arith.constant 0 : index
          %swap3A_247 = tpu.vector_load %arg11[%swap3A, %swap3A_246] {strides = array<i32>} : memref<128x64xf32, #tpu.memory_space<vmem>>, vector<16xf32>,
          tpu.vector_store %arg11[%swap3A, %swap3A_246], %while3A_241#0 {add = true, strides = array<i32>} : memref<128x64xf32, #tpu.memory_space<vmem>>, vector<16xf32>,
          %swap3A_248 = arith.index_cast %while3A_216 : i32 to index
          %swap3A_249 = arith.constant 16 : index
          %swap3A_250 = tpu.vector_load %arg11[%swap3A_248, %swap3A_249] {strides = array<i32>} : memref<128x64xf32, #tpu.memory_space<vmem>>, vector<16xf32>,
          tpu.vector_store %arg11[%swap3A_248, %swap3A_249], %while3A_241#1 {add = true, strides = array<i32>} : memref<128x64xf32, #tpu.memory_space<vmem>>, vector<16xf32>,
          %swap3A_251 = arith.index_cast %while3A_216 : i32 to index
          %swap3A_252 = arith.constant 32 : index
          %swap3A_253 = tpu.vector_load %arg11[%swap3A_251, %swap3A_252] {strides = array<i32>} : memref<128x64xf32, #tpu.memory_space<vmem>>, vector<16xf32>,
          tpu.vector_store %arg11[%swap3A_251, %swap3A_252], %while3A_241#2 {add = true, strides = array<i32>} : memref<128x64xf32, #tpu.memory_space<vmem>>, vector<16xf32>,
          %swap3A_254 = arith.index_cast %while3A_216 : i32 to index
          %swap3A_255 = arith.constant 48 : index
          %swap3A_256 = tpu.vector_load %arg11[%swap3A_254, %swap3A_255] {strides = array<i32>} : memref<128x64xf32, #tpu.memory_space<vmem>>, vector<16xf32>,
          tpu.vector_store %arg11[%swap3A_254, %swap3A_255], %while3A_241#3 {add = true, strides = array<i32>} : memref<128x64xf32, #tpu.memory_space<vmem>>, vector<16xf32>,
        } else {
        }
      }
      %get3A_150 = arith.index_cast %scan3A_139 : i32 to index
      %get3A_151 = tpu.vector_load %arg7[%get3A_150] {strides = array<i32>} : memref<144xi32, #tpu.memory_space<vmem>>, vector<16xi32>,
      %slice3A_152 = vector.extract_strided_slice %get3A_151 {offsets = [0], sizes = [1], strides = [1]} : vector<16xi32> to vector<1xi32>
      %squeeze3A_153 = vector.extract %slice3A_152[0] : i32 from vector<1xi32>
      %gt3A = arith.cmpi sgt, %squeeze3A_153, %min3A : i32
      %jit3A_154 = arith.constant 1 : i32
      %jit3A_155 = arith.constant 0 : i32
      %select_n3A_156 = arith.select %gt3A, %jit3A_154, %jit3A_155 : i32
      %sub3A_157 = arith.subi %scan3A_139, %select_n3A_156 : i32
      %max3A = arith.maxsi %while3A_114, %sub3A_157 : i32
      %add3A_158 = arith.constant 2 : i32
      %add3A_159 = arith.addi %add3A_119, %add3A_158 : i32
      %lt3A_160 = arith.cmpi slt, %add3A_159, %select_n3A_60 : i32
      %convert_element_type3A_161 = arith.extui %lt3A_160 : i1 to i32
      %cond3A_162 = arith.constant 0 : i32
      %cond3A_163 = arith.cmpi ne, %convert_element_type3A_161, %cond3A_162 : i32
      scf.if %cond3A_163 {
        %add3A_216 = arith.constant 2 : i32
        %add3A_217 = arith.addi %add3A_119, %add3A_216 : i32
        %mul3A_218 = arith.constant 512 : i32
        %mul3A_219 = arith.muli %add3A_217, %mul3A_218 : i32
        %add3A_220 = arith.constant 0 : i32
        %add3A_221 = arith.addi %mul3A_219, %add3A_220 : i32
        %dma_start3A = arith.constant 0 : i32
        %dma_start3A_222 = arith.constant 0 : i32
        %dma_start3A_223 = arith.constant 0 : i32
        %dma_start3A_224 = tpu.memref_slice %arg8[%dma_start3A, %dma_start3A_222, %dma_start3A_223] : memref<2x4x128xi32, #tpu.memory_space<vmem>> -> memref<1x1x128xi32, #tpu.memory_space<vmem>>
        %dma_start3A_225 = tpu.memref_squeeze %dma_start3A_224 : memref<1x1x128xi32, #tpu.memory_space<vmem>> -> memref<128xi32, #tpu.memory_space<vmem>>
        %dma_start3A_226 = tpu.memref_slice %arg2[%add3A_221] : memref<204800xi32, #tpu.memory_space<hbm>> -> memref<128xi32, #tpu.memory_space<hbm>>
        %dma_start3A_227 = arith.constant 0 : i32
        %dma_start3A_228 = tpu.memref_slice %arg8[%dma_start3A, %dma_start3A_222, %dma_start3A_227] : memref<2x4x128xi32, #tpu.memory_space<vmem>> -> memref<1x1x128xi32, #tpu.memory_space<vmem>>
        %dma_start3A_229 = tpu.memref_squeeze %dma_start3A_228 : memref<1x1x128xi32, #tpu.memory_space<vmem>> -> memref<128xi32, #tpu.memory_space<vmem>>
        %dma_start3A_230 = tpu.memref_slice %arg2[%add3A_221] : memref<204800xi32, #tpu.memory_space<hbm>> -> memref<128xi32, #tpu.memory_space<hbm>>
        tpu.enqueue_dma source(%dma_start3A_230 : memref<128xi32, #tpu.memory_space<hbm>>) target(%dma_start3A_229 : memref<128xi32, #tpu.memory_space<vmem>>) target_semaphore(%arg12 : memref<!tpu.dma_semaphore, #tpu.memory_space<semaphore_mem>>)
        %mul3A_231 = arith.constant 512 : i32
        %mul3A_232 = arith.muli %add3A_217, %mul3A_231 : i32
        %add3A_233 = arith.constant 128 : i32
        %add3A_234 = arith.addi %mul3A_232, %add3A_233 : i32
        %dma_start3A_235 = arith.constant 0 : i32
        %dma_start3A_236 = arith.constant 1 : i32
        %dma_start3A_237 = arith.constant 0 : i32
        %dma_start3A_238 = tpu.memref_slice %arg8[%dma_start3A_235, %dma_start3A_236, %dma_start3A_237] : memref<2x4x128xi32, #tpu.memory_space<vmem>> -> memref<1x1x128xi32, #tpu.memory_space<vmem>>
        %dma_start3A_239 = tpu.memref_squeeze %dma_start3A_238 : memref<1x1x128xi32, #tpu.memory_space<vmem>> -> memref<128xi32, #tpu.memory_space<vmem>>
        %dma_start3A_240 = tpu.memref_slice %arg2[%add3A_234] : memref<204800xi32, #tpu.memory_space<hbm>> -> memref<128xi32, #tpu.memory_space<hbm>>
        %dma_start3A_241 = arith.constant 0 : i32
        %dma_start3A_242 = tpu.memref_slice %arg8[%dma_start3A_235, %dma_start3A_236, %dma_start3A_241] : memref<2x4x128xi32, #tpu.memory_space<vmem>> -> memref<1x1x128xi32, #tpu.memory_space<vmem>>
        %dma_start3A_243 = tpu.memref_squeeze %dma_start3A_242 : memref<1x1x128xi32, #tpu.memory_space<vmem>> -> memref<128xi32, #tpu.memory_space<vmem>>
        %dma_start3A_244 = tpu.memref_slice %arg2[%add3A_234] : memref<204800xi32, #tpu.memory_space<hbm>> -> memref<128xi32, #tpu.memory_space<hbm>>
        tpu.enqueue_dma source(%dma_start3A_244 : memref<128xi32, #tpu.memory_space<hbm>>) target(%dma_start3A_243 : memref<128xi32, #tpu.memory_space<vmem>>) target_semaphore(%arg12 : memref<!tpu.dma_semaphore, #tpu.memory_space<semaphore_mem>>)
        %mul3A_245 = arith.constant 512 : i32
        %mul3A_246 = arith.muli %add3A_217, %mul3A_245 : i32
        %add3A_247 = arith.constant 256 : i32
        %add3A_248 = arith.addi %mul3A_246, %add3A_247 : i32
        %dma_start3A_249 = arith.constant 0 : i32
        %dma_start3A_250 = arith.constant 2 : i32
        %dma_start3A_251 = arith.constant 0 : i32
        %dma_start3A_252 = tpu.memref_slice %arg8[%dma_start3A_249, %dma_start3A_250, %dma_start3A_251] : memref<2x4x128xi32, #tpu.memory_space<vmem>> -> memref<1x1x128xi32, #tpu.memory_space<vmem>>
        %dma_start3A_253 = tpu.memref_squeeze %dma_start3A_252 : memref<1x1x128xi32, #tpu.memory_space<vmem>> -> memref<128xi32, #tpu.memory_space<vmem>>
        %dma_start3A_254 = tpu.memref_slice %arg2[%add3A_248] : memref<204800xi32, #tpu.memory_space<hbm>> -> memref<128xi32, #tpu.memory_space<hbm>>
        %dma_start3A_255 = arith.constant 0 : i32
        %dma_start3A_256 = tpu.memref_slice %arg8[%dma_start3A_249, %dma_start3A_250, %dma_start3A_255] : memref<2x4x128xi32, #tpu.memory_space<vmem>> -> memref<1x1x128xi32, #tpu.memory_space<vmem>>
        %dma_start3A_257 = tpu.memref_squeeze %dma_start3A_256 : memref<1x1x128xi32, #tpu.memory_space<vmem>> -> memref<128xi32, #tpu.memory_space<vmem>>
        %dma_start3A_258 = tpu.memref_slice %arg2[%add3A_248] : memref<204800xi32, #tpu.memory_space<hbm>> -> memref<128xi32, #tpu.memory_space<hbm>>
        tpu.enqueue_dma source(%dma_start3A_258 : memref<128xi32, #tpu.memory_space<hbm>>) target(%dma_start3A_257 : memref<128xi32, #tpu.memory_space<vmem>>) target_semaphore(%arg12 : memref<!tpu.dma_semaphore, #tpu.memory_space<semaphore_mem>>)
        %mul3A_259 = arith.constant 512 : i32
        %mul3A_260 = arith.muli %add3A_217, %mul3A_259 : i32
        %add3A_261 = arith.constant 384 : i32
        %add3A_262 = arith.addi %mul3A_260, %add3A_261 : i32
        %dma_start3A_263 = arith.constant 0 : i32
        %dma_start3A_264 = arith.constant 3 : i32
        %dma_start3A_265 = arith.constant 0 : i32
        %dma_start3A_266 = tpu.memref_slice %arg8[%dma_start3A_263, %dma_start3A_264, %dma_start3A_265] : memref<2x4x128xi32, #tpu.memory_space<vmem>> -> memref<1x1x128xi32, #tpu.memory_space<vmem>>
        %dma_start3A_267 = tpu.memref_squeeze %dma_start3A_266 : memref<1x1x128xi32, #tpu.memory_space<vmem>> -> memref<128xi32, #tpu.memory_space<vmem>>
        %dma_start3A_268 = tpu.memref_slice %arg2[%add3A_262] : memref<204800xi32, #tpu.memory_space<hbm>> -> memref<128xi32, #tpu.memory_space<hbm>>
        %dma_start3A_269 = arith.constant 0 : i32
        %dma_start3A_270 = tpu.memref_slice %arg8[%dma_start3A_263, %dma_start3A_264, %dma_start3A_269] : memref<2x4x128xi32, #tpu.memory_space<vmem>> -> memref<1x1x128xi32, #tpu.memory_space<vmem>>
        %dma_start3A_271 = tpu.memref_squeeze %dma_start3A_270 : memref<1x1x128xi32, #tpu.memory_space<vmem>> -> memref<128xi32, #tpu.memory_space<vmem>>
        %dma_start3A_272 = tpu.memref_slice %arg2[%add3A_262] : memref<204800xi32, #tpu.memory_space<hbm>> -> memref<128xi32, #tpu.memory_space<hbm>>
        tpu.enqueue_dma source(%dma_start3A_272 : memref<128xi32, #tpu.memory_space<hbm>>) target(%dma_start3A_271 : memref<128xi32, #tpu.memory_space<vmem>>) target_semaphore(%arg12 : memref<!tpu.dma_semaphore, #tpu.memory_space<semaphore_mem>>)
        %mul3A_273 = arith.constant 512 : i32
        %mul3A_274 = arith.muli %add3A_217, %mul3A_273 : i32
        %dma_start3A_275 = arith.constant 0 : i32
        %dma_start3A_276 = arith.constant 0 : i32
        %dma_start3A_277 = tpu.memref_slice %arg9[%dma_start3A_275, %dma_start3A_276] : memref<2x528xf32, #tpu.memory_space<vmem>> -> memref<1x512xf32, #tpu.memory_space<vmem>>
        %dma_start3A_278 = tpu.memref_squeeze %dma_start3A_277 : memref<1x512xf32, #tpu.memory_space<vmem>> -> memref<512xf32, #tpu.memory_space<vmem>>
        %dma_start3A_279 = tpu.memref_slice %arg4[%mul3A_274] : memref<204800xf32, #tpu.memory_space<hbm>> -> memref<512xf32, #tpu.memory_space<hbm>>
        %dma_start3A_280 = arith.constant 0 : i32
        %dma_start3A_281 = tpu.memref_slice %arg9[%dma_start3A_275, %dma_start3A_280] : memref<2x528xf32, #tpu.memory_space<vmem>> -> memref<1x512xf32, #tpu.memory_space<vmem>>
        %dma_start3A_282 = tpu.memref_squeeze %dma_start3A_281 : memref<1x512xf32, #tpu.memory_space<vmem>> -> memref<512xf32, #tpu.memory_space<vmem>>
        %dma_start3A_283 = tpu.memref_slice %arg4[%mul3A_274] : memref<204800xf32, #tpu.memory_space<hbm>> -> memref<512xf32, #tpu.memory_space<hbm>>
        tpu.enqueue_dma source(%dma_start3A_283 : memref<512xf32, #tpu.memory_space<hbm>>) target(%dma_start3A_282 : memref<512xf32, #tpu.memory_space<vmem>>) target_semaphore(%arg12 : memref<!tpu.dma_semaphore, #tpu.memory_space<semaphore_mem>>)
      } else {
      }
      %mul3A_164 = arith.constant 2 : i32
      %mul3A_165 = arith.muli %mul3A_164, %while3A_113 : i32
      %add3A_166 = arith.addi %select_n3A, %mul3A_165 : i32
      %add3A_167 = arith.constant 1 : i32
      %add3A_168 = arith.addi %add3A_166, %add3A_167 : i32
      %add3A_169 = arith.constant 1 : i32
      %add3A_170 = arith.addi %add3A_168, %add3A_169 : i32
      %lt3A_171 = arith.cmpi slt, %add3A_170, %select_n3A_60 : i32
      %convert_element_type3A_172 = arith.extui %lt3A_171 : i1 to i32
      %cond3A_173 = arith.constant 0 : i32
      %cond3A_174 = arith.cmpi ne, %convert_element_type3A_172, %cond3A_173 : i32
      scf.if %cond3A_174 {
        %dma_wait3A = arith.constant 0 : i32
        %dma_wait3A_216 = arith.constant 0 : i32
        %dma_wait3A_217 = arith.constant 0 : i32
        %dma_wait3A_218 = tpu.memref_slice %arg8[%dma_wait3A, %dma_wait3A_216, %dma_wait3A_217] : memref<2x4x128xi32, #tpu.memory_space<vmem>> -> memref<1x1x128xi32, #tpu.memory_space<vmem>>
        %dma_wait3A_219 = tpu.memref_squeeze %dma_wait3A_218 : memref<1x1x128xi32, #tpu.memory_space<vmem>> -> memref<128xi32, #tpu.memory_space<vmem>>
        %dma_wait3A_220 = arith.constant 0 : i32
        %dma_wait3A_221 = tpu.memref_slice %arg2[%dma_wait3A_220] : memref<204800xi32, #tpu.memory_space<hbm>> -> memref<128xi32, #tpu.memory_space<hbm>>
        %dma_wait3A_222 = arith.constant 0 : i32
        %dma_wait3A_223 = tpu.memref_slice %arg8[%dma_wait3A, %dma_wait3A_216, %dma_wait3A_222] : memref<2x4x128xi32, #tpu.memory_space<vmem>> -> memref<1x1x128xi32, #tpu.memory_space<vmem>>
        %dma_wait3A_224 = tpu.memref_squeeze %dma_wait3A_223 : memref<1x1x128xi32, #tpu.memory_space<vmem>> -> memref<128xi32, #tpu.memory_space<vmem>>
        %dma_wait3A_225 = arith.constant 0 : i32
        %dma_wait3A_226 = tpu.memref_slice %arg2[%dma_wait3A_225] : memref<204800xi32, #tpu.memory_space<hbm>> -> memref<128xi32, #tpu.memory_space<hbm>>
        tpu.wait_dma2 semaphore(%arg12 : memref<!tpu.dma_semaphore, #tpu.memory_space<semaphore_mem>>) src(%dma_wait3A_226 : memref<128xi32, #tpu.memory_space<hbm>>) dst(%dma_wait3A_224 : memref<128xi32, #tpu.memory_space<vmem>>)
        %dma_wait3A_227 = arith.constant 0 : i32
        %dma_wait3A_228 = arith.constant 1 : i32
        %dma_wait3A_229 = arith.constant 0 : i32
        %dma_wait3A_230 = tpu.memref_slice %arg8[%dma_wait3A_227, %dma_wait3A_228, %dma_wait3A_229] : memref<2x4x128xi32, #tpu.memory_space<vmem>> -> memref<1x1x128xi32, #tpu.memory_space<vmem>>
        %dma_wait3A_231 = tpu.memref_squeeze %dma_wait3A_230 : memref<1x1x128xi32, #tpu.memory_space<vmem>> -> memref<128xi32, #tpu.memory_space<vmem>>
        %dma_wait3A_232 = arith.constant 128 : i32
        %dma_wait3A_233 = tpu.memref_slice %arg2[%dma_wait3A_232] : memref<204800xi32, #tpu.memory_space<hbm>> -> memref<128xi32, #tpu.memory_space<hbm>>
        %dma_wait3A_234 = arith.constant 0 : i32
        %dma_wait3A_235 = tpu.memref_slice %arg8[%dma_wait3A_227, %dma_wait3A_228, %dma_wait3A_234] : memref<2x4x128xi32, #tpu.memory_space<vmem>> -> memref<1x1x128xi32, #tpu.memory_space<vmem>>
        %dma_wait3A_236 = tpu.memref_squeeze %dma_wait3A_235 : memref<1x1x128xi32, #tpu.memory_space<vmem>> -> memref<128xi32, #tpu.memory_space<vmem>>
        %dma_wait3A_237 = arith.constant 128 : i32
        %dma_wait3A_238 = tpu.memref_slice %arg2[%dma_wait3A_237] : memref<204800xi32, #tpu.memory_space<hbm>> -> memref<128xi32, #tpu.memory_space<hbm>>
        tpu.wait_dma2 semaphore(%arg12 : memref<!tpu.dma_semaphore, #tpu.memory_space<semaphore_mem>>) src(%dma_wait3A_238 : memref<128xi32, #tpu.memory_space<hbm>>) dst(%dma_wait3A_236 : memref<128xi32, #tpu.memory_space<vmem>>)
        %dma_wait3A_239 = arith.constant 0 : i32
        %dma_wait3A_240 = arith.constant 2 : i32
        %dma_wait3A_241 = arith.constant 0 : i32
        %dma_wait3A_242 = tpu.memref_slice %arg8[%dma_wait3A_239, %dma_wait3A_240, %dma_wait3A_241] : memref<2x4x128xi32, #tpu.memory_space<vmem>> -> memref<1x1x128xi32, #tpu.memory_space<vmem>>
        %dma_wait3A_243 = tpu.memref_squeeze %dma_wait3A_242 : memref<1x1x128xi32, #tpu.memory_space<vmem>> -> memref<128xi32, #tpu.memory_space<vmem>>
        %dma_wait3A_244 = arith.constant 256 : i32
        %dma_wait3A_245 = tpu.memref_slice %arg2[%dma_wait3A_244] : memref<204800xi32, #tpu.memory_space<hbm>> -> memref<128xi32, #tpu.memory_space<hbm>>
        %dma_wait3A_246 = arith.constant 0 : i32
        %dma_wait3A_247 = tpu.memref_slice %arg8[%dma_wait3A_239, %dma_wait3A_240, %dma_wait3A_246] : memref<2x4x128xi32, #tpu.memory_space<vmem>> -> memref<1x1x128xi32, #tpu.memory_space<vmem>>
        %dma_wait3A_248 = tpu.memref_squeeze %dma_wait3A_247 : memref<1x1x128xi32, #tpu.memory_space<vmem>> -> memref<128xi32, #tpu.memory_space<vmem>>
        %dma_wait3A_249 = arith.constant 256 : i32
        %dma_wait3A_250 = tpu.memref_slice %arg2[%dma_wait3A_249] : memref<204800xi32, #tpu.memory_space<hbm>> -> memref<128xi32, #tpu.memory_space<hbm>>
        tpu.wait_dma2 semaphore(%arg12 : memref<!tpu.dma_semaphore, #tpu.memory_space<semaphore_mem>>) src(%dma_wait3A_250 : memref<128xi32, #tpu.memory_space<hbm>>) dst(%dma_wait3A_248 : memref<128xi32, #tpu.memory_space<vmem>>)
        %dma_wait3A_251 = arith.constant 0 : i32
        %dma_wait3A_252 = arith.constant 3 : i32
        %dma_wait3A_253 = arith.constant 0 : i32
        %dma_wait3A_254 = tpu.memref_slice %arg8[%dma_wait3A_251, %dma_wait3A_252, %dma_wait3A_253] : memref<2x4x128xi32, #tpu.memory_space<vmem>> -> memref<1x1x128xi32, #tpu.memory_space<vmem>>
        %dma_wait3A_255 = tpu.memref_squeeze %dma_wait3A_254 : memref<1x1x128xi32, #tpu.memory_space<vmem>> -> memref<128xi32, #tpu.memory_space<vmem>>
        %dma_wait3A_256 = arith.constant 384 : i32
        %dma_wait3A_257 = tpu.memref_slice %arg2[%dma_wait3A_256] : memref<204800xi32, #tpu.memory_space<hbm>> -> memref<128xi32, #tpu.memory_space<hbm>>
        %dma_wait3A_258 = arith.constant 0 : i32
        %dma_wait3A_259 = tpu.memref_slice %arg8[%dma_wait3A_251, %dma_wait3A_252, %dma_wait3A_258] : memref<2x4x128xi32, #tpu.memory_space<vmem>> -> memref<1x1x128xi32, #tpu.memory_space<vmem>>
        %dma_wait3A_260 = tpu.memref_squeeze %dma_wait3A_259 : memref<1x1x128xi32, #tpu.memory_space<vmem>> -> memref<128xi32, #tpu.memory_space<vmem>>
        %dma_wait3A_261 = arith.constant 384 : i32
        %dma_wait3A_262 = tpu.memref_slice %arg2[%dma_wait3A_261] : memref<204800xi32, #tpu.memory_space<hbm>> -> memref<128xi32, #tpu.memory_space<hbm>>
        tpu.wait_dma2 semaphore(%arg12 : memref<!tpu.dma_semaphore, #tpu.memory_space<semaphore_mem>>) src(%dma_wait3A_262 : memref<128xi32, #tpu.memory_space<hbm>>) dst(%dma_wait3A_260 : memref<128xi32, #tpu.memory_space<vmem>>)
        %dma_wait3A_263 = arith.constant 0 : i32
        %dma_wait3A_264 = arith.constant 0 : i32
        %dma_wait3A_265 = tpu.memref_slice %arg9[%dma_wait3A_263, %dma_wait3A_264] : memref<2x528xf32, #tpu.memory_space<vmem>> -> memref<1x512xf32, #tpu.memory_space<vmem>>
        %dma_wait3A_266 = tpu.memref_squeeze %dma_wait3A_265 : memref<1x512xf32, #tpu.memory_space<vmem>> -> memref<512xf32, #tpu.memory_space<vmem>>
        %dma_wait3A_267 = arith.constant 0 : i32
        %dma_wait3A_268 = tpu.memref_slice %arg4[%dma_wait3A_267] : memref<204800xf32, #tpu.memory_space<hbm>> -> memref<512xf32, #tpu.memory_space<hbm>>
        %dma_wait3A_269 = arith.constant 0 : i32
        %dma_wait3A_270 = tpu.memref_slice %arg9[%dma_wait3A_263, %dma_wait3A_269] : memref<2x528xf32, #tpu.memory_space<vmem>> -> memref<1x512xf32, #tpu.memory_space<vmem>>
        %dma_wait3A_271 = tpu.memref_squeeze %dma_wait3A_270 : memref<1x512xf32, #tpu.memory_space<vmem>> -> memref<512xf32, #tpu.memory_space<vmem>>
        %dma_wait3A_272 = arith.constant 0 : i32
        %dma_wait3A_273 = tpu.memref_slice %arg4[%dma_wait3A_272] : memref<204800xf32, #tpu.memory_space<hbm>> -> memref<512xf32, #tpu.memory_space<hbm>>
        tpu.wait_dma2 semaphore(%arg12 : memref<!tpu.dma_semaphore, #tpu.memory_space<semaphore_mem>>) src(%dma_wait3A_273 : memref<512xf32, #tpu.memory_space<hbm>>) dst(%dma_wait3A_271 : memref<512xf32, #tpu.memory_space<vmem>>)
        %dma_start3A = arith.constant 0 : i32
        %dma_start3A_274 = arith.constant 0 : i32
        %dma_start3A_275 = arith.constant 0 : i32
        %dma_start3A_276 = arith.constant 0 : i32
        %dma_start3A_277 = arith.constant 0 : i32
        %dma_start3A_278 = tpu.memref_slice %arg10[%dma_start3A_275, %dma_start3A_276, %dma_start3A_277] : memref<2x512x64xf32, #tpu.memory_space<vmem>> -> memref<1x128x64xf32, #tpu.memory_space<vmem>>
        %dma_start3A_279 = tpu.memref_squeeze %dma_start3A_278 : memref<1x128x64xf32, #tpu.memory_space<vmem>> -> memref<128x64xf32, #tpu.memory_space<vmem>>
        %dma_start3A_280 = arith.constant 0 : i32
        %dma_start3A_281 = tpu.memref_slice %arg8[%dma_start3A, %dma_start3A_274, %dma_start3A_280] : memref<2x4x128xi32, #tpu.memory_space<vmem>> -> memref<1x1x128xi32, #tpu.memory_space<vmem>>
        %dma_start3A_282 = tpu.memref_squeeze %dma_start3A_281 : memref<1x1x128xi32, #tpu.memory_space<vmem>> -> memref<128xi32, #tpu.memory_space<vmem>>
        %dma_start3A_283 = arith.constant 0 : i32
        %dma_start3A_284 = arith.constant 0 : i32
        %dma_start3A_285 = tpu.memref_slice %arg5[%dma_start3A_283, %dma_start3A_284] : memref<100000x64xf32, #tpu.memory_space<hbm>> -> memref<100000x64xf32, #tpu.memory_space<hbm>>
        tpu.enqueue_indirect_dma source(%dma_start3A_285 : memref<100000x64xf32, #tpu.memory_space<hbm>>) target(%dma_start3A_279 : memref<128x64xf32, #tpu.memory_space<vmem>>) offsets(%dma_start3A_282 : memref<128xi32, #tpu.memory_space<vmem>>) semaphore(%arg14 : memref<!tpu.dma_semaphore, #tpu.memory_space<semaphore_mem>>)
        %dma_start3A_286 = arith.constant 0 : i32
        %dma_start3A_287 = arith.constant 1 : i32
        %dma_start3A_288 = arith.constant 0 : i32
        %dma_start3A_289 = arith.constant 128 : i32
        %dma_start3A_290 = arith.constant 0 : i32
        %dma_start3A_291 = tpu.memref_slice %arg10[%dma_start3A_288, %dma_start3A_289, %dma_start3A_290] : memref<2x512x64xf32, #tpu.memory_space<vmem>> -> memref<1x128x64xf32, #tpu.memory_space<vmem>>
        %dma_start3A_292 = tpu.memref_squeeze %dma_start3A_291 : memref<1x128x64xf32, #tpu.memory_space<vmem>> -> memref<128x64xf32, #tpu.memory_space<vmem>>
        %dma_start3A_293 = arith.constant 0 : i32
        %dma_start3A_294 = tpu.memref_slice %arg8[%dma_start3A_286, %dma_start3A_287, %dma_start3A_293] : memref<2x4x128xi32, #tpu.memory_space<vmem>> -> memref<1x1x128xi32, #tpu.memory_space<vmem>>
        %dma_start3A_295 = tpu.memref_squeeze %dma_start3A_294 : memref<1x1x128xi32, #tpu.memory_space<vmem>> -> memref<128xi32, #tpu.memory_space<vmem>>
        %dma_start3A_296 = arith.constant 0 : i32
        %dma_start3A_297 = arith.constant 0 : i32
        %dma_start3A_298 = tpu.memref_slice %arg5[%dma_start3A_296, %dma_start3A_297] : memref<100000x64xf32, #tpu.memory_space<hbm>> -> memref<100000x64xf32, #tpu.memory_space<hbm>>
        tpu.enqueue_indirect_dma source(%dma_start3A_298 : memref<100000x64xf32, #tpu.memory_space<hbm>>) target(%dma_start3A_292 : memref<128x64xf32, #tpu.memory_space<vmem>>) offsets(%dma_start3A_295 : memref<128xi32, #tpu.memory_space<vmem>>) semaphore(%arg14 : memref<!tpu.dma_semaphore, #tpu.memory_space<semaphore_mem>>)
        %dma_start3A_299 = arith.constant 0 : i32
        %dma_start3A_300 = arith.constant 2 : i32
        %dma_start3A_301 = arith.constant 0 : i32
        %dma_start3A_302 = arith.constant 256 : i32
        %dma_start3A_303 = arith.constant 0 : i32
        %dma_start3A_304 = tpu.memref_slice %arg10[%dma_start3A_301, %dma_start3A_302, %dma_start3A_303] : memref<2x512x64xf32, #tpu.memory_space<vmem>> -> memref<1x128x64xf32, #tpu.memory_space<vmem>>
        %dma_start3A_305 = tpu.memref_squeeze %dma_start3A_304 : memref<1x128x64xf32, #tpu.memory_space<vmem>> -> memref<128x64xf32, #tpu.memory_space<vmem>>
        %dma_start3A_306 = arith.constant 0 : i32
        %dma_start3A_307 = tpu.memref_slice %arg8[%dma_start3A_299, %dma_start3A_300, %dma_start3A_306] : memref<2x4x128xi32, #tpu.memory_space<vmem>> -> memref<1x1x128xi32, #tpu.memory_space<vmem>>
        %dma_start3A_308 = tpu.memref_squeeze %dma_start3A_307 : memref<1x1x128xi32, #tpu.memory_space<vmem>> -> memref<128xi32, #tpu.memory_space<vmem>>
        %dma_start3A_309 = arith.constant 0 : i32
        %dma_start3A_310 = arith.constant 0 : i32
        %dma_start3A_311 = tpu.memref_slice %arg5[%dma_start3A_309, %dma_start3A_310] : memref<100000x64xf32, #tpu.memory_space<hbm>> -> memref<100000x64xf32, #tpu.memory_space<hbm>>
        tpu.enqueue_indirect_dma source(%dma_start3A_311 : memref<100000x64xf32, #tpu.memory_space<hbm>>) target(%dma_start3A_305 : memref<128x64xf32, #tpu.memory_space<vmem>>) offsets(%dma_start3A_308 : memref<128xi32, #tpu.memory_space<vmem>>) semaphore(%arg14 : memref<!tpu.dma_semaphore, #tpu.memory_space<semaphore_mem>>)
        %dma_start3A_312 = arith.constant 0 : i32
        %dma_start3A_313 = arith.constant 3 : i32
        %dma_start3A_314 = arith.constant 0 : i32
        %dma_start3A_315 = arith.constant 384 : i32
        %dma_start3A_316 = arith.constant 0 : i32
        %dma_start3A_317 = tpu.memref_slice %arg10[%dma_start3A_314, %dma_start3A_315, %dma_start3A_316] : memref<2x512x64xf32, #tpu.memory_space<vmem>> -> memref<1x128x64xf32, #tpu.memory_space<vmem>>
        %dma_start3A_318 = tpu.memref_squeeze %dma_start3A_317 : memref<1x128x64xf32, #tpu.memory_space<vmem>> -> memref<128x64xf32, #tpu.memory_space<vmem>>
        %dma_start3A_319 = arith.constant 0 : i32
        %dma_start3A_320 = tpu.memref_slice %arg8[%dma_start3A_312, %dma_start3A_313, %dma_start3A_319] : memref<2x4x128xi32, #tpu.memory_space<vmem>> -> memref<1x1x128xi32, #tpu.memory_space<vmem>>
        %dma_start3A_321 = tpu.memref_squeeze %dma_start3A_320 : memref<1x1x128xi32, #tpu.memory_space<vmem>> -> memref<128xi32, #tpu.memory_space<vmem>>
        %dma_start3A_322 = arith.constant 0 : i32
        %dma_start3A_323 = arith.constant 0 : i32
        %dma_start3A_324 = tpu.memref_slice %arg5[%dma_start3A_322, %dma_start3A_323] : memref<100000x64xf32, #tpu.memory_space<hbm>> -> memref<100000x64xf32, #tpu.memory_space<hbm>>
        tpu.enqueue_indirect_dma source(%dma_start3A_324 : memref<100000x64xf32, #tpu.memory_space<hbm>>) target(%dma_start3A_318 : memref<128x64xf32, #tpu.memory_space<vmem>>) offsets(%dma_start3A_321 : memref<128xi32, #tpu.memory_space<vmem>>) semaphore(%arg14 : memref<!tpu.dma_semaphore, #tpu.memory_space<semaphore_mem>>)
      } else {
      }
      %lt3A_175 = arith.cmpi slt, %add3A_168, %select_n3A_60 : i32
      %convert_element_type3A_176 = arith.extui %lt3A_175 : i1 to i32
      %cond3A_177 = arith.constant 0 : i32
      %cond3A_178 = arith.cmpi ne, %convert_element_type3A_176, %cond3A_177 : i32
      scf.if %cond3A_178 {
        %dma_wait3A = arith.constant 1 : i32
        %dma_wait3A_216 = arith.constant 0 : i32
        %dma_wait3A_217 = arith.constant 1 : i32
        %dma_wait3A_218 = arith.constant 0 : i32
        %dma_wait3A_219 = arith.constant 0 : i32
        %dma_wait3A_220 = tpu.memref_slice %arg10[%dma_wait3A_217, %dma_wait3A_218, %dma_wait3A_219] : memref<2x512x64xf32, #tpu.memory_space<vmem>> -> memref<1x128x64xf32, #tpu.memory_space<vmem>>
        %dma_wait3A_221 = tpu.memref_squeeze %dma_wait3A_220 : memref<1x128x64xf32, #tpu.memory_space<vmem>> -> memref<128x64xf32, #tpu.memory_space<vmem>>
        %dma_wait3A_222 = arith.constant 0 : i32
        %dma_wait3A_223 = tpu.memref_slice %arg8[%dma_wait3A, %dma_wait3A_216, %dma_wait3A_222] : memref<2x4x128xi32, #tpu.memory_space<vmem>> -> memref<1x1x128xi32, #tpu.memory_space<vmem>>
        %dma_wait3A_224 = tpu.memref_squeeze %dma_wait3A_223 : memref<1x1x128xi32, #tpu.memory_space<vmem>> -> memref<128xi32, #tpu.memory_space<vmem>>
        %dma_wait3A_225 = arith.constant 0 : i32
        %dma_wait3A_226 = arith.constant 0 : i32
        %dma_wait3A_227 = tpu.memref_slice %arg5[%dma_wait3A_225, %dma_wait3A_226] : memref<100000x64xf32, #tpu.memory_space<hbm>> -> memref<100000x64xf32, #tpu.memory_space<hbm>>
        tpu.wait_indirect_dma semaphore(%arg15 : memref<!tpu.dma_semaphore, #tpu.memory_space<semaphore_mem>>) src(%dma_wait3A_227 : memref<100000x64xf32, #tpu.memory_space<hbm>>) dst(%dma_wait3A_221 : memref<128x64xf32, #tpu.memory_space<vmem>>)
        %dma_wait3A_228 = arith.constant 1 : i32
        %dma_wait3A_229 = arith.constant 1 : i32
        %dma_wait3A_230 = arith.constant 1 : i32
        %dma_wait3A_231 = arith.constant 128 : i32
        %dma_wait3A_232 = arith.constant 0 : i32
        %dma_wait3A_233 = tpu.memref_slice %arg10[%dma_wait3A_230, %dma_wait3A_231, %dma_wait3A_232] : memref<2x512x64xf32, #tpu.memory_space<vmem>> -> memref<1x128x64xf32, #tpu.memory_space<vmem>>
        %dma_wait3A_234 = tpu.memref_squeeze %dma_wait3A_233 : memref<1x128x64xf32, #tpu.memory_space<vmem>> -> memref<128x64xf32, #tpu.memory_space<vmem>>
        %dma_wait3A_235 = arith.constant 0 : i32
        %dma_wait3A_236 = tpu.memref_slice %arg8[%dma_wait3A_228, %dma_wait3A_229, %dma_wait3A_235] : memref<2x4x128xi32, #tpu.memory_space<vmem>> -> memref<1x1x128xi32, #tpu.memory_space<vmem>>
        %dma_wait3A_237 = tpu.memref_squeeze %dma_wait3A_236 : memref<1x1x128xi32, #tpu.memory_space<vmem>> -> memref<128xi32, #tpu.memory_space<vmem>>
        %dma_wait3A_238 = arith.constant 0 : i32
        %dma_wait3A_239 = arith.constant 0 : i32
        %dma_wait3A_240 = tpu.memref_slice %arg5[%dma_wait3A_238, %dma_wait3A_239] : memref<100000x64xf32, #tpu.memory_space<hbm>> -> memref<100000x64xf32, #tpu.memory_space<hbm>>
        tpu.wait_indirect_dma semaphore(%arg15 : memref<!tpu.dma_semaphore, #tpu.memory_space<semaphore_mem>>) src(%dma_wait3A_240 : memref<100000x64xf32, #tpu.memory_space<hbm>>) dst(%dma_wait3A_234 : memref<128x64xf32, #tpu.memory_space<vmem>>)
        %dma_wait3A_241 = arith.constant 1 : i32
        %dma_wait3A_242 = arith.constant 2 : i32
        %dma_wait3A_243 = arith.constant 1 : i32
        %dma_wait3A_244 = arith.constant 256 : i32
        %dma_wait3A_245 = arith.constant 0 : i32
        %dma_wait3A_246 = tpu.memref_slice %arg10[%dma_wait3A_243, %dma_wait3A_244, %dma_wait3A_245] : memref<2x512x64xf32, #tpu.memory_space<vmem>> -> memref<1x128x64xf32, #tpu.memory_space<vmem>>
        %dma_wait3A_247 = tpu.memref_squeeze %dma_wait3A_246 : memref<1x128x64xf32, #tpu.memory_space<vmem>> -> memref<128x64xf32, #tpu.memory_space<vmem>>
        %dma_wait3A_248 = arith.constant 0 : i32
        %dma_wait3A_249 = tpu.memref_slice %arg8[%dma_wait3A_241, %dma_wait3A_242, %dma_wait3A_248] : memref<2x4x128xi32, #tpu.memory_space<vmem>> -> memref<1x1x128xi32, #tpu.memory_space<vmem>>
        %dma_wait3A_250 = tpu.memref_squeeze %dma_wait3A_249 : memref<1x1x128xi32, #tpu.memory_space<vmem>> -> memref<128xi32, #tpu.memory_space<vmem>>
        %dma_wait3A_251 = arith.constant 0 : i32
        %dma_wait3A_252 = arith.constant 0 : i32
        %dma_wait3A_253 = tpu.memref_slice %arg5[%dma_wait3A_251, %dma_wait3A_252] : memref<100000x64xf32, #tpu.memory_space<hbm>> -> memref<100000x64xf32, #tpu.memory_space<hbm>>
        tpu.wait_indirect_dma semaphore(%arg15 : memref<!tpu.dma_semaphore, #tpu.memory_space<semaphore_mem>>) src(%dma_wait3A_253 : memref<100000x64xf32, #tpu.memory_space<hbm>>) dst(%dma_wait3A_247 : memref<128x64xf32, #tpu.memory_space<vmem>>)
        %dma_wait3A_254 = arith.constant 1 : i32
        %dma_wait3A_255 = arith.constant 3 : i32
        %dma_wait3A_256 = arith.constant 1 : i32
        %dma_wait3A_257 = arith.constant 384 : i32
        %dma_wait3A_258 = arith.constant 0 : i32
        %dma_wait3A_259 = tpu.memref_slice %arg10[%dma_wait3A_256, %dma_wait3A_257, %dma_wait3A_258] : memref<2x512x64xf32, #tpu.memory_space<vmem>> -> memref<1x128x64xf32, #tpu.memory_space<vmem>>
        %dma_wait3A_260 = tpu.memref_squeeze %dma_wait3A_259 : memref<1x128x64xf32, #tpu.memory_space<vmem>> -> memref<128x64xf32, #tpu.memory_space<vmem>>
        %dma_wait3A_261 = arith.constant 0 : i32
        %dma_wait3A_262 = tpu.memref_slice %arg8[%dma_wait3A_254, %dma_wait3A_255, %dma_wait3A_261] : memref<2x4x128xi32, #tpu.memory_space<vmem>> -> memref<1x1x128xi32, #tpu.memory_space<vmem>>
        %dma_wait3A_263 = tpu.memref_squeeze %dma_wait3A_262 : memref<1x1x128xi32, #tpu.memory_space<vmem>> -> memref<128xi32, #tpu.memory_space<vmem>>
        %dma_wait3A_264 = arith.constant 0 : i32
        %dma_wait3A_265 = arith.constant 0 : i32
        %dma_wait3A_266 = tpu.memref_slice %arg5[%dma_wait3A_264, %dma_wait3A_265] : memref<100000x64xf32, #tpu.memory_space<hbm>> -> memref<100000x64xf32, #tpu.memory_space<hbm>>
        tpu.wait_indirect_dma semaphore(%arg15 : memref<!tpu.dma_semaphore, #tpu.memory_space<semaphore_mem>>) src(%dma_wait3A_266 : memref<100000x64xf32, #tpu.memory_space<hbm>>) dst(%dma_wait3A_260 : memref<128x64xf32, #tpu.memory_space<vmem>>)
      } else {
      }
      %mul3A_179 = arith.constant 512 : i32
      %mul3A_180 = arith.muli %add3A_168, %mul3A_179 : i32
      %add3A_181 = arith.constant 512 : i32
      %add3A_182 = arith.addi %mul3A_180, %add3A_181 : i32
      %min3A_183 = arith.minsi %squeeze3A_18, %add3A_182 : i32
      %scan3A_184 = arith.constant 0 : i32
      %scan3A_185 = arith.constant 0 : i32
      %scan3A_186 = arith.constant 8 : i32
      %scan3A_187 = arith.addi %scan3A_185, %scan3A_186 : i32
      %scan3A_188 = arith.constant 1 : i32
      %scan3A_189 = scf.for %scan3A_216 = %scan3A_185 to %scan3A_187 step %scan3A_188 iter_args(%scan3A_217 = %scan3A_184) -> (i32)  : i32 {
        %mul3A_218 = arith.constant 16 : i32
        %mul3A_219 = arith.muli %mul3A_218, %scan3A_216 : i32
        %get3A_220 = arith.index_cast %mul3A_219 : i32 to index
        %get3A_221 = tpu.vector_load %arg7[%get3A_220] {strides = array<i32>} : memref<144xi32, #tpu.memory_space<vmem>>, vector<16xi32>,
        %sub3A_222 = vector.broadcast %min3A_183 : i32 to vector<16xi32>
        %sub3A_223 = arith.subi %sub3A_222, %get3A_221 : vector<16xi32>
        %max3A_224 = arith.constant 0 : i32
        %max3A_225 = vector.broadcast %max3A_224 : i32 to vector<16xi32>
        %max3A_226 = arith.maxsi %sub3A_223, %max3A_225 : vector<16xi32>
        %min3A_227 = arith.constant 1 : i32
        %min3A_228 = vector.broadcast %min3A_227 : i32 to vector<16xi32>
        %min3A_229 = arith.minsi %max3A_226, %min3A_228 : vector<16xi32>
        %reduce_sum3A = arith.constant true
        %reduce_sum3A_230 = vector.broadcast %reduce_sum3A : i1 to vector<16xi1>
        %reduce_sum3A_231 = tpu.scan <sum>, %min3A_229 masked %reduce_sum3A_230 : vector<16xi32>, vector<16xi1> -> vector<16xi32>
        %reduce_sum3A_232 = vector.extract %reduce_sum3A_231[15] : i32 from vector<16xi32>
        %add3A_233 = arith.addi %scan3A_217, %reduce_sum3A_232 : i32
        scf.yield %add3A_233 : i32
      }
      %scan3A_190 = arith.constant 8 : i32
      %while3A_191 = arith.constant 0 : i32
      %while3A_192 = arith.subi %scan3A_189, %max3A : i32
      %while3A_193 = arith.addi %max3A, %while3A_192 : i32
      %while3A_194 = arith.constant 1 : i32
      %while3A_195 = arith.divsi %while3A_192, %while3A_194 : i32
      %while3A_196 = arith.muli %while3A_195, %while3A_194 : i32
      %while3A_197 = arith.addi %max3A, %while3A_196 : i32
      %while3A_198 = arith.constant 1 : i32
      scf.for %while3A_216 = %max3A to %while3A_197 step %while3A_198  : i32 {
        %get3A_217 = arith.index_cast %while3A_216 : i32 to index
        %get3A_218 = tpu.vector_load %arg7[%get3A_217] {strides = array<i32>} : memref<144xi32, #tpu.memory_space<vmem>>, vector<16xi32>,
        %slice3A_219 = vector.extract_strided_slice %get3A_218 {offsets = [0], sizes = [1], strides = [1]} : vector<16xi32> to vector<1xi32>
        %squeeze3A_220 = vector.extract %slice3A_219[0] : i32 from vector<1xi32>
        %max3A_221 = arith.maxsi %squeeze3A_220, %mul3A_180 : i32
        %slice3A_222 = vector.extract_strided_slice %get3A_218 {offsets = [1], sizes = [1], strides = [1]} : vector<16xi32> to vector<1xi32>
        %squeeze3A_223 = vector.extract %slice3A_222[0] : i32 from vector<1xi32>
        %min3A_224 = arith.minsi %squeeze3A_223, %min3A_183 : i32
        %broadcast_in_dim3A = arith.constant 0.000000e+00 : f32
        %broadcast_in_dim3A_225 = vector.broadcast %broadcast_in_dim3A : f32 to vector<16xf32>
        %broadcast_in_dim3A_226 = arith.constant 0.000000e+00 : f32
        %broadcast_in_dim3A_227 = vector.broadcast %broadcast_in_dim3A_226 : f32 to vector<16xf32>
        %broadcast_in_dim3A_228 = arith.constant 0.000000e+00 : f32
        %broadcast_in_dim3A_229 = vector.broadcast %broadcast_in_dim3A_228 : f32 to vector<16xf32>
        %broadcast_in_dim3A_230 = arith.constant 0.000000e+00 : f32
        %broadcast_in_dim3A_231 = vector.broadcast %broadcast_in_dim3A_230 : f32 to vector<16xf32>
        %while3A_232 = arith.subi %min3A_224, %max3A_221 : i32
        %while3A_233 = arith.addi %max3A_221, %while3A_232 : i32
        %while3A_234 = arith.constant 1 : i32
        %while3A_235 = arith.divsi %while3A_232, %while3A_234 : i32
        %while3A_236 = arith.muli %while3A_235, %while3A_234 : i32
        %while3A_237 = arith.addi %max3A_221, %while3A_236 : i32
        %while3A_238 = arith.constant 1 : i32
        %while3A_239:4 = scf.for %while3A_246 = %max3A_221 to %while3A_237 step %while3A_238 iter_args(%while3A_247 = %broadcast_in_dim3A_225, %while3A_248 = %broadcast_in_dim3A_227, %while3A_249 = %broadcast_in_dim3A_229, %while3A_250 = %broadcast_in_dim3A_231) -> (vector<16xf32>, vector<16xf32>, vector<16xf32>, vector<16xf32>)  : i32 {
          %sub3A_251 = arith.subi %while3A_246, %mul3A_180 : i32
          %get3A_252 = arith.constant 1 : i32
          %get3A_253 = arith.index_cast %get3A_252 : i32 to index
          %get3A_254 = arith.index_cast %sub3A_251 : i32 to index
          %get3A_255 = tpu.vector_load %arg9[%get3A_253, %get3A_254] {strides = array<i32>} : memref<2x528xf32, #tpu.memory_space<vmem>>, vector<16xf32>,
          %slice3A_256 = vector.extract_strided_slice %get3A_255 {offsets = [0], sizes = [1], strides = [1]} : vector<16xf32> to vector<1xf32>
          %squeeze3A_257 = vector.extract %slice3A_256[0] : f32 from vector<1xf32>
          %get3A_258 = arith.constant 1 : i32
          %get3A_259 = arith.index_cast %get3A_258 : i32 to index
          %get3A_260 = arith.index_cast %sub3A_251 : i32 to index
          %get3A_261 = arith.constant 0 : index
          %get3A_262 = tpu.vector_load %arg10[%get3A_259, %get3A_260, %get3A_261] {strides = array<i32>} : memref<2x512x64xf32, #tpu.memory_space<vmem>>, vector<16xf32>,
          %mul3A_263 = vector.broadcast %squeeze3A_257 : f32 to vector<16xf32>
          %mul3A_264 = arith.mulf %mul3A_263, %get3A_262 : vector<16xf32>
          %add3A_265 = arith.addf %while3A_247, %mul3A_264 : vector<16xf32>
          %get3A_266 = arith.constant 1 : i32
          %get3A_267 = arith.index_cast %get3A_266 : i32 to index
          %get3A_268 = arith.index_cast %sub3A_251 : i32 to index
          %get3A_269 = arith.constant 16 : index
          %get3A_270 = tpu.vector_load %arg10[%get3A_267, %get3A_268, %get3A_269] {strides = array<i32>} : memref<2x512x64xf32, #tpu.memory_space<vmem>>, vector<16xf32>,
          %mul3A_271 = vector.broadcast %squeeze3A_257 : f32 to vector<16xf32>
          %mul3A_272 = arith.mulf %mul3A_271, %get3A_270 : vector<16xf32>
          %add3A_273 = arith.addf %while3A_248, %mul3A_272 : vector<16xf32>
          %get3A_274 = arith.constant 1 : i32
          %get3A_275 = arith.index_cast %get3A_274 : i32 to index
          %get3A_276 = arith.index_cast %sub3A_251 : i32 to index
          %get3A_277 = arith.constant 32 : index
          %get3A_278 = tpu.vector_load %arg10[%get3A_275, %get3A_276, %get3A_277] {strides = array<i32>} : memref<2x512x64xf32, #tpu.memory_space<vmem>>, vector<16xf32>,
          %mul3A_279 = vector.broadcast %squeeze3A_257 : f32 to vector<16xf32>
          %mul3A_280 = arith.mulf %mul3A_279, %get3A_278 : vector<16xf32>
          %add3A_281 = arith.addf %while3A_249, %mul3A_280 : vector<16xf32>
          %get3A_282 = arith.constant 1 : i32
          %get3A_283 = arith.index_cast %get3A_282 : i32 to index
          %get3A_284 = arith.index_cast %sub3A_251 : i32 to index
          %get3A_285 = arith.constant 48 : index
          %get3A_286 = tpu.vector_load %arg10[%get3A_283, %get3A_284, %get3A_285] {strides = array<i32>} : memref<2x512x64xf32, #tpu.memory_space<vmem>>, vector<16xf32>,
          %mul3A_287 = vector.broadcast %squeeze3A_257 : f32 to vector<16xf32>
          %mul3A_288 = arith.mulf %mul3A_287, %get3A_286 : vector<16xf32>
          %add3A_289 = arith.addf %while3A_250, %mul3A_288 : vector<16xf32>
          scf.yield %add3A_265, %add3A_273, %add3A_281, %add3A_289 : vector<16xf32>, vector<16xf32>, vector<16xf32>, vector<16xf32>
        }
        %while3A_240 = arith.constant 1 : i32
        %while3A_241:4 = scf.for %while3A_246 = %while3A_237 to %while3A_233 step %while3A_240 iter_args(%while3A_247 = %while3A_239#0, %while3A_248 = %while3A_239#1, %while3A_249 = %while3A_239#2, %while3A_250 = %while3A_239#3) -> (vector<16xf32>, vector<16xf32>, vector<16xf32>, vector<16xf32>)  : i32 {
          %sub3A_251 = arith.subi %while3A_246, %mul3A_180 : i32
          %get3A_252 = arith.constant 1 : i32
          %get3A_253 = arith.index_cast %get3A_252 : i32 to index
          %get3A_254 = arith.index_cast %sub3A_251 : i32 to index
          %get3A_255 = tpu.vector_load %arg9[%get3A_253, %get3A_254] {strides = array<i32>} : memref<2x528xf32, #tpu.memory_space<vmem>>, vector<16xf32>,
          %slice3A_256 = vector.extract_strided_slice %get3A_255 {offsets = [0], sizes = [1], strides = [1]} : vector<16xf32> to vector<1xf32>
          %squeeze3A_257 = vector.extract %slice3A_256[0] : f32 from vector<1xf32>
          %get3A_258 = arith.constant 1 : i32
          %get3A_259 = arith.index_cast %get3A_258 : i32 to index
          %get3A_260 = arith.index_cast %sub3A_251 : i32 to index
          %get3A_261 = arith.constant 0 : index
          %get3A_262 = tpu.vector_load %arg10[%get3A_259, %get3A_260, %get3A_261] {strides = array<i32>} : memref<2x512x64xf32, #tpu.memory_space<vmem>>, vector<16xf32>,
          %mul3A_263 = vector.broadcast %squeeze3A_257 : f32 to vector<16xf32>
          %mul3A_264 = arith.mulf %mul3A_263, %get3A_262 : vector<16xf32>
          %add3A_265 = arith.addf %while3A_247, %mul3A_264 : vector<16xf32>
          %get3A_266 = arith.constant 1 : i32
          %get3A_267 = arith.index_cast %get3A_266 : i32 to index
          %get3A_268 = arith.index_cast %sub3A_251 : i32 to index
          %get3A_269 = arith.constant 16 : index
          %get3A_270 = tpu.vector_load %arg10[%get3A_267, %get3A_268, %get3A_269] {strides = array<i32>} : memref<2x512x64xf32, #tpu.memory_space<vmem>>, vector<16xf32>,
          %mul3A_271 = vector.broadcast %squeeze3A_257 : f32 to vector<16xf32>
          %mul3A_272 = arith.mulf %mul3A_271, %get3A_270 : vector<16xf32>
          %add3A_273 = arith.addf %while3A_248, %mul3A_272 : vector<16xf32>
          %get3A_274 = arith.constant 1 : i32
          %get3A_275 = arith.index_cast %get3A_274 : i32 to index
          %get3A_276 = arith.index_cast %sub3A_251 : i32 to index
          %get3A_277 = arith.constant 32 : index
          %get3A_278 = tpu.vector_load %arg10[%get3A_275, %get3A_276, %get3A_277] {strides = array<i32>} : memref<2x512x64xf32, #tpu.memory_space<vmem>>, vector<16xf32>,
          %mul3A_279 = vector.broadcast %squeeze3A_257 : f32 to vector<16xf32>
          %mul3A_280 = arith.mulf %mul3A_279, %get3A_278 : vector<16xf32>
          %add3A_281 = arith.addf %while3A_249, %mul3A_280 : vector<16xf32>
          %get3A_282 = arith.constant 1 : i32
          %get3A_283 = arith.index_cast %get3A_282 : i32 to index
          %get3A_284 = arith.index_cast %sub3A_251 : i32 to index
          %get3A_285 = arith.constant 48 : index
          %get3A_286 = tpu.vector_load %arg10[%get3A_283, %get3A_284, %get3A_285] {strides = array<i32>} : memref<2x512x64xf32, #tpu.memory_space<vmem>>, vector<16xf32>,
          %mul3A_287 = vector.broadcast %squeeze3A_257 : f32 to vector<16xf32>
          %mul3A_288 = arith.mulf %mul3A_287, %get3A_286 : vector<16xf32>
          %add3A_289 = arith.addf %while3A_250, %mul3A_288 : vector<16xf32>
          scf.yield %add3A_265, %add3A_273, %add3A_281, %add3A_289 : vector<16xf32>, vector<16xf32>, vector<16xf32>, vector<16xf32>
        }
        %gt3A_242 = arith.cmpi sgt, %min3A_224, %max3A_221 : i32
        %convert_element_type3A_243 = arith.extui %gt3A_242 : i1 to i32
        %cond3A_244 = arith.constant 0 : i32
        %cond3A_245 = arith.cmpi ne, %convert_element_type3A_243, %cond3A_244 : i32
        scf.if %cond3A_245 {
          %swap3A = arith.index_cast %while3A_216 : i32 to index
          %swap3A_246 = arith.constant 0 : index
          %swap3A_247 = tpu.vector_load %arg11[%swap3A, %swap3A_246] {strides = array<i32>} : memref<128x64xf32, #tpu.memory_space<vmem>>, vector<16xf32>,
          tpu.vector_store %arg11[%swap3A, %swap3A_246], %while3A_241#0 {add = true, strides = array<i32>} : memref<128x64xf32, #tpu.memory_space<vmem>>, vector<16xf32>,
          %swap3A_248 = arith.index_cast %while3A_216 : i32 to index
          %swap3A_249 = arith.constant 16 : index
          %swap3A_250 = tpu.vector_load %arg11[%swap3A_248, %swap3A_249] {strides = array<i32>} : memref<128x64xf32, #tpu.memory_space<vmem>>, vector<16xf32>,
          tpu.vector_store %arg11[%swap3A_248, %swap3A_249], %while3A_241#1 {add = true, strides = array<i32>} : memref<128x64xf32, #tpu.memory_space<vmem>>, vector<16xf32>,
          %swap3A_251 = arith.index_cast %while3A_216 : i32 to index
          %swap3A_252 = arith.constant 32 : index
          %swap3A_253 = tpu.vector_load %arg11[%swap3A_251, %swap3A_252] {strides = array<i32>} : memref<128x64xf32, #tpu.memory_space<vmem>>, vector<16xf32>,
          tpu.vector_store %arg11[%swap3A_251, %swap3A_252], %while3A_241#2 {add = true, strides = array<i32>} : memref<128x64xf32, #tpu.memory_space<vmem>>, vector<16xf32>,
          %swap3A_254 = arith.index_cast %while3A_216 : i32 to index
          %swap3A_255 = arith.constant 48 : index
          %swap3A_256 = tpu.vector_load %arg11[%swap3A_254, %swap3A_255] {strides = array<i32>} : memref<128x64xf32, #tpu.memory_space<vmem>>, vector<16xf32>,
          tpu.vector_store %arg11[%swap3A_254, %swap3A_255], %while3A_241#3 {add = true, strides = array<i32>} : memref<128x64xf32, #tpu.memory_space<vmem>>, vector<16xf32>,
        } else {
        }
      }
      %while3A_199 = arith.constant 1 : i32
      scf.for %while3A_216 = %while3A_197 to %while3A_193 step %while3A_199  : i32 {
        %get3A_217 = arith.index_cast %while3A_216 : i32 to index
        %get3A_218 = tpu.vector_load %arg7[%get3A_217] {strides = array<i32>} : memref<144xi32, #tpu.memory_space<vmem>>, vector<16xi32>,
        %slice3A_219 = vector.extract_strided_slice %get3A_218 {offsets = [0], sizes = [1], strides = [1]} : vector<16xi32> to vector<1xi32>
        %squeeze3A_220 = vector.extract %slice3A_219[0] : i32 from vector<1xi32>
        %max3A_221 = arith.maxsi %squeeze3A_220, %mul3A_180 : i32
        %slice3A_222 = vector.extract_strided_slice %get3A_218 {offsets = [1], sizes = [1], strides = [1]} : vector<16xi32> to vector<1xi32>
        %squeeze3A_223 = vector.extract %slice3A_222[0] : i32 from vector<1xi32>
        %min3A_224 = arith.minsi %squeeze3A_223, %min3A_183 : i32
        %broadcast_in_dim3A = arith.constant 0.000000e+00 : f32
        %broadcast_in_dim3A_225 = vector.broadcast %broadcast_in_dim3A : f32 to vector<16xf32>
        %broadcast_in_dim3A_226 = arith.constant 0.000000e+00 : f32
        %broadcast_in_dim3A_227 = vector.broadcast %broadcast_in_dim3A_226 : f32 to vector<16xf32>
        %broadcast_in_dim3A_228 = arith.constant 0.000000e+00 : f32
        %broadcast_in_dim3A_229 = vector.broadcast %broadcast_in_dim3A_228 : f32 to vector<16xf32>
        %broadcast_in_dim3A_230 = arith.constant 0.000000e+00 : f32
        %broadcast_in_dim3A_231 = vector.broadcast %broadcast_in_dim3A_230 : f32 to vector<16xf32>
        %while3A_232 = arith.subi %min3A_224, %max3A_221 : i32
        %while3A_233 = arith.addi %max3A_221, %while3A_232 : i32
        %while3A_234 = arith.constant 1 : i32
        %while3A_235 = arith.divsi %while3A_232, %while3A_234 : i32
        %while3A_236 = arith.muli %while3A_235, %while3A_234 : i32
        %while3A_237 = arith.addi %max3A_221, %while3A_236 : i32
        %while3A_238 = arith.constant 1 : i32
        %while3A_239:4 = scf.for %while3A_246 = %max3A_221 to %while3A_237 step %while3A_238 iter_args(%while3A_247 = %broadcast_in_dim3A_225, %while3A_248 = %broadcast_in_dim3A_227, %while3A_249 = %broadcast_in_dim3A_229, %while3A_250 = %broadcast_in_dim3A_231) -> (vector<16xf32>, vector<16xf32>, vector<16xf32>, vector<16xf32>)  : i32 {
          %sub3A_251 = arith.subi %while3A_246, %mul3A_180 : i32
          %get3A_252 = arith.constant 1 : i32
          %get3A_253 = arith.index_cast %get3A_252 : i32 to index
          %get3A_254 = arith.index_cast %sub3A_251 : i32 to index
          %get3A_255 = tpu.vector_load %arg9[%get3A_253, %get3A_254] {strides = array<i32>} : memref<2x528xf32, #tpu.memory_space<vmem>>, vector<16xf32>,
          %slice3A_256 = vector.extract_strided_slice %get3A_255 {offsets = [0], sizes = [1], strides = [1]} : vector<16xf32> to vector<1xf32>
          %squeeze3A_257 = vector.extract %slice3A_256[0] : f32 from vector<1xf32>
          %get3A_258 = arith.constant 1 : i32
          %get3A_259 = arith.index_cast %get3A_258 : i32 to index
          %get3A_260 = arith.index_cast %sub3A_251 : i32 to index
          %get3A_261 = arith.constant 0 : index
          %get3A_262 = tpu.vector_load %arg10[%get3A_259, %get3A_260, %get3A_261] {strides = array<i32>} : memref<2x512x64xf32, #tpu.memory_space<vmem>>, vector<16xf32>,
          %mul3A_263 = vector.broadcast %squeeze3A_257 : f32 to vector<16xf32>
          %mul3A_264 = arith.mulf %mul3A_263, %get3A_262 : vector<16xf32>
          %add3A_265 = arith.addf %while3A_247, %mul3A_264 : vector<16xf32>
          %get3A_266 = arith.constant 1 : i32
          %get3A_267 = arith.index_cast %get3A_266 : i32 to index
          %get3A_268 = arith.index_cast %sub3A_251 : i32 to index
          %get3A_269 = arith.constant 16 : index
          %get3A_270 = tpu.vector_load %arg10[%get3A_267, %get3A_268, %get3A_269] {strides = array<i32>} : memref<2x512x64xf32, #tpu.memory_space<vmem>>, vector<16xf32>,
          %mul3A_271 = vector.broadcast %squeeze3A_257 : f32 to vector<16xf32>
          %mul3A_272 = arith.mulf %mul3A_271, %get3A_270 : vector<16xf32>
          %add3A_273 = arith.addf %while3A_248, %mul3A_272 : vector<16xf32>
          %get3A_274 = arith.constant 1 : i32
          %get3A_275 = arith.index_cast %get3A_274 : i32 to index
          %get3A_276 = arith.index_cast %sub3A_251 : i32 to index
          %get3A_277 = arith.constant 32 : index
          %get3A_278 = tpu.vector_load %arg10[%get3A_275, %get3A_276, %get3A_277] {strides = array<i32>} : memref<2x512x64xf32, #tpu.memory_space<vmem>>, vector<16xf32>,
          %mul3A_279 = vector.broadcast %squeeze3A_257 : f32 to vector<16xf32>
          %mul3A_280 = arith.mulf %mul3A_279, %get3A_278 : vector<16xf32>
          %add3A_281 = arith.addf %while3A_249, %mul3A_280 : vector<16xf32>
          %get3A_282 = arith.constant 1 : i32
          %get3A_283 = arith.index_cast %get3A_282 : i32 to index
          %get3A_284 = arith.index_cast %sub3A_251 : i32 to index
          %get3A_285 = arith.constant 48 : index
          %get3A_286 = tpu.vector_load %arg10[%get3A_283, %get3A_284, %get3A_285] {strides = array<i32>} : memref<2x512x64xf32, #tpu.memory_space<vmem>>, vector<16xf32>,
          %mul3A_287 = vector.broadcast %squeeze3A_257 : f32 to vector<16xf32>
          %mul3A_288 = arith.mulf %mul3A_287, %get3A_286 : vector<16xf32>
          %add3A_289 = arith.addf %while3A_250, %mul3A_288 : vector<16xf32>
          scf.yield %add3A_265, %add3A_273, %add3A_281, %add3A_289 : vector<16xf32>, vector<16xf32>, vector<16xf32>, vector<16xf32>
        }
        %while3A_240 = arith.constant 1 : i32
        %while3A_241:4 = scf.for %while3A_246 = %while3A_237 to %while3A_233 step %while3A_240 iter_args(%while3A_247 = %while3A_239#0, %while3A_248 = %while3A_239#1, %while3A_249 = %while3A_239#2, %while3A_250 = %while3A_239#3) -> (vector<16xf32>, vector<16xf32>, vector<16xf32>, vector<16xf32>)  : i32 {
          %sub3A_251 = arith.subi %while3A_246, %mul3A_180 : i32
          %get3A_252 = arith.constant 1 : i32
          %get3A_253 = arith.index_cast %get3A_252 : i32 to index
          %get3A_254 = arith.index_cast %sub3A_251 : i32 to index
          %get3A_255 = tpu.vector_load %arg9[%get3A_253, %get3A_254] {strides = array<i32>} : memref<2x528xf32, #tpu.memory_space<vmem>>, vector<16xf32>,
          %slice3A_256 = vector.extract_strided_slice %get3A_255 {offsets = [0], sizes = [1], strides = [1]} : vector<16xf32> to vector<1xf32>
          %squeeze3A_257 = vector.extract %slice3A_256[0] : f32 from vector<1xf32>
          %get3A_258 = arith.constant 1 : i32
          %get3A_259 = arith.index_cast %get3A_258 : i32 to index
          %get3A_260 = arith.index_cast %sub3A_251 : i32 to index
          %get3A_261 = arith.constant 0 : index
          %get3A_262 = tpu.vector_load %arg10[%get3A_259, %get3A_260, %get3A_261] {strides = array<i32>} : memref<2x512x64xf32, #tpu.memory_space<vmem>>, vector<16xf32>,
          %mul3A_263 = vector.broadcast %squeeze3A_257 : f32 to vector<16xf32>
          %mul3A_264 = arith.mulf %mul3A_263, %get3A_262 : vector<16xf32>
          %add3A_265 = arith.addf %while3A_247, %mul3A_264 : vector<16xf32>
          %get3A_266 = arith.constant 1 : i32
          %get3A_267 = arith.index_cast %get3A_266 : i32 to index
          %get3A_268 = arith.index_cast %sub3A_251 : i32 to index
          %get3A_269 = arith.constant 16 : index
          %get3A_270 = tpu.vector_load %arg10[%get3A_267, %get3A_268, %get3A_269] {strides = array<i32>} : memref<2x512x64xf32, #tpu.memory_space<vmem>>, vector<16xf32>,
          %mul3A_271 = vector.broadcast %squeeze3A_257 : f32 to vector<16xf32>
          %mul3A_272 = arith.mulf %mul3A_271, %get3A_270 : vector<16xf32>
          %add3A_273 = arith.addf %while3A_248, %mul3A_272 : vector<16xf32>
          %get3A_274 = arith.constant 1 : i32
          %get3A_275 = arith.index_cast %get3A_274 : i32 to index
          %get3A_276 = arith.index_cast %sub3A_251 : i32 to index
          %get3A_277 = arith.constant 32 : index
          %get3A_278 = tpu.vector_load %arg10[%get3A_275, %get3A_276, %get3A_277] {strides = array<i32>} : memref<2x512x64xf32, #tpu.memory_space<vmem>>, vector<16xf32>,
          %mul3A_279 = vector.broadcast %squeeze3A_257 : f32 to vector<16xf32>
          %mul3A_280 = arith.mulf %mul3A_279, %get3A_278 : vector<16xf32>
          %add3A_281 = arith.addf %while3A_249, %mul3A_280 : vector<16xf32>
          %get3A_282 = arith.constant 1 : i32
          %get3A_283 = arith.index_cast %get3A_282 : i32 to index
          %get3A_284 = arith.index_cast %sub3A_251 : i32 to index
          %get3A_285 = arith.constant 48 : index
          %get3A_286 = tpu.vector_load %arg10[%get3A_283, %get3A_284, %get3A_285] {strides = array<i32>} : memref<2x512x64xf32, #tpu.memory_space<vmem>>, vector<16xf32>,
          %mul3A_287 = vector.broadcast %squeeze3A_257 : f32 to vector<16xf32>
          %mul3A_288 = arith.mulf %mul3A_287, %get3A_286 : vector<16xf32>
          %add3A_289 = arith.addf %while3A_250, %mul3A_288 : vector<16xf32>
          scf.yield %add3A_265, %add3A_273, %add3A_281, %add3A_289 : vector<16xf32>, vector<16xf32>, vector<16xf32>, vector<16xf32>
        }
        %gt3A_242 = arith.cmpi sgt, %min3A_224, %max3A_221 : i32
        %convert_element_type3A_243 = arith.extui %gt3A_242 : i1 to i32
        %cond3A_244 = arith.constant 0 : i32
        %cond3A_245 = arith.cmpi ne, %convert_element_type3A_243, %cond3A_244 : i32
        scf.if %cond3A_245 {
          %swap3A = arith.index_cast %while3A_216 : i32 to index
          %swap3A_246 = arith.constant 0 : index
          %swap3A_247 = tpu.vector_load %arg11[%swap3A, %swap3A_246] {strides = array<i32>} : memref<128x64xf32, #tpu.memory_space<vmem>>, vector<16xf32>,
          tpu.vector_store %arg11[%swap3A, %swap3A_246], %while3A_241#0 {add = true, strides = array<i32>} : memref<128x64xf32, #tpu.memory_space<vmem>>, vector<16xf32>,
          %swap3A_248 = arith.index_cast %while3A_216 : i32 to index
          %swap3A_249 = arith.constant 16 : index
          %swap3A_250 = tpu.vector_load %arg11[%swap3A_248, %swap3A_249] {strides = array<i32>} : memref<128x64xf32, #tpu.memory_space<vmem>>, vector<16xf32>,
          tpu.vector_store %arg11[%swap3A_248, %swap3A_249], %while3A_241#1 {add = true, strides = array<i32>} : memref<128x64xf32, #tpu.memory_space<vmem>>, vector<16xf32>,
          %swap3A_251 = arith.index_cast %while3A_216 : i32 to index
          %swap3A_252 = arith.constant 32 : index
          %swap3A_253 = tpu.vector_load %arg11[%swap3A_251, %swap3A_252] {strides = array<i32>} : memref<128x64xf32, #tpu.memory_space<vmem>>, vector<16xf32>,
          tpu.vector_store %arg11[%swap3A_251, %swap3A_252], %while3A_241#2 {add = true, strides = array<i32>} : memref<128x64xf32, #tpu.memory_space<vmem>>, vector<16xf32>,
          %swap3A_254 = arith.index_cast %while3A_216 : i32 to index
          %swap3A_255 = arith.constant 48 : index
          %swap3A_256 = tpu.vector_load %arg11[%swap3A_254, %swap3A_255] {strides = array<i32>} : memref<128x64xf32, #tpu.memory_space<vmem>>, vector<16xf32>,
          tpu.vector_store %arg11[%swap3A_254, %swap3A_255], %while3A_241#3 {add = true, strides = array<i32>} : memref<128x64xf32, #tpu.memory_space<vmem>>, vector<16xf32>,
        } else {
        }
      }
      %get3A_200 = arith.index_cast %scan3A_189 : i32 to index
      %get3A_201 = tpu.vector_load %arg7[%get3A_200] {strides = array<i32>} : memref<144xi32, #tpu.memory_space<vmem>>, vector<16xi32>,
      %slice3A_202 = vector.extract_strided_slice %get3A_201 {offsets = [0], sizes = [1], strides = [1]} : vector<16xi32> to vector<1xi32>
      %squeeze3A_203 = vector.extract %slice3A_202[0] : i32 from vector<1xi32>
      %gt3A_204 = arith.cmpi sgt, %squeeze3A_203, %min3A_183 : i32
      %jit3A_205 = arith.constant 1 : i32
      %jit3A_206 = arith.constant 0 : i32
      %select_n3A_207 = arith.select %gt3A_204, %jit3A_205, %jit3A_206 : i32
      %sub3A_208 = arith.subi %scan3A_189, %select_n3A_207 : i32
      %max3A_209 = arith.maxsi %max3A, %sub3A_208 : i32
      %add3A_210 = arith.constant 2 : i32
      %add3A_211 = arith.addi %add3A_168, %add3A_210 : i32
      %lt3A_212 = arith.cmpi slt, %add3A_211, %select_n3A_60 : i32
      %convert_element_type3A_213 = arith.extui %lt3A_212 : i1 to i32
      %cond3A_214 = arith.constant 0 : i32
      %cond3A_215 = arith.cmpi ne, %convert_element_type3A_213, %cond3A_214 : i32
      scf.if %cond3A_215 {
        %add3A_216 = arith.constant 2 : i32
        %add3A_217 = arith.addi %add3A_168, %add3A_216 : i32
        %mul3A_218 = arith.constant 512 : i32
        %mul3A_219 = arith.muli %add3A_217, %mul3A_218 : i32
        %add3A_220 = arith.constant 0 : i32
        %add3A_221 = arith.addi %mul3A_219, %add3A_220 : i32
        %dma_start3A = arith.constant 1 : i32
        %dma_start3A_222 = arith.constant 0 : i32
        %dma_start3A_223 = arith.constant 0 : i32
        %dma_start3A_224 = tpu.memref_slice %arg8[%dma_start3A, %dma_start3A_222, %dma_start3A_223] : memref<2x4x128xi32, #tpu.memory_space<vmem>> -> memref<1x1x128xi32, #tpu.memory_space<vmem>>
        %dma_start3A_225 = tpu.memref_squeeze %dma_start3A_224 : memref<1x1x128xi32, #tpu.memory_space<vmem>> -> memref<128xi32, #tpu.memory_space<vmem>>
        %dma_start3A_226 = tpu.memref_slice %arg2[%add3A_221] : memref<204800xi32, #tpu.memory_space<hbm>> -> memref<128xi32, #tpu.memory_space<hbm>>
        %dma_start3A_227 = arith.constant 0 : i32
        %dma_start3A_228 = tpu.memref_slice %arg8[%dma_start3A, %dma_start3A_222, %dma_start3A_227] : memref<2x4x128xi32, #tpu.memory_space<vmem>> -> memref<1x1x128xi32, #tpu.memory_space<vmem>>
        %dma_start3A_229 = tpu.memref_squeeze %dma_start3A_228 : memref<1x1x128xi32, #tpu.memory_space<vmem>> -> memref<128xi32, #tpu.memory_space<vmem>>
        %dma_start3A_230 = tpu.memref_slice %arg2[%add3A_221] : memref<204800xi32, #tpu.memory_space<hbm>> -> memref<128xi32, #tpu.memory_space<hbm>>
        tpu.enqueue_dma source(%dma_start3A_230 : memref<128xi32, #tpu.memory_space<hbm>>) target(%dma_start3A_229 : memref<128xi32, #tpu.memory_space<vmem>>) target_semaphore(%arg13 : memref<!tpu.dma_semaphore, #tpu.memory_space<semaphore_mem>>)
        %mul3A_231 = arith.constant 512 : i32
        %mul3A_232 = arith.muli %add3A_217, %mul3A_231 : i32
        %add3A_233 = arith.constant 128 : i32
        %add3A_234 = arith.addi %mul3A_232, %add3A_233 : i32
        %dma_start3A_235 = arith.constant 1 : i32
        %dma_start3A_236 = arith.constant 1 : i32
        %dma_start3A_237 = arith.constant 0 : i32
        %dma_start3A_238 = tpu.memref_slice %arg8[%dma_start3A_235, %dma_start3A_236, %dma_start3A_237] : memref<2x4x128xi32, #tpu.memory_space<vmem>> -> memref<1x1x128xi32, #tpu.memory_space<vmem>>
        %dma_start3A_239 = tpu.memref_squeeze %dma_start3A_238 : memref<1x1x128xi32, #tpu.memory_space<vmem>> -> memref<128xi32, #tpu.memory_space<vmem>>
        %dma_start3A_240 = tpu.memref_slice %arg2[%add3A_234] : memref<204800xi32, #tpu.memory_space<hbm>> -> memref<128xi32, #tpu.memory_space<hbm>>
        %dma_start3A_241 = arith.constant 0 : i32
        %dma_start3A_242 = tpu.memref_slice %arg8[%dma_start3A_235, %dma_start3A_236, %dma_start3A_241] : memref<2x4x128xi32, #tpu.memory_space<vmem>> -> memref<1x1x128xi32, #tpu.memory_space<vmem>>
        %dma_start3A_243 = tpu.memref_squeeze %dma_start3A_242 : memref<1x1x128xi32, #tpu.memory_space<vmem>> -> memref<128xi32, #tpu.memory_space<vmem>>
        %dma_start3A_244 = tpu.memref_slice %arg2[%add3A_234] : memref<204800xi32, #tpu.memory_space<hbm>> -> memref<128xi32, #tpu.memory_space<hbm>>
        tpu.enqueue_dma source(%dma_start3A_244 : memref<128xi32, #tpu.memory_space<hbm>>) target(%dma_start3A_243 : memref<128xi32, #tpu.memory_space<vmem>>) target_semaphore(%arg13 : memref<!tpu.dma_semaphore, #tpu.memory_space<semaphore_mem>>)
        %mul3A_245 = arith.constant 512 : i32
        %mul3A_246 = arith.muli %add3A_217, %mul3A_245 : i32
        %add3A_247 = arith.constant 256 : i32
        %add3A_248 = arith.addi %mul3A_246, %add3A_247 : i32
        %dma_start3A_249 = arith.constant 1 : i32
        %dma_start3A_250 = arith.constant 2 : i32
        %dma_start3A_251 = arith.constant 0 : i32
        %dma_start3A_252 = tpu.memref_slice %arg8[%dma_start3A_249, %dma_start3A_250, %dma_start3A_251] : memref<2x4x128xi32, #tpu.memory_space<vmem>> -> memref<1x1x128xi32, #tpu.memory_space<vmem>>
        %dma_start3A_253 = tpu.memref_squeeze %dma_start3A_252 : memref<1x1x128xi32, #tpu.memory_space<vmem>> -> memref<128xi32, #tpu.memory_space<vmem>>
        %dma_start3A_254 = tpu.memref_slice %arg2[%add3A_248] : memref<204800xi32, #tpu.memory_space<hbm>> -> memref<128xi32, #tpu.memory_space<hbm>>
        %dma_start3A_255 = arith.constant 0 : i32
        %dma_start3A_256 = tpu.memref_slice %arg8[%dma_start3A_249, %dma_start3A_250, %dma_start3A_255] : memref<2x4x128xi32, #tpu.memory_space<vmem>> -> memref<1x1x128xi32, #tpu.memory_space<vmem>>
        %dma_start3A_257 = tpu.memref_squeeze %dma_start3A_256 : memref<1x1x128xi32, #tpu.memory_space<vmem>> -> memref<128xi32, #tpu.memory_space<vmem>>
        %dma_start3A_258 = tpu.memref_slice %arg2[%add3A_248] : memref<204800xi32, #tpu.memory_space<hbm>> -> memref<128xi32, #tpu.memory_space<hbm>>
        tpu.enqueue_dma source(%dma_start3A_258 : memref<128xi32, #tpu.memory_space<hbm>>) target(%dma_start3A_257 : memref<128xi32, #tpu.memory_space<vmem>>) target_semaphore(%arg13 : memref<!tpu.dma_semaphore, #tpu.memory_space<semaphore_mem>>)
        %mul3A_259 = arith.constant 512 : i32
        %mul3A_260 = arith.muli %add3A_217, %mul3A_259 : i32
        %add3A_261 = arith.constant 384 : i32
        %add3A_262 = arith.addi %mul3A_260, %add3A_261 : i32
        %dma_start3A_263 = arith.constant 1 : i32
        %dma_start3A_264 = arith.constant 3 : i32
        %dma_start3A_265 = arith.constant 0 : i32
        %dma_start3A_266 = tpu.memref_slice %arg8[%dma_start3A_263, %dma_start3A_264, %dma_start3A_265] : memref<2x4x128xi32, #tpu.memory_space<vmem>> -> memref<1x1x128xi32, #tpu.memory_space<vmem>>
        %dma_start3A_267 = tpu.memref_squeeze %dma_start3A_266 : memref<1x1x128xi32, #tpu.memory_space<vmem>> -> memref<128xi32, #tpu.memory_space<vmem>>
        %dma_start3A_268 = tpu.memref_slice %arg2[%add3A_262] : memref<204800xi32, #tpu.memory_space<hbm>> -> memref<128xi32, #tpu.memory_space<hbm>>
        %dma_start3A_269 = arith.constant 0 : i32
        %dma_start3A_270 = tpu.memref_slice %arg8[%dma_start3A_263, %dma_start3A_264, %dma_start3A_269] : memref<2x4x128xi32, #tpu.memory_space<vmem>> -> memref<1x1x128xi32, #tpu.memory_space<vmem>>
        %dma_start3A_271 = tpu.memref_squeeze %dma_start3A_270 : memref<1x1x128xi32, #tpu.memory_space<vmem>> -> memref<128xi32, #tpu.memory_space<vmem>>
        %dma_start3A_272 = tpu.memref_slice %arg2[%add3A_262] : memref<204800xi32, #tpu.memory_space<hbm>> -> memref<128xi32, #tpu.memory_space<hbm>>
        tpu.enqueue_dma source(%dma_start3A_272 : memref<128xi32, #tpu.memory_space<hbm>>) target(%dma_start3A_271 : memref<128xi32, #tpu.memory_space<vmem>>) target_semaphore(%arg13 : memref<!tpu.dma_semaphore, #tpu.memory_space<semaphore_mem>>)
        %mul3A_273 = arith.constant 512 : i32
        %mul3A_274 = arith.muli %add3A_217, %mul3A_273 : i32
        %dma_start3A_275 = arith.constant 1 : i32
        %dma_start3A_276 = arith.constant 0 : i32
        %dma_start3A_277 = tpu.memref_slice %arg9[%dma_start3A_275, %dma_start3A_276] : memref<2x528xf32, #tpu.memory_space<vmem>> -> memref<1x512xf32, #tpu.memory_space<vmem>>
        %dma_start3A_278 = tpu.memref_squeeze %dma_start3A_277 : memref<1x512xf32, #tpu.memory_space<vmem>> -> memref<512xf32, #tpu.memory_space<vmem>>
        %dma_start3A_279 = tpu.memref_slice %arg4[%mul3A_274] : memref<204800xf32, #tpu.memory_space<hbm>> -> memref<512xf32, #tpu.memory_space<hbm>>
        %dma_start3A_280 = arith.constant 0 : i32
        %dma_start3A_281 = tpu.memref_slice %arg9[%dma_start3A_275, %dma_start3A_280] : memref<2x528xf32, #tpu.memory_space<vmem>> -> memref<1x512xf32, #tpu.memory_space<vmem>>
        %dma_start3A_282 = tpu.memref_squeeze %dma_start3A_281 : memref<1x512xf32, #tpu.memory_space<vmem>> -> memref<512xf32, #tpu.memory_space<vmem>>
        %dma_start3A_283 = tpu.memref_slice %arg4[%mul3A_274] : memref<204800xf32, #tpu.memory_space<hbm>> -> memref<512xf32, #tpu.memory_space<hbm>>
        tpu.enqueue_dma source(%dma_start3A_283 : memref<512xf32, #tpu.memory_space<hbm>>) target(%dma_start3A_282 : memref<512xf32, #tpu.memory_space<vmem>>) target_semaphore(%arg13 : memref<!tpu.dma_semaphore, #tpu.memory_space<semaphore_mem>>)
      } else {
      }
      scf.yield %max3A_209 : i32
    }
    %while3A_111 = arith.constant 1 : i32
    %while3A_112 = scf.for %while3A_113 = %while3A_108 to %while3A_104 step %while3A_111 iter_args(%while3A_114 = %while3A_110) -> (i32)  : i32 {
      %mul3A_115 = arith.constant 2 : i32
      %mul3A_116 = arith.muli %mul3A_115, %while3A_113 : i32
      %add3A_117 = arith.addi %select_n3A, %mul3A_116 : i32
      %add3A_118 = arith.constant 0 : i32
      %add3A_119 = arith.addi %add3A_117, %add3A_118 : i32
      %add3A_120 = arith.constant 1 : i32
      %add3A_121 = arith.addi %add3A_119, %add3A_120 : i32
      %lt3A_122 = arith.cmpi slt, %add3A_121, %select_n3A_60 : i32
      %convert_element_type3A_123 = arith.extui %lt3A_122 : i1 to i32
      %cond3A_124 = arith.constant 0 : i32
      %cond3A_125 = arith.cmpi ne, %convert_element_type3A_123, %cond3A_124 : i32
      scf.if %cond3A_125 {
        %dma_wait3A = arith.constant 1 : i32
        %dma_wait3A_216 = arith.constant 0 : i32
        %dma_wait3A_217 = arith.constant 0 : i32
        %dma_wait3A_218 = tpu.memref_slice %arg8[%dma_wait3A, %dma_wait3A_216, %dma_wait3A_217] : memref<2x4x128xi32, #tpu.memory_space<vmem>> -> memref<1x1x128xi32, #tpu.memory_space<vmem>>
        %dma_wait3A_219 = tpu.memref_squeeze %dma_wait3A_218 : memref<1x1x128xi32, #tpu.memory_space<vmem>> -> memref<128xi32, #tpu.memory_space<vmem>>
        %dma_wait3A_220 = arith.constant 0 : i32
        %dma_wait3A_221 = tpu.memref_slice %arg2[%dma_wait3A_220] : memref<204800xi32, #tpu.memory_space<hbm>> -> memref<128xi32, #tpu.memory_space<hbm>>
        %dma_wait3A_222 = arith.constant 0 : i32
        %dma_wait3A_223 = tpu.memref_slice %arg8[%dma_wait3A, %dma_wait3A_216, %dma_wait3A_222] : memref<2x4x128xi32, #tpu.memory_space<vmem>> -> memref<1x1x128xi32, #tpu.memory_space<vmem>>
        %dma_wait3A_224 = tpu.memref_squeeze %dma_wait3A_223 : memref<1x1x128xi32, #tpu.memory_space<vmem>> -> memref<128xi32, #tpu.memory_space<vmem>>
        %dma_wait3A_225 = arith.constant 0 : i32
        %dma_wait3A_226 = tpu.memref_slice %arg2[%dma_wait3A_225] : memref<204800xi32, #tpu.memory_space<hbm>> -> memref<128xi32, #tpu.memory_space<hbm>>
        tpu.wait_dma2 semaphore(%arg13 : memref<!tpu.dma_semaphore, #tpu.memory_space<semaphore_mem>>) src(%dma_wait3A_226 : memref<128xi32, #tpu.memory_space<hbm>>) dst(%dma_wait3A_224 : memref<128xi32, #tpu.memory_space<vmem>>)
        %dma_wait3A_227 = arith.constant 1 : i32
        %dma_wait3A_228 = arith.constant 1 : i32
        %dma_wait3A_229 = arith.constant 0 : i32
        %dma_wait3A_230 = tpu.memref_slice %arg8[%dma_wait3A_227, %dma_wait3A_228, %dma_wait3A_229] : memref<2x4x128xi32, #tpu.memory_space<vmem>> -> memref<1x1x128xi32, #tpu.memory_space<vmem>>
        %dma_wait3A_231 = tpu.memref_squeeze %dma_wait3A_230 : memref<1x1x128xi32, #tpu.memory_space<vmem>> -> memref<128xi32, #tpu.memory_space<vmem>>
        %dma_wait3A_232 = arith.constant 128 : i32
        %dma_wait3A_233 = tpu.memref_slice %arg2[%dma_wait3A_232] : memref<204800xi32, #tpu.memory_space<hbm>> -> memref<128xi32, #tpu.memory_space<hbm>>
        %dma_wait3A_234 = arith.constant 0 : i32
        %dma_wait3A_235 = tpu.memref_slice %arg8[%dma_wait3A_227, %dma_wait3A_228, %dma_wait3A_234] : memref<2x4x128xi32, #tpu.memory_space<vmem>> -> memref<1x1x128xi32, #tpu.memory_space<vmem>>
        %dma_wait3A_236 = tpu.memref_squeeze %dma_wait3A_235 : memref<1x1x128xi32, #tpu.memory_space<vmem>> -> memref<128xi32, #tpu.memory_space<vmem>>
        %dma_wait3A_237 = arith.constant 128 : i32
        %dma_wait3A_238 = tpu.memref_slice %arg2[%dma_wait3A_237] : memref<204800xi32, #tpu.memory_space<hbm>> -> memref<128xi32, #tpu.memory_space<hbm>>
        tpu.wait_dma2 semaphore(%arg13 : memref<!tpu.dma_semaphore, #tpu.memory_space<semaphore_mem>>) src(%dma_wait3A_238 : memref<128xi32, #tpu.memory_space<hbm>>) dst(%dma_wait3A_236 : memref<128xi32, #tpu.memory_space<vmem>>)
        %dma_wait3A_239 = arith.constant 1 : i32
        %dma_wait3A_240 = arith.constant 2 : i32
        %dma_wait3A_241 = arith.constant 0 : i32
        %dma_wait3A_242 = tpu.memref_slice %arg8[%dma_wait3A_239, %dma_wait3A_240, %dma_wait3A_241] : memref<2x4x128xi32, #tpu.memory_space<vmem>> -> memref<1x1x128xi32, #tpu.memory_space<vmem>>
        %dma_wait3A_243 = tpu.memref_squeeze %dma_wait3A_242 : memref<1x1x128xi32, #tpu.memory_space<vmem>> -> memref<128xi32, #tpu.memory_space<vmem>>
        %dma_wait3A_244 = arith.constant 256 : i32
        %dma_wait3A_245 = tpu.memref_slice %arg2[%dma_wait3A_244] : memref<204800xi32, #tpu.memory_space<hbm>> -> memref<128xi32, #tpu.memory_space<hbm>>
        %dma_wait3A_246 = arith.constant 0 : i32
        %dma_wait3A_247 = tpu.memref_slice %arg8[%dma_wait3A_239, %dma_wait3A_240, %dma_wait3A_246] : memref<2x4x128xi32, #tpu.memory_space<vmem>> -> memref<1x1x128xi32, #tpu.memory_space<vmem>>
        %dma_wait3A_248 = tpu.memref_squeeze %dma_wait3A_247 : memref<1x1x128xi32, #tpu.memory_space<vmem>> -> memref<128xi32, #tpu.memory_space<vmem>>
        %dma_wait3A_249 = arith.constant 256 : i32
        %dma_wait3A_250 = tpu.memref_slice %arg2[%dma_wait3A_249] : memref<204800xi32, #tpu.memory_space<hbm>> -> memref<128xi32, #tpu.memory_space<hbm>>
        tpu.wait_dma2 semaphore(%arg13 : memref<!tpu.dma_semaphore, #tpu.memory_space<semaphore_mem>>) src(%dma_wait3A_250 : memref<128xi32, #tpu.memory_space<hbm>>) dst(%dma_wait3A_248 : memref<128xi32, #tpu.memory_space<vmem>>)
        %dma_wait3A_251 = arith.constant 1 : i32
        %dma_wait3A_252 = arith.constant 3 : i32
        %dma_wait3A_253 = arith.constant 0 : i32
        %dma_wait3A_254 = tpu.memref_slice %arg8[%dma_wait3A_251, %dma_wait3A_252, %dma_wait3A_253] : memref<2x4x128xi32, #tpu.memory_space<vmem>> -> memref<1x1x128xi32, #tpu.memory_space<vmem>>
        %dma_wait3A_255 = tpu.memref_squeeze %dma_wait3A_254 : memref<1x1x128xi32, #tpu.memory_space<vmem>> -> memref<128xi32, #tpu.memory_space<vmem>>
        %dma_wait3A_256 = arith.constant 384 : i32
        %dma_wait3A_257 = tpu.memref_slice %arg2[%dma_wait3A_256] : memref<204800xi32, #tpu.memory_space<hbm>> -> memref<128xi32, #tpu.memory_space<hbm>>
        %dma_wait3A_258 = arith.constant 0 : i32
        %dma_wait3A_259 = tpu.memref_slice %arg8[%dma_wait3A_251, %dma_wait3A_252, %dma_wait3A_258] : memref<2x4x128xi32, #tpu.memory_space<vmem>> -> memref<1x1x128xi32, #tpu.memory_space<vmem>>
        %dma_wait3A_260 = tpu.memref_squeeze %dma_wait3A_259 : memref<1x1x128xi32, #tpu.memory_space<vmem>> -> memref<128xi32, #tpu.memory_space<vmem>>
        %dma_wait3A_261 = arith.constant 384 : i32
        %dma_wait3A_262 = tpu.memref_slice %arg2[%dma_wait3A_261] : memref<204800xi32, #tpu.memory_space<hbm>> -> memref<128xi32, #tpu.memory_space<hbm>>
        tpu.wait_dma2 semaphore(%arg13 : memref<!tpu.dma_semaphore, #tpu.memory_space<semaphore_mem>>) src(%dma_wait3A_262 : memref<128xi32, #tpu.memory_space<hbm>>) dst(%dma_wait3A_260 : memref<128xi32, #tpu.memory_space<vmem>>)
        %dma_wait3A_263 = arith.constant 1 : i32
        %dma_wait3A_264 = arith.constant 0 : i32
        %dma_wait3A_265 = tpu.memref_slice %arg9[%dma_wait3A_263, %dma_wait3A_264] : memref<2x528xf32, #tpu.memory_space<vmem>> -> memref<1x512xf32, #tpu.memory_space<vmem>>
        %dma_wait3A_266 = tpu.memref_squeeze %dma_wait3A_265 : memref<1x512xf32, #tpu.memory_space<vmem>> -> memref<512xf32, #tpu.memory_space<vmem>>
        %dma_wait3A_267 = arith.constant 0 : i32
        %dma_wait3A_268 = tpu.memref_slice %arg4[%dma_wait3A_267] : memref<204800xf32, #tpu.memory_space<hbm>> -> memref<512xf32, #tpu.memory_space<hbm>>
        %dma_wait3A_269 = arith.constant 0 : i32
        %dma_wait3A_270 = tpu.memref_slice %arg9[%dma_wait3A_263, %dma_wait3A_269] : memref<2x528xf32, #tpu.memory_space<vmem>> -> memref<1x512xf32, #tpu.memory_space<vmem>>
        %dma_wait3A_271 = tpu.memref_squeeze %dma_wait3A_270 : memref<1x512xf32, #tpu.memory_space<vmem>> -> memref<512xf32, #tpu.memory_space<vmem>>
        %dma_wait3A_272 = arith.constant 0 : i32
        %dma_wait3A_273 = tpu.memref_slice %arg4[%dma_wait3A_272] : memref<204800xf32, #tpu.memory_space<hbm>> -> memref<512xf32, #tpu.memory_space<hbm>>
        tpu.wait_dma2 semaphore(%arg13 : memref<!tpu.dma_semaphore, #tpu.memory_space<semaphore_mem>>) src(%dma_wait3A_273 : memref<512xf32, #tpu.memory_space<hbm>>) dst(%dma_wait3A_271 : memref<512xf32, #tpu.memory_space<vmem>>)
        %dma_start3A = arith.constant 1 : i32
        %dma_start3A_274 = arith.constant 0 : i32
        %dma_start3A_275 = arith.constant 1 : i32
        %dma_start3A_276 = arith.constant 0 : i32
        %dma_start3A_277 = arith.constant 0 : i32
        %dma_start3A_278 = tpu.memref_slice %arg10[%dma_start3A_275, %dma_start3A_276, %dma_start3A_277] : memref<2x512x64xf32, #tpu.memory_space<vmem>> -> memref<1x128x64xf32, #tpu.memory_space<vmem>>
        %dma_start3A_279 = tpu.memref_squeeze %dma_start3A_278 : memref<1x128x64xf32, #tpu.memory_space<vmem>> -> memref<128x64xf32, #tpu.memory_space<vmem>>
        %dma_start3A_280 = arith.constant 0 : i32
        %dma_start3A_281 = tpu.memref_slice %arg8[%dma_start3A, %dma_start3A_274, %dma_start3A_280] : memref<2x4x128xi32, #tpu.memory_space<vmem>> -> memref<1x1x128xi32, #tpu.memory_space<vmem>>
        %dma_start3A_282 = tpu.memref_squeeze %dma_start3A_281 : memref<1x1x128xi32, #tpu.memory_space<vmem>> -> memref<128xi32, #tpu.memory_space<vmem>>
        %dma_start3A_283 = arith.constant 0 : i32
        %dma_start3A_284 = arith.constant 0 : i32
        %dma_start3A_285 = tpu.memref_slice %arg5[%dma_start3A_283, %dma_start3A_284] : memref<100000x64xf32, #tpu.memory_space<hbm>> -> memref<100000x64xf32, #tpu.memory_space<hbm>>
        tpu.enqueue_indirect_dma source(%dma_start3A_285 : memref<100000x64xf32, #tpu.memory_space<hbm>>) target(%dma_start3A_279 : memref<128x64xf32, #tpu.memory_space<vmem>>) offsets(%dma_start3A_282 : memref<128xi32, #tpu.memory_space<vmem>>) semaphore(%arg15 : memref<!tpu.dma_semaphore, #tpu.memory_space<semaphore_mem>>)
        %dma_start3A_286 = arith.constant 1 : i32
        %dma_start3A_287 = arith.constant 1 : i32
        %dma_start3A_288 = arith.constant 1 : i32
        %dma_start3A_289 = arith.constant 128 : i32
        %dma_start3A_290 = arith.constant 0 : i32
        %dma_start3A_291 = tpu.memref_slice %arg10[%dma_start3A_288, %dma_start3A_289, %dma_start3A_290] : memref<2x512x64xf32, #tpu.memory_space<vmem>> -> memref<1x128x64xf32, #tpu.memory_space<vmem>>
        %dma_start3A_292 = tpu.memref_squeeze %dma_start3A_291 : memref<1x128x64xf32, #tpu.memory_space<vmem>> -> memref<128x64xf32, #tpu.memory_space<vmem>>
        %dma_start3A_293 = arith.constant 0 : i32
        %dma_start3A_294 = tpu.memref_slice %arg8[%dma_start3A_286, %dma_start3A_287, %dma_start3A_293] : memref<2x4x128xi32, #tpu.memory_space<vmem>> -> memref<1x1x128xi32, #tpu.memory_space<vmem>>
        %dma_start3A_295 = tpu.memref_squeeze %dma_start3A_294 : memref<1x1x128xi32, #tpu.memory_space<vmem>> -> memref<128xi32, #tpu.memory_space<vmem>>
        %dma_start3A_296 = arith.constant 0 : i32
        %dma_start3A_297 = arith.constant 0 : i32
        %dma_start3A_298 = tpu.memref_slice %arg5[%dma_start3A_296, %dma_start3A_297] : memref<100000x64xf32, #tpu.memory_space<hbm>> -> memref<100000x64xf32, #tpu.memory_space<hbm>>
        tpu.enqueue_indirect_dma source(%dma_start3A_298 : memref<100000x64xf32, #tpu.memory_space<hbm>>) target(%dma_start3A_292 : memref<128x64xf32, #tpu.memory_space<vmem>>) offsets(%dma_start3A_295 : memref<128xi32, #tpu.memory_space<vmem>>) semaphore(%arg15 : memref<!tpu.dma_semaphore, #tpu.memory_space<semaphore_mem>>)
        %dma_start3A_299 = arith.constant 1 : i32
        %dma_start3A_300 = arith.constant 2 : i32
        %dma_start3A_301 = arith.constant 1 : i32
        %dma_start3A_302 = arith.constant 256 : i32
        %dma_start3A_303 = arith.constant 0 : i32
        %dma_start3A_304 = tpu.memref_slice %arg10[%dma_start3A_301, %dma_start3A_302, %dma_start3A_303] : memref<2x512x64xf32, #tpu.memory_space<vmem>> -> memref<1x128x64xf32, #tpu.memory_space<vmem>>
        %dma_start3A_305 = tpu.memref_squeeze %dma_start3A_304 : memref<1x128x64xf32, #tpu.memory_space<vmem>> -> memref<128x64xf32, #tpu.memory_space<vmem>>
        %dma_start3A_306 = arith.constant 0 : i32
        %dma_start3A_307 = tpu.memref_slice %arg8[%dma_start3A_299, %dma_start3A_300, %dma_start3A_306] : memref<2x4x128xi32, #tpu.memory_space<vmem>> -> memref<1x1x128xi32, #tpu.memory_space<vmem>>
        %dma_start3A_308 = tpu.memref_squeeze %dma_start3A_307 : memref<1x1x128xi32, #tpu.memory_space<vmem>> -> memref<128xi32, #tpu.memory_space<vmem>>
        %dma_start3A_309 = arith.constant 0 : i32
        %dma_start3A_310 = arith.constant 0 : i32
        %dma_start3A_311 = tpu.memref_slice %arg5[%dma_start3A_309, %dma_start3A_310] : memref<100000x64xf32, #tpu.memory_space<hbm>> -> memref<100000x64xf32, #tpu.memory_space<hbm>>
        tpu.enqueue_indirect_dma source(%dma_start3A_311 : memref<100000x64xf32, #tpu.memory_space<hbm>>) target(%dma_start3A_305 : memref<128x64xf32, #tpu.memory_space<vmem>>) offsets(%dma_start3A_308 : memref<128xi32, #tpu.memory_space<vmem>>) semaphore(%arg15 : memref<!tpu.dma_semaphore, #tpu.memory_space<semaphore_mem>>)
        %dma_start3A_312 = arith.constant 1 : i32
        %dma_start3A_313 = arith.constant 3 : i32
        %dma_start3A_314 = arith.constant 1 : i32
        %dma_start3A_315 = arith.constant 384 : i32
        %dma_start3A_316 = arith.constant 0 : i32
        %dma_start3A_317 = tpu.memref_slice %arg10[%dma_start3A_314, %dma_start3A_315, %dma_start3A_316] : memref<2x512x64xf32, #tpu.memory_space<vmem>> -> memref<1x128x64xf32, #tpu.memory_space<vmem>>
        %dma_start3A_318 = tpu.memref_squeeze %dma_start3A_317 : memref<1x128x64xf32, #tpu.memory_space<vmem>> -> memref<128x64xf32, #tpu.memory_space<vmem>>
        %dma_start3A_319 = arith.constant 0 : i32
        %dma_start3A_320 = tpu.memref_slice %arg8[%dma_start3A_312, %dma_start3A_313, %dma_start3A_319] : memref<2x4x128xi32, #tpu.memory_space<vmem>> -> memref<1x1x128xi32, #tpu.memory_space<vmem>>
        %dma_start3A_321 = tpu.memref_squeeze %dma_start3A_320 : memref<1x1x128xi32, #tpu.memory_space<vmem>> -> memref<128xi32, #tpu.memory_space<vmem>>
        %dma_start3A_322 = arith.constant 0 : i32
        %dma_start3A_323 = arith.constant 0 : i32
        %dma_start3A_324 = tpu.memref_slice %arg5[%dma_start3A_322, %dma_start3A_323] : memref<100000x64xf32, #tpu.memory_space<hbm>> -> memref<100000x64xf32, #tpu.memory_space<hbm>>
        tpu.enqueue_indirect_dma source(%dma_start3A_324 : memref<100000x64xf32, #tpu.memory_space<hbm>>) target(%dma_start3A_318 : memref<128x64xf32, #tpu.memory_space<vmem>>) offsets(%dma_start3A_321 : memref<128xi32, #tpu.memory_space<vmem>>) semaphore(%arg15 : memref<!tpu.dma_semaphore, #tpu.memory_space<semaphore_mem>>)
      } else {
      }
      %lt3A_126 = arith.cmpi slt, %add3A_119, %select_n3A_60 : i32
      %convert_element_type3A_127 = arith.extui %lt3A_126 : i1 to i32
      %cond3A_128 = arith.constant 0 : i32
      %cond3A_129 = arith.cmpi ne, %convert_element_type3A_127, %cond3A_128 : i32
      scf.if %cond3A_129 {
        %dma_wait3A = arith.constant 0 : i32
        %dma_wait3A_216 = arith.constant 0 : i32
        %dma_wait3A_217 = arith.constant 0 : i32
        %dma_wait3A_218 = arith.constant 0 : i32
        %dma_wait3A_219 = arith.constant 0 : i32
        %dma_wait3A_220 = tpu.memref_slice %arg10[%dma_wait3A_217, %dma_wait3A_218, %dma_wait3A_219] : memref<2x512x64xf32, #tpu.memory_space<vmem>> -> memref<1x128x64xf32, #tpu.memory_space<vmem>>
        %dma_wait3A_221 = tpu.memref_squeeze %dma_wait3A_220 : memref<1x128x64xf32, #tpu.memory_space<vmem>> -> memref<128x64xf32, #tpu.memory_space<vmem>>
        %dma_wait3A_222 = arith.constant 0 : i32
        %dma_wait3A_223 = tpu.memref_slice %arg8[%dma_wait3A, %dma_wait3A_216, %dma_wait3A_222] : memref<2x4x128xi32, #tpu.memory_space<vmem>> -> memref<1x1x128xi32, #tpu.memory_space<vmem>>
        %dma_wait3A_224 = tpu.memref_squeeze %dma_wait3A_223 : memref<1x1x128xi32, #tpu.memory_space<vmem>> -> memref<128xi32, #tpu.memory_space<vmem>>
        %dma_wait3A_225 = arith.constant 0 : i32
        %dma_wait3A_226 = arith.constant 0 : i32
        %dma_wait3A_227 = tpu.memref_slice %arg5[%dma_wait3A_225, %dma_wait3A_226] : memref<100000x64xf32, #tpu.memory_space<hbm>> -> memref<100000x64xf32, #tpu.memory_space<hbm>>
        tpu.wait_indirect_dma semaphore(%arg14 : memref<!tpu.dma_semaphore, #tpu.memory_space<semaphore_mem>>) src(%dma_wait3A_227 : memref<100000x64xf32, #tpu.memory_space<hbm>>) dst(%dma_wait3A_221 : memref<128x64xf32, #tpu.memory_space<vmem>>)
        %dma_wait3A_228 = arith.constant 0 : i32
        %dma_wait3A_229 = arith.constant 1 : i32
        %dma_wait3A_230 = arith.constant 0 : i32
        %dma_wait3A_231 = arith.constant 128 : i32
        %dma_wait3A_232 = arith.constant 0 : i32
        %dma_wait3A_233 = tpu.memref_slice %arg10[%dma_wait3A_230, %dma_wait3A_231, %dma_wait3A_232] : memref<2x512x64xf32, #tpu.memory_space<vmem>> -> memref<1x128x64xf32, #tpu.memory_space<vmem>>
        %dma_wait3A_234 = tpu.memref_squeeze %dma_wait3A_233 : memref<1x128x64xf32, #tpu.memory_space<vmem>> -> memref<128x64xf32, #tpu.memory_space<vmem>>
        %dma_wait3A_235 = arith.constant 0 : i32
        %dma_wait3A_236 = tpu.memref_slice %arg8[%dma_wait3A_228, %dma_wait3A_229, %dma_wait3A_235] : memref<2x4x128xi32, #tpu.memory_space<vmem>> -> memref<1x1x128xi32, #tpu.memory_space<vmem>>
        %dma_wait3A_237 = tpu.memref_squeeze %dma_wait3A_236 : memref<1x1x128xi32, #tpu.memory_space<vmem>> -> memref<128xi32, #tpu.memory_space<vmem>>
        %dma_wait3A_238 = arith.constant 0 : i32
        %dma_wait3A_239 = arith.constant 0 : i32
        %dma_wait3A_240 = tpu.memref_slice %arg5[%dma_wait3A_238, %dma_wait3A_239] : memref<100000x64xf32, #tpu.memory_space<hbm>> -> memref<100000x64xf32, #tpu.memory_space<hbm>>
        tpu.wait_indirect_dma semaphore(%arg14 : memref<!tpu.dma_semaphore, #tpu.memory_space<semaphore_mem>>) src(%dma_wait3A_240 : memref<100000x64xf32, #tpu.memory_space<hbm>>) dst(%dma_wait3A_234 : memref<128x64xf32, #tpu.memory_space<vmem>>)
        %dma_wait3A_241 = arith.constant 0 : i32
        %dma_wait3A_242 = arith.constant 2 : i32
        %dma_wait3A_243 = arith.constant 0 : i32
        %dma_wait3A_244 = arith.constant 256 : i32
        %dma_wait3A_245 = arith.constant 0 : i32
        %dma_wait3A_246 = tpu.memref_slice %arg10[%dma_wait3A_243, %dma_wait3A_244, %dma_wait3A_245] : memref<2x512x64xf32, #tpu.memory_space<vmem>> -> memref<1x128x64xf32, #tpu.memory_space<vmem>>
        %dma_wait3A_247 = tpu.memref_squeeze %dma_wait3A_246 : memref<1x128x64xf32, #tpu.memory_space<vmem>> -> memref<128x64xf32, #tpu.memory_space<vmem>>
        %dma_wait3A_248 = arith.constant 0 : i32
        %dma_wait3A_249 = tpu.memref_slice %arg8[%dma_wait3A_241, %dma_wait3A_242, %dma_wait3A_248] : memref<2x4x128xi32, #tpu.memory_space<vmem>> -> memref<1x1x128xi32, #tpu.memory_space<vmem>>
        %dma_wait3A_250 = tpu.memref_squeeze %dma_wait3A_249 : memref<1x1x128xi32, #tpu.memory_space<vmem>> -> memref<128xi32, #tpu.memory_space<vmem>>
        %dma_wait3A_251 = arith.constant 0 : i32
        %dma_wait3A_252 = arith.constant 0 : i32
        %dma_wait3A_253 = tpu.memref_slice %arg5[%dma_wait3A_251, %dma_wait3A_252] : memref<100000x64xf32, #tpu.memory_space<hbm>> -> memref<100000x64xf32, #tpu.memory_space<hbm>>
        tpu.wait_indirect_dma semaphore(%arg14 : memref<!tpu.dma_semaphore, #tpu.memory_space<semaphore_mem>>) src(%dma_wait3A_253 : memref<100000x64xf32, #tpu.memory_space<hbm>>) dst(%dma_wait3A_247 : memref<128x64xf32, #tpu.memory_space<vmem>>)
        %dma_wait3A_254 = arith.constant 0 : i32
        %dma_wait3A_255 = arith.constant 3 : i32
        %dma_wait3A_256 = arith.constant 0 : i32
        %dma_wait3A_257 = arith.constant 384 : i32
        %dma_wait3A_258 = arith.constant 0 : i32
        %dma_wait3A_259 = tpu.memref_slice %arg10[%dma_wait3A_256, %dma_wait3A_257, %dma_wait3A_258] : memref<2x512x64xf32, #tpu.memory_space<vmem>> -> memref<1x128x64xf32, #tpu.memory_space<vmem>>
        %dma_wait3A_260 = tpu.memref_squeeze %dma_wait3A_259 : memref<1x128x64xf32, #tpu.memory_space<vmem>> -> memref<128x64xf32, #tpu.memory_space<vmem>>
        %dma_wait3A_261 = arith.constant 0 : i32
        %dma_wait3A_262 = tpu.memref_slice %arg8[%dma_wait3A_254, %dma_wait3A_255, %dma_wait3A_261] : memref<2x4x128xi32, #tpu.memory_space<vmem>> -> memref<1x1x128xi32, #tpu.memory_space<vmem>>
        %dma_wait3A_263 = tpu.memref_squeeze %dma_wait3A_262 : memref<1x1x128xi32, #tpu.memory_space<vmem>> -> memref<128xi32, #tpu.memory_space<vmem>>
        %dma_wait3A_264 = arith.constant 0 : i32
        %dma_wait3A_265 = arith.constant 0 : i32
        %dma_wait3A_266 = tpu.memref_slice %arg5[%dma_wait3A_264, %dma_wait3A_265] : memref<100000x64xf32, #tpu.memory_space<hbm>> -> memref<100000x64xf32, #tpu.memory_space<hbm>>
        tpu.wait_indirect_dma semaphore(%arg14 : memref<!tpu.dma_semaphore, #tpu.memory_space<semaphore_mem>>) src(%dma_wait3A_266 : memref<100000x64xf32, #tpu.memory_space<hbm>>) dst(%dma_wait3A_260 : memref<128x64xf32, #tpu.memory_space<vmem>>)
      } else {
      }
      %mul3A_130 = arith.constant 512 : i32
      %mul3A_131 = arith.muli %add3A_119, %mul3A_130 : i32
      %add3A_132 = arith.constant 512 : i32
      %add3A_133 = arith.addi %mul3A_131, %add3A_132 : i32
      %min3A = arith.minsi %squeeze3A_18, %add3A_133 : i32
      %scan3A_134 = arith.constant 0 : i32
      %scan3A_135 = arith.constant 0 : i32
      %scan3A_136 = arith.constant 8 : i32
      %scan3A_137 = arith.addi %scan3A_135, %scan3A_136 : i32
      %scan3A_138 = arith.constant 1 : i32
      %scan3A_139 = scf.for %scan3A_216 = %scan3A_135 to %scan3A_137 step %scan3A_138 iter_args(%scan3A_217 = %scan3A_134) -> (i32)  : i32 {
        %mul3A_218 = arith.constant 16 : i32
        %mul3A_219 = arith.muli %mul3A_218, %scan3A_216 : i32
        %get3A_220 = arith.index_cast %mul3A_219 : i32 to index
        %get3A_221 = tpu.vector_load %arg7[%get3A_220] {strides = array<i32>} : memref<144xi32, #tpu.memory_space<vmem>>, vector<16xi32>,
        %sub3A_222 = vector.broadcast %min3A : i32 to vector<16xi32>
        %sub3A_223 = arith.subi %sub3A_222, %get3A_221 : vector<16xi32>
        %max3A_224 = arith.constant 0 : i32
        %max3A_225 = vector.broadcast %max3A_224 : i32 to vector<16xi32>
        %max3A_226 = arith.maxsi %sub3A_223, %max3A_225 : vector<16xi32>
        %min3A_227 = arith.constant 1 : i32
        %min3A_228 = vector.broadcast %min3A_227 : i32 to vector<16xi32>
        %min3A_229 = arith.minsi %max3A_226, %min3A_228 : vector<16xi32>
        %reduce_sum3A = arith.constant true
        %reduce_sum3A_230 = vector.broadcast %reduce_sum3A : i1 to vector<16xi1>
        %reduce_sum3A_231 = tpu.scan <sum>, %min3A_229 masked %reduce_sum3A_230 : vector<16xi32>, vector<16xi1> -> vector<16xi32>
        %reduce_sum3A_232 = vector.extract %reduce_sum3A_231[15] : i32 from vector<16xi32>
        %add3A_233 = arith.addi %scan3A_217, %reduce_sum3A_232 : i32
        scf.yield %add3A_233 : i32
      }
      %scan3A_140 = arith.constant 8 : i32
      %while3A_141 = arith.constant 0 : i32
      %while3A_142 = arith.subi %scan3A_139, %while3A_114 : i32
      %while3A_143 = arith.addi %while3A_114, %while3A_142 : i32
      %while3A_144 = arith.constant 1 : i32
      %while3A_145 = arith.divsi %while3A_142, %while3A_144 : i32
      %while3A_146 = arith.muli %while3A_145, %while3A_144 : i32
      %while3A_147 = arith.addi %while3A_114, %while3A_146 : i32
      %while3A_148 = arith.constant 1 : i32
      scf.for %while3A_216 = %while3A_114 to %while3A_147 step %while3A_148  : i32 {
        %get3A_217 = arith.index_cast %while3A_216 : i32 to index
        %get3A_218 = tpu.vector_load %arg7[%get3A_217] {strides = array<i32>} : memref<144xi32, #tpu.memory_space<vmem>>, vector<16xi32>,
        %slice3A_219 = vector.extract_strided_slice %get3A_218 {offsets = [0], sizes = [1], strides = [1]} : vector<16xi32> to vector<1xi32>
        %squeeze3A_220 = vector.extract %slice3A_219[0] : i32 from vector<1xi32>
        %max3A_221 = arith.maxsi %squeeze3A_220, %mul3A_131 : i32
        %slice3A_222 = vector.extract_strided_slice %get3A_218 {offsets = [1], sizes = [1], strides = [1]} : vector<16xi32> to vector<1xi32>
        %squeeze3A_223 = vector.extract %slice3A_222[0] : i32 from vector<1xi32>
        %min3A_224 = arith.minsi %squeeze3A_223, %min3A : i32
        %broadcast_in_dim3A = arith.constant 0.000000e+00 : f32
        %broadcast_in_dim3A_225 = vector.broadcast %broadcast_in_dim3A : f32 to vector<16xf32>
        %broadcast_in_dim3A_226 = arith.constant 0.000000e+00 : f32
        %broadcast_in_dim3A_227 = vector.broadcast %broadcast_in_dim3A_226 : f32 to vector<16xf32>
        %broadcast_in_dim3A_228 = arith.constant 0.000000e+00 : f32
        %broadcast_in_dim3A_229 = vector.broadcast %broadcast_in_dim3A_228 : f32 to vector<16xf32>
        %broadcast_in_dim3A_230 = arith.constant 0.000000e+00 : f32
        %broadcast_in_dim3A_231 = vector.broadcast %broadcast_in_dim3A_230 : f32 to vector<16xf32>
        %while3A_232 = arith.subi %min3A_224, %max3A_221 : i32
        %while3A_233 = arith.addi %max3A_221, %while3A_232 : i32
        %while3A_234 = arith.constant 1 : i32
        %while3A_235 = arith.divsi %while3A_232, %while3A_234 : i32
        %while3A_236 = arith.muli %while3A_235, %while3A_234 : i32
        %while3A_237 = arith.addi %max3A_221, %while3A_236 : i32
        %while3A_238 = arith.constant 1 : i32
        %while3A_239:4 = scf.for %while3A_246 = %max3A_221 to %while3A_237 step %while3A_238 iter_args(%while3A_247 = %broadcast_in_dim3A_225, %while3A_248 = %broadcast_in_dim3A_227, %while3A_249 = %broadcast_in_dim3A_229, %while3A_250 = %broadcast_in_dim3A_231) -> (vector<16xf32>, vector<16xf32>, vector<16xf32>, vector<16xf32>)  : i32 {
          %sub3A_251 = arith.subi %while3A_246, %mul3A_131 : i32
          %get3A_252 = arith.constant 0 : i32
          %get3A_253 = arith.index_cast %get3A_252 : i32 to index
          %get3A_254 = arith.index_cast %sub3A_251 : i32 to index
          %get3A_255 = tpu.vector_load %arg9[%get3A_253, %get3A_254] {strides = array<i32>} : memref<2x528xf32, #tpu.memory_space<vmem>>, vector<16xf32>,
          %slice3A_256 = vector.extract_strided_slice %get3A_255 {offsets = [0], sizes = [1], strides = [1]} : vector<16xf32> to vector<1xf32>
          %squeeze3A_257 = vector.extract %slice3A_256[0] : f32 from vector<1xf32>
          %get3A_258 = arith.constant 0 : i32
          %get3A_259 = arith.index_cast %get3A_258 : i32 to index
          %get3A_260 = arith.index_cast %sub3A_251 : i32 to index
          %get3A_261 = arith.constant 0 : index
          %get3A_262 = tpu.vector_load %arg10[%get3A_259, %get3A_260, %get3A_261] {strides = array<i32>} : memref<2x512x64xf32, #tpu.memory_space<vmem>>, vector<16xf32>,
          %mul3A_263 = vector.broadcast %squeeze3A_257 : f32 to vector<16xf32>
          %mul3A_264 = arith.mulf %mul3A_263, %get3A_262 : vector<16xf32>
          %add3A_265 = arith.addf %while3A_247, %mul3A_264 : vector<16xf32>
          %get3A_266 = arith.constant 0 : i32
          %get3A_267 = arith.index_cast %get3A_266 : i32 to index
          %get3A_268 = arith.index_cast %sub3A_251 : i32 to index
          %get3A_269 = arith.constant 16 : index
          %get3A_270 = tpu.vector_load %arg10[%get3A_267, %get3A_268, %get3A_269] {strides = array<i32>} : memref<2x512x64xf32, #tpu.memory_space<vmem>>, vector<16xf32>,
          %mul3A_271 = vector.broadcast %squeeze3A_257 : f32 to vector<16xf32>
          %mul3A_272 = arith.mulf %mul3A_271, %get3A_270 : vector<16xf32>
          %add3A_273 = arith.addf %while3A_248, %mul3A_272 : vector<16xf32>
          %get3A_274 = arith.constant 0 : i32
          %get3A_275 = arith.index_cast %get3A_274 : i32 to index
          %get3A_276 = arith.index_cast %sub3A_251 : i32 to index
          %get3A_277 = arith.constant 32 : index
          %get3A_278 = tpu.vector_load %arg10[%get3A_275, %get3A_276, %get3A_277] {strides = array<i32>} : memref<2x512x64xf32, #tpu.memory_space<vmem>>, vector<16xf32>,
          %mul3A_279 = vector.broadcast %squeeze3A_257 : f32 to vector<16xf32>
          %mul3A_280 = arith.mulf %mul3A_279, %get3A_278 : vector<16xf32>
          %add3A_281 = arith.addf %while3A_249, %mul3A_280 : vector<16xf32>
          %get3A_282 = arith.constant 0 : i32
          %get3A_283 = arith.index_cast %get3A_282 : i32 to index
          %get3A_284 = arith.index_cast %sub3A_251 : i32 to index
          %get3A_285 = arith.constant 48 : index
          %get3A_286 = tpu.vector_load %arg10[%get3A_283, %get3A_284, %get3A_285] {strides = array<i32>} : memref<2x512x64xf32, #tpu.memory_space<vmem>>, vector<16xf32>,
          %mul3A_287 = vector.broadcast %squeeze3A_257 : f32 to vector<16xf32>
          %mul3A_288 = arith.mulf %mul3A_287, %get3A_286 : vector<16xf32>
          %add3A_289 = arith.addf %while3A_250, %mul3A_288 : vector<16xf32>
          scf.yield %add3A_265, %add3A_273, %add3A_281, %add3A_289 : vector<16xf32>, vector<16xf32>, vector<16xf32>, vector<16xf32>
        }
        %while3A_240 = arith.constant 1 : i32
        %while3A_241:4 = scf.for %while3A_246 = %while3A_237 to %while3A_233 step %while3A_240 iter_args(%while3A_247 = %while3A_239#0, %while3A_248 = %while3A_239#1, %while3A_249 = %while3A_239#2, %while3A_250 = %while3A_239#3) -> (vector<16xf32>, vector<16xf32>, vector<16xf32>, vector<16xf32>)  : i32 {
          %sub3A_251 = arith.subi %while3A_246, %mul3A_131 : i32
          %get3A_252 = arith.constant 0 : i32
          %get3A_253 = arith.index_cast %get3A_252 : i32 to index
          %get3A_254 = arith.index_cast %sub3A_251 : i32 to index
          %get3A_255 = tpu.vector_load %arg9[%get3A_253, %get3A_254] {strides = array<i32>} : memref<2x528xf32, #tpu.memory_space<vmem>>, vector<16xf32>,
          %slice3A_256 = vector.extract_strided_slice %get3A_255 {offsets = [0], sizes = [1], strides = [1]} : vector<16xf32> to vector<1xf32>
          %squeeze3A_257 = vector.extract %slice3A_256[0] : f32 from vector<1xf32>
          %get3A_258 = arith.constant 0 : i32
          %get3A_259 = arith.index_cast %get3A_258 : i32 to index
          %get3A_260 = arith.index_cast %sub3A_251 : i32 to index
          %get3A_261 = arith.constant 0 : index
          %get3A_262 = tpu.vector_load %arg10[%get3A_259, %get3A_260, %get3A_261] {strides = array<i32>} : memref<2x512x64xf32, #tpu.memory_space<vmem>>, vector<16xf32>,
          %mul3A_263 = vector.broadcast %squeeze3A_257 : f32 to vector<16xf32>
          %mul3A_264 = arith.mulf %mul3A_263, %get3A_262 : vector<16xf32>
          %add3A_265 = arith.addf %while3A_247, %mul3A_264 : vector<16xf32>
          %get3A_266 = arith.constant 0 : i32
          %get3A_267 = arith.index_cast %get3A_266 : i32 to index
          %get3A_268 = arith.index_cast %sub3A_251 : i32 to index
          %get3A_269 = arith.constant 16 : index
          %get3A_270 = tpu.vector_load %arg10[%get3A_267, %get3A_268, %get3A_269] {strides = array<i32>} : memref<2x512x64xf32, #tpu.memory_space<vmem>>, vector<16xf32>,
          %mul3A_271 = vector.broadcast %squeeze3A_257 : f32 to vector<16xf32>
          %mul3A_272 = arith.mulf %mul3A_271, %get3A_270 : vector<16xf32>
          %add3A_273 = arith.addf %while3A_248, %mul3A_272 : vector<16xf32>
          %get3A_274 = arith.constant 0 : i32
          %get3A_275 = arith.index_cast %get3A_274 : i32 to index
          %get3A_276 = arith.index_cast %sub3A_251 : i32 to index
          %get3A_277 = arith.constant 32 : index
          %get3A_278 = tpu.vector_load %arg10[%get3A_275, %get3A_276, %get3A_277] {strides = array<i32>} : memref<2x512x64xf32, #tpu.memory_space<vmem>>, vector<16xf32>,
          %mul3A_279 = vector.broadcast %squeeze3A_257 : f32 to vector<16xf32>
          %mul3A_280 = arith.mulf %mul3A_279, %get3A_278 : vector<16xf32>
          %add3A_281 = arith.addf %while3A_249, %mul3A_280 : vector<16xf32>
          %get3A_282 = arith.constant 0 : i32
          %get3A_283 = arith.index_cast %get3A_282 : i32 to index
          %get3A_284 = arith.index_cast %sub3A_251 : i32 to index
          %get3A_285 = arith.constant 48 : index
          %get3A_286 = tpu.vector_load %arg10[%get3A_283, %get3A_284, %get3A_285] {strides = array<i32>} : memref<2x512x64xf32, #tpu.memory_space<vmem>>, vector<16xf32>,
          %mul3A_287 = vector.broadcast %squeeze3A_257 : f32 to vector<16xf32>
          %mul3A_288 = arith.mulf %mul3A_287, %get3A_286 : vector<16xf32>
          %add3A_289 = arith.addf %while3A_250, %mul3A_288 : vector<16xf32>
          scf.yield %add3A_265, %add3A_273, %add3A_281, %add3A_289 : vector<16xf32>, vector<16xf32>, vector<16xf32>, vector<16xf32>
        }
        %gt3A_242 = arith.cmpi sgt, %min3A_224, %max3A_221 : i32
        %convert_element_type3A_243 = arith.extui %gt3A_242 : i1 to i32
        %cond3A_244 = arith.constant 0 : i32
        %cond3A_245 = arith.cmpi ne, %convert_element_type3A_243, %cond3A_244 : i32
        scf.if %cond3A_245 {
          %swap3A = arith.index_cast %while3A_216 : i32 to index
          %swap3A_246 = arith.constant 0 : index
          %swap3A_247 = tpu.vector_load %arg11[%swap3A, %swap3A_246] {strides = array<i32>} : memref<128x64xf32, #tpu.memory_space<vmem>>, vector<16xf32>,
          tpu.vector_store %arg11[%swap3A, %swap3A_246], %while3A_241#0 {add = true, strides = array<i32>} : memref<128x64xf32, #tpu.memory_space<vmem>>, vector<16xf32>,
          %swap3A_248 = arith.index_cast %while3A_216 : i32 to index
          %swap3A_249 = arith.constant 16 : index
          %swap3A_250 = tpu.vector_load %arg11[%swap3A_248, %swap3A_249] {strides = array<i32>} : memref<128x64xf32, #tpu.memory_space<vmem>>, vector<16xf32>,
          tpu.vector_store %arg11[%swap3A_248, %swap3A_249], %while3A_241#1 {add = true, strides = array<i32>} : memref<128x64xf32, #tpu.memory_space<vmem>>, vector<16xf32>,
          %swap3A_251 = arith.index_cast %while3A_216 : i32 to index
          %swap3A_252 = arith.constant 32 : index
          %swap3A_253 = tpu.vector_load %arg11[%swap3A_251, %swap3A_252] {strides = array<i32>} : memref<128x64xf32, #tpu.memory_space<vmem>>, vector<16xf32>,
          tpu.vector_store %arg11[%swap3A_251, %swap3A_252], %while3A_241#2 {add = true, strides = array<i32>} : memref<128x64xf32, #tpu.memory_space<vmem>>, vector<16xf32>,
          %swap3A_254 = arith.index_cast %while3A_216 : i32 to index
          %swap3A_255 = arith.constant 48 : index
          %swap3A_256 = tpu.vector_load %arg11[%swap3A_254, %swap3A_255] {strides = array<i32>} : memref<128x64xf32, #tpu.memory_space<vmem>>, vector<16xf32>,
          tpu.vector_store %arg11[%swap3A_254, %swap3A_255], %while3A_241#3 {add = true, strides = array<i32>} : memref<128x64xf32, #tpu.memory_space<vmem>>, vector<16xf32>,
        } else {
        }
      }
      %while3A_149 = arith.constant 1 : i32
      scf.for %while3A_216 = %while3A_147 to %while3A_143 step %while3A_149  : i32 {
        %get3A_217 = arith.index_cast %while3A_216 : i32 to index
        %get3A_218 = tpu.vector_load %arg7[%get3A_217] {strides = array<i32>} : memref<144xi32, #tpu.memory_space<vmem>>, vector<16xi32>,
        %slice3A_219 = vector.extract_strided_slice %get3A_218 {offsets = [0], sizes = [1], strides = [1]} : vector<16xi32> to vector<1xi32>
        %squeeze3A_220 = vector.extract %slice3A_219[0] : i32 from vector<1xi32>
        %max3A_221 = arith.maxsi %squeeze3A_220, %mul3A_131 : i32
        %slice3A_222 = vector.extract_strided_slice %get3A_218 {offsets = [1], sizes = [1], strides = [1]} : vector<16xi32> to vector<1xi32>
        %squeeze3A_223 = vector.extract %slice3A_222[0] : i32 from vector<1xi32>
        %min3A_224 = arith.minsi %squeeze3A_223, %min3A : i32
        %broadcast_in_dim3A = arith.constant 0.000000e+00 : f32
        %broadcast_in_dim3A_225 = vector.broadcast %broadcast_in_dim3A : f32 to vector<16xf32>
        %broadcast_in_dim3A_226 = arith.constant 0.000000e+00 : f32
        %broadcast_in_dim3A_227 = vector.broadcast %broadcast_in_dim3A_226 : f32 to vector<16xf32>
        %broadcast_in_dim3A_228 = arith.constant 0.000000e+00 : f32
        %broadcast_in_dim3A_229 = vector.broadcast %broadcast_in_dim3A_228 : f32 to vector<16xf32>
        %broadcast_in_dim3A_230 = arith.constant 0.000000e+00 : f32
        %broadcast_in_dim3A_231 = vector.broadcast %broadcast_in_dim3A_230 : f32 to vector<16xf32>
        %while3A_232 = arith.subi %min3A_224, %max3A_221 : i32
        %while3A_233 = arith.addi %max3A_221, %while3A_232 : i32
        %while3A_234 = arith.constant 1 : i32
        %while3A_235 = arith.divsi %while3A_232, %while3A_234 : i32
        %while3A_236 = arith.muli %while3A_235, %while3A_234 : i32
        %while3A_237 = arith.addi %max3A_221, %while3A_236 : i32
        %while3A_238 = arith.constant 1 : i32
        %while3A_239:4 = scf.for %while3A_246 = %max3A_221 to %while3A_237 step %while3A_238 iter_args(%while3A_247 = %broadcast_in_dim3A_225, %while3A_248 = %broadcast_in_dim3A_227, %while3A_249 = %broadcast_in_dim3A_229, %while3A_250 = %broadcast_in_dim3A_231) -> (vector<16xf32>, vector<16xf32>, vector<16xf32>, vector<16xf32>)  : i32 {
          %sub3A_251 = arith.subi %while3A_246, %mul3A_131 : i32
          %get3A_252 = arith.constant 0 : i32
          %get3A_253 = arith.index_cast %get3A_252 : i32 to index
          %get3A_254 = arith.index_cast %sub3A_251 : i32 to index
          %get3A_255 = tpu.vector_load %arg9[%get3A_253, %get3A_254] {strides = array<i32>} : memref<2x528xf32, #tpu.memory_space<vmem>>, vector<16xf32>,
          %slice3A_256 = vector.extract_strided_slice %get3A_255 {offsets = [0], sizes = [1], strides = [1]} : vector<16xf32> to vector<1xf32>
          %squeeze3A_257 = vector.extract %slice3A_256[0] : f32 from vector<1xf32>
          %get3A_258 = arith.constant 0 : i32
          %get3A_259 = arith.index_cast %get3A_258 : i32 to index
          %get3A_260 = arith.index_cast %sub3A_251 : i32 to index
          %get3A_261 = arith.constant 0 : index
          %get3A_262 = tpu.vector_load %arg10[%get3A_259, %get3A_260, %get3A_261] {strides = array<i32>} : memref<2x512x64xf32, #tpu.memory_space<vmem>>, vector<16xf32>,
          %mul3A_263 = vector.broadcast %squeeze3A_257 : f32 to vector<16xf32>
          %mul3A_264 = arith.mulf %mul3A_263, %get3A_262 : vector<16xf32>
          %add3A_265 = arith.addf %while3A_247, %mul3A_264 : vector<16xf32>
          %get3A_266 = arith.constant 0 : i32
          %get3A_267 = arith.index_cast %get3A_266 : i32 to index
          %get3A_268 = arith.index_cast %sub3A_251 : i32 to index
          %get3A_269 = arith.constant 16 : index
          %get3A_270 = tpu.vector_load %arg10[%get3A_267, %get3A_268, %get3A_269] {strides = array<i32>} : memref<2x512x64xf32, #tpu.memory_space<vmem>>, vector<16xf32>,
          %mul3A_271 = vector.broadcast %squeeze3A_257 : f32 to vector<16xf32>
          %mul3A_272 = arith.mulf %mul3A_271, %get3A_270 : vector<16xf32>
          %add3A_273 = arith.addf %while3A_248, %mul3A_272 : vector<16xf32>
          %get3A_274 = arith.constant 0 : i32
          %get3A_275 = arith.index_cast %get3A_274 : i32 to index
          %get3A_276 = arith.index_cast %sub3A_251 : i32 to index
          %get3A_277 = arith.constant 32 : index
          %get3A_278 = tpu.vector_load %arg10[%get3A_275, %get3A_276, %get3A_277] {strides = array<i32>} : memref<2x512x64xf32, #tpu.memory_space<vmem>>, vector<16xf32>,
          %mul3A_279 = vector.broadcast %squeeze3A_257 : f32 to vector<16xf32>
          %mul3A_280 = arith.mulf %mul3A_279, %get3A_278 : vector<16xf32>
          %add3A_281 = arith.addf %while3A_249, %mul3A_280 : vector<16xf32>
          %get3A_282 = arith.constant 0 : i32
          %get3A_283 = arith.index_cast %get3A_282 : i32 to index
          %get3A_284 = arith.index_cast %sub3A_251 : i32 to index
          %get3A_285 = arith.constant 48 : index
          %get3A_286 = tpu.vector_load %arg10[%get3A_283, %get3A_284, %get3A_285] {strides = array<i32>} : memref<2x512x64xf32, #tpu.memory_space<vmem>>, vector<16xf32>,
          %mul3A_287 = vector.broadcast %squeeze3A_257 : f32 to vector<16xf32>
          %mul3A_288 = arith.mulf %mul3A_287, %get3A_286 : vector<16xf32>
          %add3A_289 = arith.addf %while3A_250, %mul3A_288 : vector<16xf32>
          scf.yield %add3A_265, %add3A_273, %add3A_281, %add3A_289 : vector<16xf32>, vector<16xf32>, vector<16xf32>, vector<16xf32>
        }
        %while3A_240 = arith.constant 1 : i32
        %while3A_241:4 = scf.for %while3A_246 = %while3A_237 to %while3A_233 step %while3A_240 iter_args(%while3A_247 = %while3A_239#0, %while3A_248 = %while3A_239#1, %while3A_249 = %while3A_239#2, %while3A_250 = %while3A_239#3) -> (vector<16xf32>, vector<16xf32>, vector<16xf32>, vector<16xf32>)  : i32 {
          %sub3A_251 = arith.subi %while3A_246, %mul3A_131 : i32
          %get3A_252 = arith.constant 0 : i32
          %get3A_253 = arith.index_cast %get3A_252 : i32 to index
          %get3A_254 = arith.index_cast %sub3A_251 : i32 to index
          %get3A_255 = tpu.vector_load %arg9[%get3A_253, %get3A_254] {strides = array<i32>} : memref<2x528xf32, #tpu.memory_space<vmem>>, vector<16xf32>,
          %slice3A_256 = vector.extract_strided_slice %get3A_255 {offsets = [0], sizes = [1], strides = [1]} : vector<16xf32> to vector<1xf32>
          %squeeze3A_257 = vector.extract %slice3A_256[0] : f32 from vector<1xf32>
          %get3A_258 = arith.constant 0 : i32
          %get3A_259 = arith.index_cast %get3A_258 : i32 to index
          %get3A_260 = arith.index_cast %sub3A_251 : i32 to index
          %get3A_261 = arith.constant 0 : index
          %get3A_262 = tpu.vector_load %arg10[%get3A_259, %get3A_260, %get3A_261] {strides = array<i32>} : memref<2x512x64xf32, #tpu.memory_space<vmem>>, vector<16xf32>,
          %mul3A_263 = vector.broadcast %squeeze3A_257 : f32 to vector<16xf32>
          %mul3A_264 = arith.mulf %mul3A_263, %get3A_262 : vector<16xf32>
          %add3A_265 = arith.addf %while3A_247, %mul3A_264 : vector<16xf32>
          %get3A_266 = arith.constant 0 : i32
          %get3A_267 = arith.index_cast %get3A_266 : i32 to index
          %get3A_268 = arith.index_cast %sub3A_251 : i32 to index
          %get3A_269 = arith.constant 16 : index
          %get3A_270 = tpu.vector_load %arg10[%get3A_267, %get3A_268, %get3A_269] {strides = array<i32>} : memref<2x512x64xf32, #tpu.memory_space<vmem>>, vector<16xf32>,
          %mul3A_271 = vector.broadcast %squeeze3A_257 : f32 to vector<16xf32>
          %mul3A_272 = arith.mulf %mul3A_271, %get3A_270 : vector<16xf32>
          %add3A_273 = arith.addf %while3A_248, %mul3A_272 : vector<16xf32>
          %get3A_274 = arith.constant 0 : i32
          %get3A_275 = arith.index_cast %get3A_274 : i32 to index
          %get3A_276 = arith.index_cast %sub3A_251 : i32 to index
          %get3A_277 = arith.constant 32 : index
          %get3A_278 = tpu.vector_load %arg10[%get3A_275, %get3A_276, %get3A_277] {strides = array<i32>} : memref<2x512x64xf32, #tpu.memory_space<vmem>>, vector<16xf32>,
          %mul3A_279 = vector.broadcast %squeeze3A_257 : f32 to vector<16xf32>
          %mul3A_280 = arith.mulf %mul3A_279, %get3A_278 : vector<16xf32>
          %add3A_281 = arith.addf %while3A_249, %mul3A_280 : vector<16xf32>
          %get3A_282 = arith.constant 0 : i32
          %get3A_283 = arith.index_cast %get3A_282 : i32 to index
          %get3A_284 = arith.index_cast %sub3A_251 : i32 to index
          %get3A_285 = arith.constant 48 : index
          %get3A_286 = tpu.vector_load %arg10[%get3A_283, %get3A_284, %get3A_285] {strides = array<i32>} : memref<2x512x64xf32, #tpu.memory_space<vmem>>, vector<16xf32>,
          %mul3A_287 = vector.broadcast %squeeze3A_257 : f32 to vector<16xf32>
          %mul3A_288 = arith.mulf %mul3A_287, %get3A_286 : vector<16xf32>
          %add3A_289 = arith.addf %while3A_250, %mul3A_288 : vector<16xf32>
          scf.yield %add3A_265, %add3A_273, %add3A_281, %add3A_289 : vector<16xf32>, vector<16xf32>, vector<16xf32>, vector<16xf32>
        }
        %gt3A_242 = arith.cmpi sgt, %min3A_224, %max3A_221 : i32
        %convert_element_type3A_243 = arith.extui %gt3A_242 : i1 to i32
        %cond3A_244 = arith.constant 0 : i32
        %cond3A_245 = arith.cmpi ne, %convert_element_type3A_243, %cond3A_244 : i32
        scf.if %cond3A_245 {
          %swap3A = arith.index_cast %while3A_216 : i32 to index
          %swap3A_246 = arith.constant 0 : index
          %swap3A_247 = tpu.vector_load %arg11[%swap3A, %swap3A_246] {strides = array<i32>} : memref<128x64xf32, #tpu.memory_space<vmem>>, vector<16xf32>,
          tpu.vector_store %arg11[%swap3A, %swap3A_246], %while3A_241#0 {add = true, strides = array<i32>} : memref<128x64xf32, #tpu.memory_space<vmem>>, vector<16xf32>,
          %swap3A_248 = arith.index_cast %while3A_216 : i32 to index
          %swap3A_249 = arith.constant 16 : index
          %swap3A_250 = tpu.vector_load %arg11[%swap3A_248, %swap3A_249] {strides = array<i32>} : memref<128x64xf32, #tpu.memory_space<vmem>>, vector<16xf32>,
          tpu.vector_store %arg11[%swap3A_248, %swap3A_249], %while3A_241#1 {add = true, strides = array<i32>} : memref<128x64xf32, #tpu.memory_space<vmem>>, vector<16xf32>,
          %swap3A_251 = arith.index_cast %while3A_216 : i32 to index
          %swap3A_252 = arith.constant 32 : index
          %swap3A_253 = tpu.vector_load %arg11[%swap3A_251, %swap3A_252] {strides = array<i32>} : memref<128x64xf32, #tpu.memory_space<vmem>>, vector<16xf32>,
          tpu.vector_store %arg11[%swap3A_251, %swap3A_252], %while3A_241#2 {add = true, strides = array<i32>} : memref<128x64xf32, #tpu.memory_space<vmem>>, vector<16xf32>,
          %swap3A_254 = arith.index_cast %while3A_216 : i32 to index
          %swap3A_255 = arith.constant 48 : index
          %swap3A_256 = tpu.vector_load %arg11[%swap3A_254, %swap3A_255] {strides = array<i32>} : memref<128x64xf32, #tpu.memory_space<vmem>>, vector<16xf32>,
          tpu.vector_store %arg11[%swap3A_254, %swap3A_255], %while3A_241#3 {add = true, strides = array<i32>} : memref<128x64xf32, #tpu.memory_space<vmem>>, vector<16xf32>,
        } else {
        }
      }
      %get3A_150 = arith.index_cast %scan3A_139 : i32 to index
      %get3A_151 = tpu.vector_load %arg7[%get3A_150] {strides = array<i32>} : memref<144xi32, #tpu.memory_space<vmem>>, vector<16xi32>,
      %slice3A_152 = vector.extract_strided_slice %get3A_151 {offsets = [0], sizes = [1], strides = [1]} : vector<16xi32> to vector<1xi32>
      %squeeze3A_153 = vector.extract %slice3A_152[0] : i32 from vector<1xi32>
      %gt3A = arith.cmpi sgt, %squeeze3A_153, %min3A : i32
      %jit3A_154 = arith.constant 1 : i32
      %jit3A_155 = arith.constant 0 : i32
      %select_n3A_156 = arith.select %gt3A, %jit3A_154, %jit3A_155 : i32
      %sub3A_157 = arith.subi %scan3A_139, %select_n3A_156 : i32
      %max3A = arith.maxsi %while3A_114, %sub3A_157 : i32
      %add3A_158 = arith.constant 2 : i32
      %add3A_159 = arith.addi %add3A_119, %add3A_158 : i32
      %lt3A_160 = arith.cmpi slt, %add3A_159, %select_n3A_60 : i32
      %convert_element_type3A_161 = arith.extui %lt3A_160 : i1 to i32
      %cond3A_162 = arith.constant 0 : i32
      %cond3A_163 = arith.cmpi ne, %convert_element_type3A_161, %cond3A_162 : i32
      scf.if %cond3A_163 {
        %add3A_216 = arith.constant 2 : i32
        %add3A_217 = arith.addi %add3A_119, %add3A_216 : i32
        %mul3A_218 = arith.constant 512 : i32
        %mul3A_219 = arith.muli %add3A_217, %mul3A_218 : i32
        %add3A_220 = arith.constant 0 : i32
        %add3A_221 = arith.addi %mul3A_219, %add3A_220 : i32
        %dma_start3A = arith.constant 0 : i32
        %dma_start3A_222 = arith.constant 0 : i32
        %dma_start3A_223 = arith.constant 0 : i32
        %dma_start3A_224 = tpu.memref_slice %arg8[%dma_start3A, %dma_start3A_222, %dma_start3A_223] : memref<2x4x128xi32, #tpu.memory_space<vmem>> -> memref<1x1x128xi32, #tpu.memory_space<vmem>>
        %dma_start3A_225 = tpu.memref_squeeze %dma_start3A_224 : memref<1x1x128xi32, #tpu.memory_space<vmem>> -> memref<128xi32, #tpu.memory_space<vmem>>
        %dma_start3A_226 = tpu.memref_slice %arg2[%add3A_221] : memref<204800xi32, #tpu.memory_space<hbm>> -> memref<128xi32, #tpu.memory_space<hbm>>
        %dma_start3A_227 = arith.constant 0 : i32
        %dma_start3A_228 = tpu.memref_slice %arg8[%dma_start3A, %dma_start3A_222, %dma_start3A_227] : memref<2x4x128xi32, #tpu.memory_space<vmem>> -> memref<1x1x128xi32, #tpu.memory_space<vmem>>
        %dma_start3A_229 = tpu.memref_squeeze %dma_start3A_228 : memref<1x1x128xi32, #tpu.memory_space<vmem>> -> memref<128xi32, #tpu.memory_space<vmem>>
        %dma_start3A_230 = tpu.memref_slice %arg2[%add3A_221] : memref<204800xi32, #tpu.memory_space<hbm>> -> memref<128xi32, #tpu.memory_space<hbm>>
        tpu.enqueue_dma source(%dma_start3A_230 : memref<128xi32, #tpu.memory_space<hbm>>) target(%dma_start3A_229 : memref<128xi32, #tpu.memory_space<vmem>>) target_semaphore(%arg12 : memref<!tpu.dma_semaphore, #tpu.memory_space<semaphore_mem>>)
        %mul3A_231 = arith.constant 512 : i32
        %mul3A_232 = arith.muli %add3A_217, %mul3A_231 : i32
        %add3A_233 = arith.constant 128 : i32
        %add3A_234 = arith.addi %mul3A_232, %add3A_233 : i32
        %dma_start3A_235 = arith.constant 0 : i32
        %dma_start3A_236 = arith.constant 1 : i32
        %dma_start3A_237 = arith.constant 0 : i32
        %dma_start3A_238 = tpu.memref_slice %arg8[%dma_start3A_235, %dma_start3A_236, %dma_start3A_237] : memref<2x4x128xi32, #tpu.memory_space<vmem>> -> memref<1x1x128xi32, #tpu.memory_space<vmem>>
        %dma_start3A_239 = tpu.memref_squeeze %dma_start3A_238 : memref<1x1x128xi32, #tpu.memory_space<vmem>> -> memref<128xi32, #tpu.memory_space<vmem>>
        %dma_start3A_240 = tpu.memref_slice %arg2[%add3A_234] : memref<204800xi32, #tpu.memory_space<hbm>> -> memref<128xi32, #tpu.memory_space<hbm>>
        %dma_start3A_241 = arith.constant 0 : i32
        %dma_start3A_242 = tpu.memref_slice %arg8[%dma_start3A_235, %dma_start3A_236, %dma_start3A_241] : memref<2x4x128xi32, #tpu.memory_space<vmem>> -> memref<1x1x128xi32, #tpu.memory_space<vmem>>
        %dma_start3A_243 = tpu.memref_squeeze %dma_start3A_242 : memref<1x1x128xi32, #tpu.memory_space<vmem>> -> memref<128xi32, #tpu.memory_space<vmem>>
        %dma_start3A_244 = tpu.memref_slice %arg2[%add3A_234] : memref<204800xi32, #tpu.memory_space<hbm>> -> memref<128xi32, #tpu.memory_space<hbm>>
        tpu.enqueue_dma source(%dma_start3A_244 : memref<128xi32, #tpu.memory_space<hbm>>) target(%dma_start3A_243 : memref<128xi32, #tpu.memory_space<vmem>>) target_semaphore(%arg12 : memref<!tpu.dma_semaphore, #tpu.memory_space<semaphore_mem>>)
        %mul3A_245 = arith.constant 512 : i32
        %mul3A_246 = arith.muli %add3A_217, %mul3A_245 : i32
        %add3A_247 = arith.constant 256 : i32
        %add3A_248 = arith.addi %mul3A_246, %add3A_247 : i32
        %dma_start3A_249 = arith.constant 0 : i32
        %dma_start3A_250 = arith.constant 2 : i32
        %dma_start3A_251 = arith.constant 0 : i32
        %dma_start3A_252 = tpu.memref_slice %arg8[%dma_start3A_249, %dma_start3A_250, %dma_start3A_251] : memref<2x4x128xi32, #tpu.memory_space<vmem>> -> memref<1x1x128xi32, #tpu.memory_space<vmem>>
        %dma_start3A_253 = tpu.memref_squeeze %dma_start3A_252 : memref<1x1x128xi32, #tpu.memory_space<vmem>> -> memref<128xi32, #tpu.memory_space<vmem>>
        %dma_start3A_254 = tpu.memref_slice %arg2[%add3A_248] : memref<204800xi32, #tpu.memory_space<hbm>> -> memref<128xi32, #tpu.memory_space<hbm>>
        %dma_start3A_255 = arith.constant 0 : i32
        %dma_start3A_256 = tpu.memref_slice %arg8[%dma_start3A_249, %dma_start3A_250, %dma_start3A_255] : memref<2x4x128xi32, #tpu.memory_space<vmem>> -> memref<1x1x128xi32, #tpu.memory_space<vmem>>
        %dma_start3A_257 = tpu.memref_squeeze %dma_start3A_256 : memref<1x1x128xi32, #tpu.memory_space<vmem>> -> memref<128xi32, #tpu.memory_space<vmem>>
        %dma_start3A_258 = tpu.memref_slice %arg2[%add3A_248] : memref<204800xi32, #tpu.memory_space<hbm>> -> memref<128xi32, #tpu.memory_space<hbm>>
        tpu.enqueue_dma source(%dma_start3A_258 : memref<128xi32, #tpu.memory_space<hbm>>) target(%dma_start3A_257 : memref<128xi32, #tpu.memory_space<vmem>>) target_semaphore(%arg12 : memref<!tpu.dma_semaphore, #tpu.memory_space<semaphore_mem>>)
        %mul3A_259 = arith.constant 512 : i32
        %mul3A_260 = arith.muli %add3A_217, %mul3A_259 : i32
        %add3A_261 = arith.constant 384 : i32
        %add3A_262 = arith.addi %mul3A_260, %add3A_261 : i32
        %dma_start3A_263 = arith.constant 0 : i32
        %dma_start3A_264 = arith.constant 3 : i32
        %dma_start3A_265 = arith.constant 0 : i32
        %dma_start3A_266 = tpu.memref_slice %arg8[%dma_start3A_263, %dma_start3A_264, %dma_start3A_265] : memref<2x4x128xi32, #tpu.memory_space<vmem>> -> memref<1x1x128xi32, #tpu.memory_space<vmem>>
        %dma_start3A_267 = tpu.memref_squeeze %dma_start3A_266 : memref<1x1x128xi32, #tpu.memory_space<vmem>> -> memref<128xi32, #tpu.memory_space<vmem>>
        %dma_start3A_268 = tpu.memref_slice %arg2[%add3A_262] : memref<204800xi32, #tpu.memory_space<hbm>> -> memref<128xi32, #tpu.memory_space<hbm>>
        %dma_start3A_269 = arith.constant 0 : i32
        %dma_start3A_270 = tpu.memref_slice %arg8[%dma_start3A_263, %dma_start3A_264, %dma_start3A_269] : memref<2x4x128xi32, #tpu.memory_space<vmem>> -> memref<1x1x128xi32, #tpu.memory_space<vmem>>
        %dma_start3A_271 = tpu.memref_squeeze %dma_start3A_270 : memref<1x1x128xi32, #tpu.memory_space<vmem>> -> memref<128xi32, #tpu.memory_space<vmem>>
        %dma_start3A_272 = tpu.memref_slice %arg2[%add3A_262] : memref<204800xi32, #tpu.memory_space<hbm>> -> memref<128xi32, #tpu.memory_space<hbm>>
        tpu.enqueue_dma source(%dma_start3A_272 : memref<128xi32, #tpu.memory_space<hbm>>) target(%dma_start3A_271 : memref<128xi32, #tpu.memory_space<vmem>>) target_semaphore(%arg12 : memref<!tpu.dma_semaphore, #tpu.memory_space<semaphore_mem>>)
        %mul3A_273 = arith.constant 512 : i32
        %mul3A_274 = arith.muli %add3A_217, %mul3A_273 : i32
        %dma_start3A_275 = arith.constant 0 : i32
        %dma_start3A_276 = arith.constant 0 : i32
        %dma_start3A_277 = tpu.memref_slice %arg9[%dma_start3A_275, %dma_start3A_276] : memref<2x528xf32, #tpu.memory_space<vmem>> -> memref<1x512xf32, #tpu.memory_space<vmem>>
        %dma_start3A_278 = tpu.memref_squeeze %dma_start3A_277 : memref<1x512xf32, #tpu.memory_space<vmem>> -> memref<512xf32, #tpu.memory_space<vmem>>
        %dma_start3A_279 = tpu.memref_slice %arg4[%mul3A_274] : memref<204800xf32, #tpu.memory_space<hbm>> -> memref<512xf32, #tpu.memory_space<hbm>>
        %dma_start3A_280 = arith.constant 0 : i32
        %dma_start3A_281 = tpu.memref_slice %arg9[%dma_start3A_275, %dma_start3A_280] : memref<2x528xf32, #tpu.memory_space<vmem>> -> memref<1x512xf32, #tpu.memory_space<vmem>>
        %dma_start3A_282 = tpu.memref_squeeze %dma_start3A_281 : memref<1x512xf32, #tpu.memory_space<vmem>> -> memref<512xf32, #tpu.memory_space<vmem>>
        %dma_start3A_283 = tpu.memref_slice %arg4[%mul3A_274] : memref<204800xf32, #tpu.memory_space<hbm>> -> memref<512xf32, #tpu.memory_space<hbm>>
        tpu.enqueue_dma source(%dma_start3A_283 : memref<512xf32, #tpu.memory_space<hbm>>) target(%dma_start3A_282 : memref<512xf32, #tpu.memory_space<vmem>>) target_semaphore(%arg12 : memref<!tpu.dma_semaphore, #tpu.memory_space<semaphore_mem>>)
      } else {
      }
      %mul3A_164 = arith.constant 2 : i32
      %mul3A_165 = arith.muli %mul3A_164, %while3A_113 : i32
      %add3A_166 = arith.addi %select_n3A, %mul3A_165 : i32
      %add3A_167 = arith.constant 1 : i32
      %add3A_168 = arith.addi %add3A_166, %add3A_167 : i32
      %add3A_169 = arith.constant 1 : i32
      %add3A_170 = arith.addi %add3A_168, %add3A_169 : i32
      %lt3A_171 = arith.cmpi slt, %add3A_170, %select_n3A_60 : i32
      %convert_element_type3A_172 = arith.extui %lt3A_171 : i1 to i32
      %cond3A_173 = arith.constant 0 : i32
      %cond3A_174 = arith.cmpi ne, %convert_element_type3A_172, %cond3A_173 : i32
      scf.if %cond3A_174 {
        %dma_wait3A = arith.constant 0 : i32
        %dma_wait3A_216 = arith.constant 0 : i32
        %dma_wait3A_217 = arith.constant 0 : i32
        %dma_wait3A_218 = tpu.memref_slice %arg8[%dma_wait3A, %dma_wait3A_216, %dma_wait3A_217] : memref<2x4x128xi32, #tpu.memory_space<vmem>> -> memref<1x1x128xi32, #tpu.memory_space<vmem>>
        %dma_wait3A_219 = tpu.memref_squeeze %dma_wait3A_218 : memref<1x1x128xi32, #tpu.memory_space<vmem>> -> memref<128xi32, #tpu.memory_space<vmem>>
        %dma_wait3A_220 = arith.constant 0 : i32
        %dma_wait3A_221 = tpu.memref_slice %arg2[%dma_wait3A_220] : memref<204800xi32, #tpu.memory_space<hbm>> -> memref<128xi32, #tpu.memory_space<hbm>>
        %dma_wait3A_222 = arith.constant 0 : i32
        %dma_wait3A_223 = tpu.memref_slice %arg8[%dma_wait3A, %dma_wait3A_216, %dma_wait3A_222] : memref<2x4x128xi32, #tpu.memory_space<vmem>> -> memref<1x1x128xi32, #tpu.memory_space<vmem>>
        %dma_wait3A_224 = tpu.memref_squeeze %dma_wait3A_223 : memref<1x1x128xi32, #tpu.memory_space<vmem>> -> memref<128xi32, #tpu.memory_space<vmem>>
        %dma_wait3A_225 = arith.constant 0 : i32
        %dma_wait3A_226 = tpu.memref_slice %arg2[%dma_wait3A_225] : memref<204800xi32, #tpu.memory_space<hbm>> -> memref<128xi32, #tpu.memory_space<hbm>>
        tpu.wait_dma2 semaphore(%arg12 : memref<!tpu.dma_semaphore, #tpu.memory_space<semaphore_mem>>) src(%dma_wait3A_226 : memref<128xi32, #tpu.memory_space<hbm>>) dst(%dma_wait3A_224 : memref<128xi32, #tpu.memory_space<vmem>>)
        %dma_wait3A_227 = arith.constant 0 : i32
        %dma_wait3A_228 = arith.constant 1 : i32
        %dma_wait3A_229 = arith.constant 0 : i32
        %dma_wait3A_230 = tpu.memref_slice %arg8[%dma_wait3A_227, %dma_wait3A_228, %dma_wait3A_229] : memref<2x4x128xi32, #tpu.memory_space<vmem>> -> memref<1x1x128xi32, #tpu.memory_space<vmem>>
        %dma_wait3A_231 = tpu.memref_squeeze %dma_wait3A_230 : memref<1x1x128xi32, #tpu.memory_space<vmem>> -> memref<128xi32, #tpu.memory_space<vmem>>
        %dma_wait3A_232 = arith.constant 128 : i32
        %dma_wait3A_233 = tpu.memref_slice %arg2[%dma_wait3A_232] : memref<204800xi32, #tpu.memory_space<hbm>> -> memref<128xi32, #tpu.memory_space<hbm>>
        %dma_wait3A_234 = arith.constant 0 : i32
        %dma_wait3A_235 = tpu.memref_slice %arg8[%dma_wait3A_227, %dma_wait3A_228, %dma_wait3A_234] : memref<2x4x128xi32, #tpu.memory_space<vmem>> -> memref<1x1x128xi32, #tpu.memory_space<vmem>>
        %dma_wait3A_236 = tpu.memref_squeeze %dma_wait3A_235 : memref<1x1x128xi32, #tpu.memory_space<vmem>> -> memref<128xi32, #tpu.memory_space<vmem>>
        %dma_wait3A_237 = arith.constant 128 : i32
        %dma_wait3A_238 = tpu.memref_slice %arg2[%dma_wait3A_237] : memref<204800xi32, #tpu.memory_space<hbm>> -> memref<128xi32, #tpu.memory_space<hbm>>
        tpu.wait_dma2 semaphore(%arg12 : memref<!tpu.dma_semaphore, #tpu.memory_space<semaphore_mem>>) src(%dma_wait3A_238 : memref<128xi32, #tpu.memory_space<hbm>>) dst(%dma_wait3A_236 : memref<128xi32, #tpu.memory_space<vmem>>)
        %dma_wait3A_239 = arith.constant 0 : i32
        %dma_wait3A_240 = arith.constant 2 : i32
        %dma_wait3A_241 = arith.constant 0 : i32
        %dma_wait3A_242 = tpu.memref_slice %arg8[%dma_wait3A_239, %dma_wait3A_240, %dma_wait3A_241] : memref<2x4x128xi32, #tpu.memory_space<vmem>> -> memref<1x1x128xi32, #tpu.memory_space<vmem>>
        %dma_wait3A_243 = tpu.memref_squeeze %dma_wait3A_242 : memref<1x1x128xi32, #tpu.memory_space<vmem>> -> memref<128xi32, #tpu.memory_space<vmem>>
        %dma_wait3A_244 = arith.constant 256 : i32
        %dma_wait3A_245 = tpu.memref_slice %arg2[%dma_wait3A_244] : memref<204800xi32, #tpu.memory_space<hbm>> -> memref<128xi32, #tpu.memory_space<hbm>>
        %dma_wait3A_246 = arith.constant 0 : i32
        %dma_wait3A_247 = tpu.memref_slice %arg8[%dma_wait3A_239, %dma_wait3A_240, %dma_wait3A_246] : memref<2x4x128xi32, #tpu.memory_space<vmem>> -> memref<1x1x128xi32, #tpu.memory_space<vmem>>
        %dma_wait3A_248 = tpu.memref_squeeze %dma_wait3A_247 : memref<1x1x128xi32, #tpu.memory_space<vmem>> -> memref<128xi32, #tpu.memory_space<vmem>>
        %dma_wait3A_249 = arith.constant 256 : i32
        %dma_wait3A_250 = tpu.memref_slice %arg2[%dma_wait3A_249] : memref<204800xi32, #tpu.memory_space<hbm>> -> memref<128xi32, #tpu.memory_space<hbm>>
        tpu.wait_dma2 semaphore(%arg12 : memref<!tpu.dma_semaphore, #tpu.memory_space<semaphore_mem>>) src(%dma_wait3A_250 : memref<128xi32, #tpu.memory_space<hbm>>) dst(%dma_wait3A_248 : memref<128xi32, #tpu.memory_space<vmem>>)
        %dma_wait3A_251 = arith.constant 0 : i32
        %dma_wait3A_252 = arith.constant 3 : i32
        %dma_wait3A_253 = arith.constant 0 : i32
        %dma_wait3A_254 = tpu.memref_slice %arg8[%dma_wait3A_251, %dma_wait3A_252, %dma_wait3A_253] : memref<2x4x128xi32, #tpu.memory_space<vmem>> -> memref<1x1x128xi32, #tpu.memory_space<vmem>>
        %dma_wait3A_255 = tpu.memref_squeeze %dma_wait3A_254 : memref<1x1x128xi32, #tpu.memory_space<vmem>> -> memref<128xi32, #tpu.memory_space<vmem>>
        %dma_wait3A_256 = arith.constant 384 : i32
        %dma_wait3A_257 = tpu.memref_slice %arg2[%dma_wait3A_256] : memref<204800xi32, #tpu.memory_space<hbm>> -> memref<128xi32, #tpu.memory_space<hbm>>
        %dma_wait3A_258 = arith.constant 0 : i32
        %dma_wait3A_259 = tpu.memref_slice %arg8[%dma_wait3A_251, %dma_wait3A_252, %dma_wait3A_258] : memref<2x4x128xi32, #tpu.memory_space<vmem>> -> memref<1x1x128xi32, #tpu.memory_space<vmem>>
        %dma_wait3A_260 = tpu.memref_squeeze %dma_wait3A_259 : memref<1x1x128xi32, #tpu.memory_space<vmem>> -> memref<128xi32, #tpu.memory_space<vmem>>
        %dma_wait3A_261 = arith.constant 384 : i32
        %dma_wait3A_262 = tpu.memref_slice %arg2[%dma_wait3A_261] : memref<204800xi32, #tpu.memory_space<hbm>> -> memref<128xi32, #tpu.memory_space<hbm>>
        tpu.wait_dma2 semaphore(%arg12 : memref<!tpu.dma_semaphore, #tpu.memory_space<semaphore_mem>>) src(%dma_wait3A_262 : memref<128xi32, #tpu.memory_space<hbm>>) dst(%dma_wait3A_260 : memref<128xi32, #tpu.memory_space<vmem>>)
        %dma_wait3A_263 = arith.constant 0 : i32
        %dma_wait3A_264 = arith.constant 0 : i32
        %dma_wait3A_265 = tpu.memref_slice %arg9[%dma_wait3A_263, %dma_wait3A_264] : memref<2x528xf32, #tpu.memory_space<vmem>> -> memref<1x512xf32, #tpu.memory_space<vmem>>
        %dma_wait3A_266 = tpu.memref_squeeze %dma_wait3A_265 : memref<1x512xf32, #tpu.memory_space<vmem>> -> memref<512xf32, #tpu.memory_space<vmem>>
        %dma_wait3A_267 = arith.constant 0 : i32
        %dma_wait3A_268 = tpu.memref_slice %arg4[%dma_wait3A_267] : memref<204800xf32, #tpu.memory_space<hbm>> -> memref<512xf32, #tpu.memory_space<hbm>>
        %dma_wait3A_269 = arith.constant 0 : i32
        %dma_wait3A_270 = tpu.memref_slice %arg9[%dma_wait3A_263, %dma_wait3A_269] : memref<2x528xf32, #tpu.memory_space<vmem>> -> memref<1x512xf32, #tpu.memory_space<vmem>>
        %dma_wait3A_271 = tpu.memref_squeeze %dma_wait3A_270 : memref<1x512xf32, #tpu.memory_space<vmem>> -> memref<512xf32, #tpu.memory_space<vmem>>
        %dma_wait3A_272 = arith.constant 0 : i32
        %dma_wait3A_273 = tpu.memref_slice %arg4[%dma_wait3A_272] : memref<204800xf32, #tpu.memory_space<hbm>> -> memref<512xf32, #tpu.memory_space<hbm>>
        tpu.wait_dma2 semaphore(%arg12 : memref<!tpu.dma_semaphore, #tpu.memory_space<semaphore_mem>>) src(%dma_wait3A_273 : memref<512xf32, #tpu.memory_space<hbm>>) dst(%dma_wait3A_271 : memref<512xf32, #tpu.memory_space<vmem>>)
        %dma_start3A = arith.constant 0 : i32
        %dma_start3A_274 = arith.constant 0 : i32
        %dma_start3A_275 = arith.constant 0 : i32
        %dma_start3A_276 = arith.constant 0 : i32
        %dma_start3A_277 = arith.constant 0 : i32
        %dma_start3A_278 = tpu.memref_slice %arg10[%dma_start3A_275, %dma_start3A_276, %dma_start3A_277] : memref<2x512x64xf32, #tpu.memory_space<vmem>> -> memref<1x128x64xf32, #tpu.memory_space<vmem>>
        %dma_start3A_279 = tpu.memref_squeeze %dma_start3A_278 : memref<1x128x64xf32, #tpu.memory_space<vmem>> -> memref<128x64xf32, #tpu.memory_space<vmem>>
        %dma_start3A_280 = arith.constant 0 : i32
        %dma_start3A_281 = tpu.memref_slice %arg8[%dma_start3A, %dma_start3A_274, %dma_start3A_280] : memref<2x4x128xi32, #tpu.memory_space<vmem>> -> memref<1x1x128xi32, #tpu.memory_space<vmem>>
        %dma_start3A_282 = tpu.memref_squeeze %dma_start3A_281 : memref<1x1x128xi32, #tpu.memory_space<vmem>> -> memref<128xi32, #tpu.memory_space<vmem>>
        %dma_start3A_283 = arith.constant 0 : i32
        %dma_start3A_284 = arith.constant 0 : i32
        %dma_start3A_285 = tpu.memref_slice %arg5[%dma_start3A_283, %dma_start3A_284] : memref<100000x64xf32, #tpu.memory_space<hbm>> -> memref<100000x64xf32, #tpu.memory_space<hbm>>
        tpu.enqueue_indirect_dma source(%dma_start3A_285 : memref<100000x64xf32, #tpu.memory_space<hbm>>) target(%dma_start3A_279 : memref<128x64xf32, #tpu.memory_space<vmem>>) offsets(%dma_start3A_282 : memref<128xi32, #tpu.memory_space<vmem>>) semaphore(%arg14 : memref<!tpu.dma_semaphore, #tpu.memory_space<semaphore_mem>>)
        %dma_start3A_286 = arith.constant 0 : i32
        %dma_start3A_287 = arith.constant 1 : i32
        %dma_start3A_288 = arith.constant 0 : i32
        %dma_start3A_289 = arith.constant 128 : i32
        %dma_start3A_290 = arith.constant 0 : i32
        %dma_start3A_291 = tpu.memref_slice %arg10[%dma_start3A_288, %dma_start3A_289, %dma_start3A_290] : memref<2x512x64xf32, #tpu.memory_space<vmem>> -> memref<1x128x64xf32, #tpu.memory_space<vmem>>
        %dma_start3A_292 = tpu.memref_squeeze %dma_start3A_291 : memref<1x128x64xf32, #tpu.memory_space<vmem>> -> memref<128x64xf32, #tpu.memory_space<vmem>>
        %dma_start3A_293 = arith.constant 0 : i32
        %dma_start3A_294 = tpu.memref_slice %arg8[%dma_start3A_286, %dma_start3A_287, %dma_start3A_293] : memref<2x4x128xi32, #tpu.memory_space<vmem>> -> memref<1x1x128xi32, #tpu.memory_space<vmem>>
        %dma_start3A_295 = tpu.memref_squeeze %dma_start3A_294 : memref<1x1x128xi32, #tpu.memory_space<vmem>> -> memref<128xi32, #tpu.memory_space<vmem>>
        %dma_start3A_296 = arith.constant 0 : i32
        %dma_start3A_297 = arith.constant 0 : i32
        %dma_start3A_298 = tpu.memref_slice %arg5[%dma_start3A_296, %dma_start3A_297] : memref<100000x64xf32, #tpu.memory_space<hbm>> -> memref<100000x64xf32, #tpu.memory_space<hbm>>
        tpu.enqueue_indirect_dma source(%dma_start3A_298 : memref<100000x64xf32, #tpu.memory_space<hbm>>) target(%dma_start3A_292 : memref<128x64xf32, #tpu.memory_space<vmem>>) offsets(%dma_start3A_295 : memref<128xi32, #tpu.memory_space<vmem>>) semaphore(%arg14 : memref<!tpu.dma_semaphore, #tpu.memory_space<semaphore_mem>>)
        %dma_start3A_299 = arith.constant 0 : i32
        %dma_start3A_300 = arith.constant 2 : i32
        %dma_start3A_301 = arith.constant 0 : i32
        %dma_start3A_302 = arith.constant 256 : i32
        %dma_start3A_303 = arith.constant 0 : i32
        %dma_start3A_304 = tpu.memref_slice %arg10[%dma_start3A_301, %dma_start3A_302, %dma_start3A_303] : memref<2x512x64xf32, #tpu.memory_space<vmem>> -> memref<1x128x64xf32, #tpu.memory_space<vmem>>
        %dma_start3A_305 = tpu.memref_squeeze %dma_start3A_304 : memref<1x128x64xf32, #tpu.memory_space<vmem>> -> memref<128x64xf32, #tpu.memory_space<vmem>>
        %dma_start3A_306 = arith.constant 0 : i32
        %dma_start3A_307 = tpu.memref_slice %arg8[%dma_start3A_299, %dma_start3A_300, %dma_start3A_306] : memref<2x4x128xi32, #tpu.memory_space<vmem>> -> memref<1x1x128xi32, #tpu.memory_space<vmem>>
        %dma_start3A_308 = tpu.memref_squeeze %dma_start3A_307 : memref<1x1x128xi32, #tpu.memory_space<vmem>> -> memref<128xi32, #tpu.memory_space<vmem>>
        %dma_start3A_309 = arith.constant 0 : i32
        %dma_start3A_310 = arith.constant 0 : i32
        %dma_start3A_311 = tpu.memref_slice %arg5[%dma_start3A_309, %dma_start3A_310] : memref<100000x64xf32, #tpu.memory_space<hbm>> -> memref<100000x64xf32, #tpu.memory_space<hbm>>
        tpu.enqueue_indirect_dma source(%dma_start3A_311 : memref<100000x64xf32, #tpu.memory_space<hbm>>) target(%dma_start3A_305 : memref<128x64xf32, #tpu.memory_space<vmem>>) offsets(%dma_start3A_308 : memref<128xi32, #tpu.memory_space<vmem>>) semaphore(%arg14 : memref<!tpu.dma_semaphore, #tpu.memory_space<semaphore_mem>>)
        %dma_start3A_312 = arith.constant 0 : i32
        %dma_start3A_313 = arith.constant 3 : i32
        %dma_start3A_314 = arith.constant 0 : i32
        %dma_start3A_315 = arith.constant 384 : i32
        %dma_start3A_316 = arith.constant 0 : i32
        %dma_start3A_317 = tpu.memref_slice %arg10[%dma_start3A_314, %dma_start3A_315, %dma_start3A_316] : memref<2x512x64xf32, #tpu.memory_space<vmem>> -> memref<1x128x64xf32, #tpu.memory_space<vmem>>
        %dma_start3A_318 = tpu.memref_squeeze %dma_start3A_317 : memref<1x128x64xf32, #tpu.memory_space<vmem>> -> memref<128x64xf32, #tpu.memory_space<vmem>>
        %dma_start3A_319 = arith.constant 0 : i32
        %dma_start3A_320 = tpu.memref_slice %arg8[%dma_start3A_312, %dma_start3A_313, %dma_start3A_319] : memref<2x4x128xi32, #tpu.memory_space<vmem>> -> memref<1x1x128xi32, #tpu.memory_space<vmem>>
        %dma_start3A_321 = tpu.memref_squeeze %dma_start3A_320 : memref<1x1x128xi32, #tpu.memory_space<vmem>> -> memref<128xi32, #tpu.memory_space<vmem>>
        %dma_start3A_322 = arith.constant 0 : i32
        %dma_start3A_323 = arith.constant 0 : i32
        %dma_start3A_324 = tpu.memref_slice %arg5[%dma_start3A_322, %dma_start3A_323] : memref<100000x64xf32, #tpu.memory_space<hbm>> -> memref<100000x64xf32, #tpu.memory_space<hbm>>
        tpu.enqueue_indirect_dma source(%dma_start3A_324 : memref<100000x64xf32, #tpu.memory_space<hbm>>) target(%dma_start3A_318 : memref<128x64xf32, #tpu.memory_space<vmem>>) offsets(%dma_start3A_321 : memref<128xi32, #tpu.memory_space<vmem>>) semaphore(%arg14 : memref<!tpu.dma_semaphore, #tpu.memory_space<semaphore_mem>>)
      } else {
      }
      %lt3A_175 = arith.cmpi slt, %add3A_168, %select_n3A_60 : i32
      %convert_element_type3A_176 = arith.extui %lt3A_175 : i1 to i32
      %cond3A_177 = arith.constant 0 : i32
      %cond3A_178 = arith.cmpi ne, %convert_element_type3A_176, %cond3A_177 : i32
      scf.if %cond3A_178 {
        %dma_wait3A = arith.constant 1 : i32
        %dma_wait3A_216 = arith.constant 0 : i32
        %dma_wait3A_217 = arith.constant 1 : i32
        %dma_wait3A_218 = arith.constant 0 : i32
        %dma_wait3A_219 = arith.constant 0 : i32
        %dma_wait3A_220 = tpu.memref_slice %arg10[%dma_wait3A_217, %dma_wait3A_218, %dma_wait3A_219] : memref<2x512x64xf32, #tpu.memory_space<vmem>> -> memref<1x128x64xf32, #tpu.memory_space<vmem>>
        %dma_wait3A_221 = tpu.memref_squeeze %dma_wait3A_220 : memref<1x128x64xf32, #tpu.memory_space<vmem>> -> memref<128x64xf32, #tpu.memory_space<vmem>>
        %dma_wait3A_222 = arith.constant 0 : i32
        %dma_wait3A_223 = tpu.memref_slice %arg8[%dma_wait3A, %dma_wait3A_216, %dma_wait3A_222] : memref<2x4x128xi32, #tpu.memory_space<vmem>> -> memref<1x1x128xi32, #tpu.memory_space<vmem>>
        %dma_wait3A_224 = tpu.memref_squeeze %dma_wait3A_223 : memref<1x1x128xi32, #tpu.memory_space<vmem>> -> memref<128xi32, #tpu.memory_space<vmem>>
        %dma_wait3A_225 = arith.constant 0 : i32
        %dma_wait3A_226 = arith.constant 0 : i32
        %dma_wait3A_227 = tpu.memref_slice %arg5[%dma_wait3A_225, %dma_wait3A_226] : memref<100000x64xf32, #tpu.memory_space<hbm>> -> memref<100000x64xf32, #tpu.memory_space<hbm>>
        tpu.wait_indirect_dma semaphore(%arg15 : memref<!tpu.dma_semaphore, #tpu.memory_space<semaphore_mem>>) src(%dma_wait3A_227 : memref<100000x64xf32, #tpu.memory_space<hbm>>) dst(%dma_wait3A_221 : memref<128x64xf32, #tpu.memory_space<vmem>>)
        %dma_wait3A_228 = arith.constant 1 : i32
        %dma_wait3A_229 = arith.constant 1 : i32
        %dma_wait3A_230 = arith.constant 1 : i32
        %dma_wait3A_231 = arith.constant 128 : i32
        %dma_wait3A_232 = arith.constant 0 : i32
        %dma_wait3A_233 = tpu.memref_slice %arg10[%dma_wait3A_230, %dma_wait3A_231, %dma_wait3A_232] : memref<2x512x64xf32, #tpu.memory_space<vmem>> -> memref<1x128x64xf32, #tpu.memory_space<vmem>>
        %dma_wait3A_234 = tpu.memref_squeeze %dma_wait3A_233 : memref<1x128x64xf32, #tpu.memory_space<vmem>> -> memref<128x64xf32, #tpu.memory_space<vmem>>
        %dma_wait3A_235 = arith.constant 0 : i32
        %dma_wait3A_236 = tpu.memref_slice %arg8[%dma_wait3A_228, %dma_wait3A_229, %dma_wait3A_235] : memref<2x4x128xi32, #tpu.memory_space<vmem>> -> memref<1x1x128xi32, #tpu.memory_space<vmem>>
        %dma_wait3A_237 = tpu.memref_squeeze %dma_wait3A_236 : memref<1x1x128xi32, #tpu.memory_space<vmem>> -> memref<128xi32, #tpu.memory_space<vmem>>
        %dma_wait3A_238 = arith.constant 0 : i32
        %dma_wait3A_239 = arith.constant 0 : i32
        %dma_wait3A_240 = tpu.memref_slice %arg5[%dma_wait3A_238, %dma_wait3A_239] : memref<100000x64xf32, #tpu.memory_space<hbm>> -> memref<100000x64xf32, #tpu.memory_space<hbm>>
        tpu.wait_indirect_dma semaphore(%arg15 : memref<!tpu.dma_semaphore, #tpu.memory_space<semaphore_mem>>) src(%dma_wait3A_240 : memref<100000x64xf32, #tpu.memory_space<hbm>>) dst(%dma_wait3A_234 : memref<128x64xf32, #tpu.memory_space<vmem>>)
        %dma_wait3A_241 = arith.constant 1 : i32
        %dma_wait3A_242 = arith.constant 2 : i32
        %dma_wait3A_243 = arith.constant 1 : i32
        %dma_wait3A_244 = arith.constant 256 : i32
        %dma_wait3A_245 = arith.constant 0 : i32
        %dma_wait3A_246 = tpu.memref_slice %arg10[%dma_wait3A_243, %dma_wait3A_244, %dma_wait3A_245] : memref<2x512x64xf32, #tpu.memory_space<vmem>> -> memref<1x128x64xf32, #tpu.memory_space<vmem>>
        %dma_wait3A_247 = tpu.memref_squeeze %dma_wait3A_246 : memref<1x128x64xf32, #tpu.memory_space<vmem>> -> memref<128x64xf32, #tpu.memory_space<vmem>>
        %dma_wait3A_248 = arith.constant 0 : i32
        %dma_wait3A_249 = tpu.memref_slice %arg8[%dma_wait3A_241, %dma_wait3A_242, %dma_wait3A_248] : memref<2x4x128xi32, #tpu.memory_space<vmem>> -> memref<1x1x128xi32, #tpu.memory_space<vmem>>
        %dma_wait3A_250 = tpu.memref_squeeze %dma_wait3A_249 : memref<1x1x128xi32, #tpu.memory_space<vmem>> -> memref<128xi32, #tpu.memory_space<vmem>>
        %dma_wait3A_251 = arith.constant 0 : i32
        %dma_wait3A_252 = arith.constant 0 : i32
        %dma_wait3A_253 = tpu.memref_slice %arg5[%dma_wait3A_251, %dma_wait3A_252] : memref<100000x64xf32, #tpu.memory_space<hbm>> -> memref<100000x64xf32, #tpu.memory_space<hbm>>
        tpu.wait_indirect_dma semaphore(%arg15 : memref<!tpu.dma_semaphore, #tpu.memory_space<semaphore_mem>>) src(%dma_wait3A_253 : memref<100000x64xf32, #tpu.memory_space<hbm>>) dst(%dma_wait3A_247 : memref<128x64xf32, #tpu.memory_space<vmem>>)
        %dma_wait3A_254 = arith.constant 1 : i32
        %dma_wait3A_255 = arith.constant 3 : i32
        %dma_wait3A_256 = arith.constant 1 : i32
        %dma_wait3A_257 = arith.constant 384 : i32
        %dma_wait3A_258 = arith.constant 0 : i32
        %dma_wait3A_259 = tpu.memref_slice %arg10[%dma_wait3A_256, %dma_wait3A_257, %dma_wait3A_258] : memref<2x512x64xf32, #tpu.memory_space<vmem>> -> memref<1x128x64xf32, #tpu.memory_space<vmem>>
        %dma_wait3A_260 = tpu.memref_squeeze %dma_wait3A_259 : memref<1x128x64xf32, #tpu.memory_space<vmem>> -> memref<128x64xf32, #tpu.memory_space<vmem>>
        %dma_wait3A_261 = arith.constant 0 : i32
        %dma_wait3A_262 = tpu.memref_slice %arg8[%dma_wait3A_254, %dma_wait3A_255, %dma_wait3A_261] : memref<2x4x128xi32, #tpu.memory_space<vmem>> -> memref<1x1x128xi32, #tpu.memory_space<vmem>>
        %dma_wait3A_263 = tpu.memref_squeeze %dma_wait3A_262 : memref<1x1x128xi32, #tpu.memory_space<vmem>> -> memref<128xi32, #tpu.memory_space<vmem>>
        %dma_wait3A_264 = arith.constant 0 : i32
        %dma_wait3A_265 = arith.constant 0 : i32
        %dma_wait3A_266 = tpu.memref_slice %arg5[%dma_wait3A_264, %dma_wait3A_265] : memref<100000x64xf32, #tpu.memory_space<hbm>> -> memref<100000x64xf32, #tpu.memory_space<hbm>>
        tpu.wait_indirect_dma semaphore(%arg15 : memref<!tpu.dma_semaphore, #tpu.memory_space<semaphore_mem>>) src(%dma_wait3A_266 : memref<100000x64xf32, #tpu.memory_space<hbm>>) dst(%dma_wait3A_260 : memref<128x64xf32, #tpu.memory_space<vmem>>)
      } else {
      }
      %mul3A_179 = arith.constant 512 : i32
      %mul3A_180 = arith.muli %add3A_168, %mul3A_179 : i32
      %add3A_181 = arith.constant 512 : i32
      %add3A_182 = arith.addi %mul3A_180, %add3A_181 : i32
      %min3A_183 = arith.minsi %squeeze3A_18, %add3A_182 : i32
      %scan3A_184 = arith.constant 0 : i32
      %scan3A_185 = arith.constant 0 : i32
      %scan3A_186 = arith.constant 8 : i32
      %scan3A_187 = arith.addi %scan3A_185, %scan3A_186 : i32
      %scan3A_188 = arith.constant 1 : i32
      %scan3A_189 = scf.for %scan3A_216 = %scan3A_185 to %scan3A_187 step %scan3A_188 iter_args(%scan3A_217 = %scan3A_184) -> (i32)  : i32 {
        %mul3A_218 = arith.constant 16 : i32
        %mul3A_219 = arith.muli %mul3A_218, %scan3A_216 : i32
        %get3A_220 = arith.index_cast %mul3A_219 : i32 to index
        %get3A_221 = tpu.vector_load %arg7[%get3A_220] {strides = array<i32>} : memref<144xi32, #tpu.memory_space<vmem>>, vector<16xi32>,
        %sub3A_222 = vector.broadcast %min3A_183 : i32 to vector<16xi32>
        %sub3A_223 = arith.subi %sub3A_222, %get3A_221 : vector<16xi32>
        %max3A_224 = arith.constant 0 : i32
        %max3A_225 = vector.broadcast %max3A_224 : i32 to vector<16xi32>
        %max3A_226 = arith.maxsi %sub3A_223, %max3A_225 : vector<16xi32>
        %min3A_227 = arith.constant 1 : i32
        %min3A_228 = vector.broadcast %min3A_227 : i32 to vector<16xi32>
        %min3A_229 = arith.minsi %max3A_226, %min3A_228 : vector<16xi32>
        %reduce_sum3A = arith.constant true
        %reduce_sum3A_230 = vector.broadcast %reduce_sum3A : i1 to vector<16xi1>
        %reduce_sum3A_231 = tpu.scan <sum>, %min3A_229 masked %reduce_sum3A_230 : vector<16xi32>, vector<16xi1> -> vector<16xi32>
        %reduce_sum3A_232 = vector.extract %reduce_sum3A_231[15] : i32 from vector<16xi32>
        %add3A_233 = arith.addi %scan3A_217, %reduce_sum3A_232 : i32
        scf.yield %add3A_233 : i32
      }
      %scan3A_190 = arith.constant 8 : i32
      %while3A_191 = arith.constant 0 : i32
      %while3A_192 = arith.subi %scan3A_189, %max3A : i32
      %while3A_193 = arith.addi %max3A, %while3A_192 : i32
      %while3A_194 = arith.constant 1 : i32
      %while3A_195 = arith.divsi %while3A_192, %while3A_194 : i32
      %while3A_196 = arith.muli %while3A_195, %while3A_194 : i32
      %while3A_197 = arith.addi %max3A, %while3A_196 : i32
      %while3A_198 = arith.constant 1 : i32
      scf.for %while3A_216 = %max3A to %while3A_197 step %while3A_198  : i32 {
        %get3A_217 = arith.index_cast %while3A_216 : i32 to index
        %get3A_218 = tpu.vector_load %arg7[%get3A_217] {strides = array<i32>} : memref<144xi32, #tpu.memory_space<vmem>>, vector<16xi32>,
        %slice3A_219 = vector.extract_strided_slice %get3A_218 {offsets = [0], sizes = [1], strides = [1]} : vector<16xi32> to vector<1xi32>
        %squeeze3A_220 = vector.extract %slice3A_219[0] : i32 from vector<1xi32>
        %max3A_221 = arith.maxsi %squeeze3A_220, %mul3A_180 : i32
        %slice3A_222 = vector.extract_strided_slice %get3A_218 {offsets = [1], sizes = [1], strides = [1]} : vector<16xi32> to vector<1xi32>
        %squeeze3A_223 = vector.extract %slice3A_222[0] : i32 from vector<1xi32>
        %min3A_224 = arith.minsi %squeeze3A_223, %min3A_183 : i32
        %broadcast_in_dim3A = arith.constant 0.000000e+00 : f32
        %broadcast_in_dim3A_225 = vector.broadcast %broadcast_in_dim3A : f32 to vector<16xf32>
        %broadcast_in_dim3A_226 = arith.constant 0.000000e+00 : f32
        %broadcast_in_dim3A_227 = vector.broadcast %broadcast_in_dim3A_226 : f32 to vector<16xf32>
        %broadcast_in_dim3A_228 = arith.constant 0.000000e+00 : f32
        %broadcast_in_dim3A_229 = vector.broadcast %broadcast_in_dim3A_228 : f32 to vector<16xf32>
        %broadcast_in_dim3A_230 = arith.constant 0.000000e+00 : f32
        %broadcast_in_dim3A_231 = vector.broadcast %broadcast_in_dim3A_230 : f32 to vector<16xf32>
        %while3A_232 = arith.subi %min3A_224, %max3A_221 : i32
        %while3A_233 = arith.addi %max3A_221, %while3A_232 : i32
        %while3A_234 = arith.constant 1 : i32
        %while3A_235 = arith.divsi %while3A_232, %while3A_234 : i32
        %while3A_236 = arith.muli %while3A_235, %while3A_234 : i32
        %while3A_237 = arith.addi %max3A_221, %while3A_236 : i32
        %while3A_238 = arith.constant 1 : i32
        %while3A_239:4 = scf.for %while3A_246 = %max3A_221 to %while3A_237 step %while3A_238 iter_args(%while3A_247 = %broadcast_in_dim3A_225, %while3A_248 = %broadcast_in_dim3A_227, %while3A_249 = %broadcast_in_dim3A_229, %while3A_250 = %broadcast_in_dim3A_231) -> (vector<16xf32>, vector<16xf32>, vector<16xf32>, vector<16xf32>)  : i32 {
          %sub3A_251 = arith.subi %while3A_246, %mul3A_180 : i32
          %get3A_252 = arith.constant 1 : i32
          %get3A_253 = arith.index_cast %get3A_252 : i32 to index
          %get3A_254 = arith.index_cast %sub3A_251 : i32 to index
          %get3A_255 = tpu.vector_load %arg9[%get3A_253, %get3A_254] {strides = array<i32>} : memref<2x528xf32, #tpu.memory_space<vmem>>, vector<16xf32>,
          %slice3A_256 = vector.extract_strided_slice %get3A_255 {offsets = [0], sizes = [1], strides = [1]} : vector<16xf32> to vector<1xf32>
          %squeeze3A_257 = vector.extract %slice3A_256[0] : f32 from vector<1xf32>
          %get3A_258 = arith.constant 1 : i32
          %get3A_259 = arith.index_cast %get3A_258 : i32 to index
          %get3A_260 = arith.index_cast %sub3A_251 : i32 to index
          %get3A_261 = arith.constant 0 : index
          %get3A_262 = tpu.vector_load %arg10[%get3A_259, %get3A_260, %get3A_261] {strides = array<i32>} : memref<2x512x64xf32, #tpu.memory_space<vmem>>, vector<16xf32>,
          %mul3A_263 = vector.broadcast %squeeze3A_257 : f32 to vector<16xf32>
          %mul3A_264 = arith.mulf %mul3A_263, %get3A_262 : vector<16xf32>
          %add3A_265 = arith.addf %while3A_247, %mul3A_264 : vector<16xf32>
          %get3A_266 = arith.constant 1 : i32
          %get3A_267 = arith.index_cast %get3A_266 : i32 to index
          %get3A_268 = arith.index_cast %sub3A_251 : i32 to index
          %get3A_269 = arith.constant 16 : index
          %get3A_270 = tpu.vector_load %arg10[%get3A_267, %get3A_268, %get3A_269] {strides = array<i32>} : memref<2x512x64xf32, #tpu.memory_space<vmem>>, vector<16xf32>,
          %mul3A_271 = vector.broadcast %squeeze3A_257 : f32 to vector<16xf32>
          %mul3A_272 = arith.mulf %mul3A_271, %get3A_270 : vector<16xf32>
          %add3A_273 = arith.addf %while3A_248, %mul3A_272 : vector<16xf32>
          %get3A_274 = arith.constant 1 : i32
          %get3A_275 = arith.index_cast %get3A_274 : i32 to index
          %get3A_276 = arith.index_cast %sub3A_251 : i32 to index
          %get3A_277 = arith.constant 32 : index
          %get3A_278 = tpu.vector_load %arg10[%get3A_275, %get3A_276, %get3A_277] {strides = array<i32>} : memref<2x512x64xf32, #tpu.memory_space<vmem>>, vector<16xf32>,
          %mul3A_279 = vector.broadcast %squeeze3A_257 : f32 to vector<16xf32>
          %mul3A_280 = arith.mulf %mul3A_279, %get3A_278 : vector<16xf32>
          %add3A_281 = arith.addf %while3A_249, %mul3A_280 : vector<16xf32>
          %get3A_282 = arith.constant 1 : i32
          %get3A_283 = arith.index_cast %get3A_282 : i32 to index
          %get3A_284 = arith.index_cast %sub3A_251 : i32 to index
          %get3A_285 = arith.constant 48 : index
          %get3A_286 = tpu.vector_load %arg10[%get3A_283, %get3A_284, %get3A_285] {strides = array<i32>} : memref<2x512x64xf32, #tpu.memory_space<vmem>>, vector<16xf32>,
          %mul3A_287 = vector.broadcast %squeeze3A_257 : f32 to vector<16xf32>
          %mul3A_288 = arith.mulf %mul3A_287, %get3A_286 : vector<16xf32>
          %add3A_289 = arith.addf %while3A_250, %mul3A_288 : vector<16xf32>
          scf.yield %add3A_265, %add3A_273, %add3A_281, %add3A_289 : vector<16xf32>, vector<16xf32>, vector<16xf32>, vector<16xf32>
        }
        %while3A_240 = arith.constant 1 : i32
        %while3A_241:4 = scf.for %while3A_246 = %while3A_237 to %while3A_233 step %while3A_240 iter_args(%while3A_247 = %while3A_239#0, %while3A_248 = %while3A_239#1, %while3A_249 = %while3A_239#2, %while3A_250 = %while3A_239#3) -> (vector<16xf32>, vector<16xf32>, vector<16xf32>, vector<16xf32>)  : i32 {
          %sub3A_251 = arith.subi %while3A_246, %mul3A_180 : i32
          %get3A_252 = arith.constant 1 : i32
          %get3A_253 = arith.index_cast %get3A_252 : i32 to index
          %get3A_254 = arith.index_cast %sub3A_251 : i32 to index
          %get3A_255 = tpu.vector_load %arg9[%get3A_253, %get3A_254] {strides = array<i32>} : memref<2x528xf32, #tpu.memory_space<vmem>>, vector<16xf32>,
          %slice3A_256 = vector.extract_strided_slice %get3A_255 {offsets = [0], sizes = [1], strides = [1]} : vector<16xf32> to vector<1xf32>
          %squeeze3A_257 = vector.extract %slice3A_256[0] : f32 from vector<1xf32>
          %get3A_258 = arith.constant 1 : i32
          %get3A_259 = arith.index_cast %get3A_258 : i32 to index
          %get3A_260 = arith.index_cast %sub3A_251 : i32 to index
          %get3A_261 = arith.constant 0 : index
          %get3A_262 = tpu.vector_load %arg10[%get3A_259, %get3A_260, %get3A_261] {strides = array<i32>} : memref<2x512x64xf32, #tpu.memory_space<vmem>>, vector<16xf32>,
          %mul3A_263 = vector.broadcast %squeeze3A_257 : f32 to vector<16xf32>
          %mul3A_264 = arith.mulf %mul3A_263, %get3A_262 : vector<16xf32>
          %add3A_265 = arith.addf %while3A_247, %mul3A_264 : vector<16xf32>
          %get3A_266 = arith.constant 1 : i32
          %get3A_267 = arith.index_cast %get3A_266 : i32 to index
          %get3A_268 = arith.index_cast %sub3A_251 : i32 to index
          %get3A_269 = arith.constant 16 : index
          %get3A_270 = tpu.vector_load %arg10[%get3A_267, %get3A_268, %get3A_269] {strides = array<i32>} : memref<2x512x64xf32, #tpu.memory_space<vmem>>, vector<16xf32>,
          %mul3A_271 = vector.broadcast %squeeze3A_257 : f32 to vector<16xf32>
          %mul3A_272 = arith.mulf %mul3A_271, %get3A_270 : vector<16xf32>
          %add3A_273 = arith.addf %while3A_248, %mul3A_272 : vector<16xf32>
          %get3A_274 = arith.constant 1 : i32
          %get3A_275 = arith.index_cast %get3A_274 : i32 to index
          %get3A_276 = arith.index_cast %sub3A_251 : i32 to index
          %get3A_277 = arith.constant 32 : index
          %get3A_278 = tpu.vector_load %arg10[%get3A_275, %get3A_276, %get3A_277] {strides = array<i32>} : memref<2x512x64xf32, #tpu.memory_space<vmem>>, vector<16xf32>,
          %mul3A_279 = vector.broadcast %squeeze3A_257 : f32 to vector<16xf32>
          %mul3A_280 = arith.mulf %mul3A_279, %get3A_278 : vector<16xf32>
          %add3A_281 = arith.addf %while3A_249, %mul3A_280 : vector<16xf32>
          %get3A_282 = arith.constant 1 : i32
          %get3A_283 = arith.index_cast %get3A_282 : i32 to index
          %get3A_284 = arith.index_cast %sub3A_251 : i32 to index
          %get3A_285 = arith.constant 48 : index
          %get3A_286 = tpu.vector_load %arg10[%get3A_283, %get3A_284, %get3A_285] {strides = array<i32>} : memref<2x512x64xf32, #tpu.memory_space<vmem>>, vector<16xf32>,
          %mul3A_287 = vector.broadcast %squeeze3A_257 : f32 to vector<16xf32>
          %mul3A_288 = arith.mulf %mul3A_287, %get3A_286 : vector<16xf32>
          %add3A_289 = arith.addf %while3A_250, %mul3A_288 : vector<16xf32>
          scf.yield %add3A_265, %add3A_273, %add3A_281, %add3A_289 : vector<16xf32>, vector<16xf32>, vector<16xf32>, vector<16xf32>
        }
        %gt3A_242 = arith.cmpi sgt, %min3A_224, %max3A_221 : i32
        %convert_element_type3A_243 = arith.extui %gt3A_242 : i1 to i32
        %cond3A_244 = arith.constant 0 : i32
        %cond3A_245 = arith.cmpi ne, %convert_element_type3A_243, %cond3A_244 : i32
        scf.if %cond3A_245 {
          %swap3A = arith.index_cast %while3A_216 : i32 to index
          %swap3A_246 = arith.constant 0 : index
          %swap3A_247 = tpu.vector_load %arg11[%swap3A, %swap3A_246] {strides = array<i32>} : memref<128x64xf32, #tpu.memory_space<vmem>>, vector<16xf32>,
          tpu.vector_store %arg11[%swap3A, %swap3A_246], %while3A_241#0 {add = true, strides = array<i32>} : memref<128x64xf32, #tpu.memory_space<vmem>>, vector<16xf32>,
          %swap3A_248 = arith.index_cast %while3A_216 : i32 to index
          %swap3A_249 = arith.constant 16 : index
          %swap3A_250 = tpu.vector_load %arg11[%swap3A_248, %swap3A_249] {strides = array<i32>} : memref<128x64xf32, #tpu.memory_space<vmem>>, vector<16xf32>,
          tpu.vector_store %arg11[%swap3A_248, %swap3A_249], %while3A_241#1 {add = true, strides = array<i32>} : memref<128x64xf32, #tpu.memory_space<vmem>>, vector<16xf32>,
          %swap3A_251 = arith.index_cast %while3A_216 : i32 to index
          %swap3A_252 = arith.constant 32 : index
          %swap3A_253 = tpu.vector_load %arg11[%swap3A_251, %swap3A_252] {strides = array<i32>} : memref<128x64xf32, #tpu.memory_space<vmem>>, vector<16xf32>,
          tpu.vector_store %arg11[%swap3A_251, %swap3A_252], %while3A_241#2 {add = true, strides = array<i32>} : memref<128x64xf32, #tpu.memory_space<vmem>>, vector<16xf32>,
          %swap3A_254 = arith.index_cast %while3A_216 : i32 to index
          %swap3A_255 = arith.constant 48 : index
          %swap3A_256 = tpu.vector_load %arg11[%swap3A_254, %swap3A_255] {strides = array<i32>} : memref<128x64xf32, #tpu.memory_space<vmem>>, vector<16xf32>,
          tpu.vector_store %arg11[%swap3A_254, %swap3A_255], %while3A_241#3 {add = true, strides = array<i32>} : memref<128x64xf32, #tpu.memory_space<vmem>>, vector<16xf32>,
        } else {
        }
      }
      %while3A_199 = arith.constant 1 : i32
      scf.for %while3A_216 = %while3A_197 to %while3A_193 step %while3A_199  : i32 {
        %get3A_217 = arith.index_cast %while3A_216 : i32 to index
        %get3A_218 = tpu.vector_load %arg7[%get3A_217] {strides = array<i32>} : memref<144xi32, #tpu.memory_space<vmem>>, vector<16xi32>,
        %slice3A_219 = vector.extract_strided_slice %get3A_218 {offsets = [0], sizes = [1], strides = [1]} : vector<16xi32> to vector<1xi32>
        %squeeze3A_220 = vector.extract %slice3A_219[0] : i32 from vector<1xi32>
        %max3A_221 = arith.maxsi %squeeze3A_220, %mul3A_180 : i32
        %slice3A_222 = vector.extract_strided_slice %get3A_218 {offsets = [1], sizes = [1], strides = [1]} : vector<16xi32> to vector<1xi32>
        %squeeze3A_223 = vector.extract %slice3A_222[0] : i32 from vector<1xi32>
        %min3A_224 = arith.minsi %squeeze3A_223, %min3A_183 : i32
        %broadcast_in_dim3A = arith.constant 0.000000e+00 : f32
        %broadcast_in_dim3A_225 = vector.broadcast %broadcast_in_dim3A : f32 to vector<16xf32>
        %broadcast_in_dim3A_226 = arith.constant 0.000000e+00 : f32
        %broadcast_in_dim3A_227 = vector.broadcast %broadcast_in_dim3A_226 : f32 to vector<16xf32>
        %broadcast_in_dim3A_228 = arith.constant 0.000000e+00 : f32
        %broadcast_in_dim3A_229 = vector.broadcast %broadcast_in_dim3A_228 : f32 to vector<16xf32>
        %broadcast_in_dim3A_230 = arith.constant 0.000000e+00 : f32
        %broadcast_in_dim3A_231 = vector.broadcast %broadcast_in_dim3A_230 : f32 to vector<16xf32>
        %while3A_232 = arith.subi %min3A_224, %max3A_221 : i32
        %while3A_233 = arith.addi %max3A_221, %while3A_232 : i32
        %while3A_234 = arith.constant 1 : i32
        %while3A_235 = arith.divsi %while3A_232, %while3A_234 : i32
        %while3A_236 = arith.muli %while3A_235, %while3A_234 : i32
        %while3A_237 = arith.addi %max3A_221, %while3A_236 : i32
        %while3A_238 = arith.constant 1 : i32
        %while3A_239:4 = scf.for %while3A_246 = %max3A_221 to %while3A_237 step %while3A_238 iter_args(%while3A_247 = %broadcast_in_dim3A_225, %while3A_248 = %broadcast_in_dim3A_227, %while3A_249 = %broadcast_in_dim3A_229, %while3A_250 = %broadcast_in_dim3A_231) -> (vector<16xf32>, vector<16xf32>, vector<16xf32>, vector<16xf32>)  : i32 {
          %sub3A_251 = arith.subi %while3A_246, %mul3A_180 : i32
          %get3A_252 = arith.constant 1 : i32
          %get3A_253 = arith.index_cast %get3A_252 : i32 to index
          %get3A_254 = arith.index_cast %sub3A_251 : i32 to index
          %get3A_255 = tpu.vector_load %arg9[%get3A_253, %get3A_254] {strides = array<i32>} : memref<2x528xf32, #tpu.memory_space<vmem>>, vector<16xf32>,
          %slice3A_256 = vector.extract_strided_slice %get3A_255 {offsets = [0], sizes = [1], strides = [1]} : vector<16xf32> to vector<1xf32>
          %squeeze3A_257 = vector.extract %slice3A_256[0] : f32 from vector<1xf32>
          %get3A_258 = arith.constant 1 : i32
          %get3A_259 = arith.index_cast %get3A_258 : i32 to index
          %get3A_260 = arith.index_cast %sub3A_251 : i32 to index
          %get3A_261 = arith.constant 0 : index
          %get3A_262 = tpu.vector_load %arg10[%get3A_259, %get3A_260, %get3A_261] {strides = array<i32>} : memref<2x512x64xf32, #tpu.memory_space<vmem>>, vector<16xf32>,
          %mul3A_263 = vector.broadcast %squeeze3A_257 : f32 to vector<16xf32>
          %mul3A_264 = arith.mulf %mul3A_263, %get3A_262 : vector<16xf32>
          %add3A_265 = arith.addf %while3A_247, %mul3A_264 : vector<16xf32>
          %get3A_266 = arith.constant 1 : i32
          %get3A_267 = arith.index_cast %get3A_266 : i32 to index
          %get3A_268 = arith.index_cast %sub3A_251 : i32 to index
          %get3A_269 = arith.constant 16 : index
          %get3A_270 = tpu.vector_load %arg10[%get3A_267, %get3A_268, %get3A_269] {strides = array<i32>} : memref<2x512x64xf32, #tpu.memory_space<vmem>>, vector<16xf32>,
          %mul3A_271 = vector.broadcast %squeeze3A_257 : f32 to vector<16xf32>
          %mul3A_272 = arith.mulf %mul3A_271, %get3A_270 : vector<16xf32>
          %add3A_273 = arith.addf %while3A_248, %mul3A_272 : vector<16xf32>
          %get3A_274 = arith.constant 1 : i32
          %get3A_275 = arith.index_cast %get3A_274 : i32 to index
          %get3A_276 = arith.index_cast %sub3A_251 : i32 to index
          %get3A_277 = arith.constant 32 : index
          %get3A_278 = tpu.vector_load %arg10[%get3A_275, %get3A_276, %get3A_277] {strides = array<i32>} : memref<2x512x64xf32, #tpu.memory_space<vmem>>, vector<16xf32>,
          %mul3A_279 = vector.broadcast %squeeze3A_257 : f32 to vector<16xf32>
          %mul3A_280 = arith.mulf %mul3A_279, %get3A_278 : vector<16xf32>
          %add3A_281 = arith.addf %while3A_249, %mul3A_280 : vector<16xf32>
          %get3A_282 = arith.constant 1 : i32
          %get3A_283 = arith.index_cast %get3A_282 : i32 to index
          %get3A_284 = arith.index_cast %sub3A_251 : i32 to index
          %get3A_285 = arith.constant 48 : index
          %get3A_286 = tpu.vector_load %arg10[%get3A_283, %get3A_284, %get3A_285] {strides = array<i32>} : memref<2x512x64xf32, #tpu.memory_space<vmem>>, vector<16xf32>,
          %mul3A_287 = vector.broadcast %squeeze3A_257 : f32 to vector<16xf32>
          %mul3A_288 = arith.mulf %mul3A_287, %get3A_286 : vector<16xf32>
          %add3A_289 = arith.addf %while3A_250, %mul3A_288 : vector<16xf32>
          scf.yield %add3A_265, %add3A_273, %add3A_281, %add3A_289 : vector<16xf32>, vector<16xf32>, vector<16xf32>, vector<16xf32>
        }
        %while3A_240 = arith.constant 1 : i32
        %while3A_241:4 = scf.for %while3A_246 = %while3A_237 to %while3A_233 step %while3A_240 iter_args(%while3A_247 = %while3A_239#0, %while3A_248 = %while3A_239#1, %while3A_249 = %while3A_239#2, %while3A_250 = %while3A_239#3) -> (vector<16xf32>, vector<16xf32>, vector<16xf32>, vector<16xf32>)  : i32 {
          %sub3A_251 = arith.subi %while3A_246, %mul3A_180 : i32
          %get3A_252 = arith.constant 1 : i32
          %get3A_253 = arith.index_cast %get3A_252 : i32 to index
          %get3A_254 = arith.index_cast %sub3A_251 : i32 to index
          %get3A_255 = tpu.vector_load %arg9[%get3A_253, %get3A_254] {strides = array<i32>} : memref<2x528xf32, #tpu.memory_space<vmem>>, vector<16xf32>,
          %slice3A_256 = vector.extract_strided_slice %get3A_255 {offsets = [0], sizes = [1], strides = [1]} : vector<16xf32> to vector<1xf32>
          %squeeze3A_257 = vector.extract %slice3A_256[0] : f32 from vector<1xf32>
          %get3A_258 = arith.constant 1 : i32
          %get3A_259 = arith.index_cast %get3A_258 : i32 to index
          %get3A_260 = arith.index_cast %sub3A_251 : i32 to index
          %get3A_261 = arith.constant 0 : index
          %get3A_262 = tpu.vector_load %arg10[%get3A_259, %get3A_260, %get3A_261] {strides = array<i32>} : memref<2x512x64xf32, #tpu.memory_space<vmem>>, vector<16xf32>,
          %mul3A_263 = vector.broadcast %squeeze3A_257 : f32 to vector<16xf32>
          %mul3A_264 = arith.mulf %mul3A_263, %get3A_262 : vector<16xf32>
          %add3A_265 = arith.addf %while3A_247, %mul3A_264 : vector<16xf32>
          %get3A_266 = arith.constant 1 : i32
          %get3A_267 = arith.index_cast %get3A_266 : i32 to index
          %get3A_268 = arith.index_cast %sub3A_251 : i32 to index
          %get3A_269 = arith.constant 16 : index
          %get3A_270 = tpu.vector_load %arg10[%get3A_267, %get3A_268, %get3A_269] {strides = array<i32>} : memref<2x512x64xf32, #tpu.memory_space<vmem>>, vector<16xf32>,
          %mul3A_271 = vector.broadcast %squeeze3A_257 : f32 to vector<16xf32>
          %mul3A_272 = arith.mulf %mul3A_271, %get3A_270 : vector<16xf32>
          %add3A_273 = arith.addf %while3A_248, %mul3A_272 : vector<16xf32>
          %get3A_274 = arith.constant 1 : i32
          %get3A_275 = arith.index_cast %get3A_274 : i32 to index
          %get3A_276 = arith.index_cast %sub3A_251 : i32 to index
          %get3A_277 = arith.constant 32 : index
          %get3A_278 = tpu.vector_load %arg10[%get3A_275, %get3A_276, %get3A_277] {strides = array<i32>} : memref<2x512x64xf32, #tpu.memory_space<vmem>>, vector<16xf32>,
          %mul3A_279 = vector.broadcast %squeeze3A_257 : f32 to vector<16xf32>
          %mul3A_280 = arith.mulf %mul3A_279, %get3A_278 : vector<16xf32>
          %add3A_281 = arith.addf %while3A_249, %mul3A_280 : vector<16xf32>
          %get3A_282 = arith.constant 1 : i32
          %get3A_283 = arith.index_cast %get3A_282 : i32 to index
          %get3A_284 = arith.index_cast %sub3A_251 : i32 to index
          %get3A_285 = arith.constant 48 : index
          %get3A_286 = tpu.vector_load %arg10[%get3A_283, %get3A_284, %get3A_285] {strides = array<i32>} : memref<2x512x64xf32, #tpu.memory_space<vmem>>, vector<16xf32>,
          %mul3A_287 = vector.broadcast %squeeze3A_257 : f32 to vector<16xf32>
          %mul3A_288 = arith.mulf %mul3A_287, %get3A_286 : vector<16xf32>
          %add3A_289 = arith.addf %while3A_250, %mul3A_288 : vector<16xf32>
          scf.yield %add3A_265, %add3A_273, %add3A_281, %add3A_289 : vector<16xf32>, vector<16xf32>, vector<16xf32>, vector<16xf32>
        }
        %gt3A_242 = arith.cmpi sgt, %min3A_224, %max3A_221 : i32
        %convert_element_type3A_243 = arith.extui %gt3A_242 : i1 to i32
        %cond3A_244 = arith.constant 0 : i32
        %cond3A_245 = arith.cmpi ne, %convert_element_type3A_243, %cond3A_244 : i32
        scf.if %cond3A_245 {
          %swap3A = arith.index_cast %while3A_216 : i32 to index
          %swap3A_246 = arith.constant 0 : index
          %swap3A_247 = tpu.vector_load %arg11[%swap3A, %swap3A_246] {strides = array<i32>} : memref<128x64xf32, #tpu.memory_space<vmem>>, vector<16xf32>,
          tpu.vector_store %arg11[%swap3A, %swap3A_246], %while3A_241#0 {add = true, strides = array<i32>} : memref<128x64xf32, #tpu.memory_space<vmem>>, vector<16xf32>,
          %swap3A_248 = arith.index_cast %while3A_216 : i32 to index
          %swap3A_249 = arith.constant 16 : index
          %swap3A_250 = tpu.vector_load %arg11[%swap3A_248, %swap3A_249] {strides = array<i32>} : memref<128x64xf32, #tpu.memory_space<vmem>>, vector<16xf32>,
          tpu.vector_store %arg11[%swap3A_248, %swap3A_249], %while3A_241#1 {add = true, strides = array<i32>} : memref<128x64xf32, #tpu.memory_space<vmem>>, vector<16xf32>,
          %swap3A_251 = arith.index_cast %while3A_216 : i32 to index
          %swap3A_252 = arith.constant 32 : index
          %swap3A_253 = tpu.vector_load %arg11[%swap3A_251, %swap3A_252] {strides = array<i32>} : memref<128x64xf32, #tpu.memory_space<vmem>>, vector<16xf32>,
          tpu.vector_store %arg11[%swap3A_251, %swap3A_252], %while3A_241#2 {add = true, strides = array<i32>} : memref<128x64xf32, #tpu.memory_space<vmem>>, vector<16xf32>,
          %swap3A_254 = arith.index_cast %while3A_216 : i32 to index
          %swap3A_255 = arith.constant 48 : index
          %swap3A_256 = tpu.vector_load %arg11[%swap3A_254, %swap3A_255] {strides = array<i32>} : memref<128x64xf32, #tpu.memory_space<vmem>>, vector<16xf32>,
          tpu.vector_store %arg11[%swap3A_254, %swap3A_255], %while3A_241#3 {add = true, strides = array<i32>} : memref<128x64xf32, #tpu.memory_space<vmem>>, vector<16xf32>,
        } else {
        }
      }
      %get3A_200 = arith.index_cast %scan3A_189 : i32 to index
      %get3A_201 = tpu.vector_load %arg7[%get3A_200] {strides = array<i32>} : memref<144xi32, #tpu.memory_space<vmem>>, vector<16xi32>,
      %slice3A_202 = vector.extract_strided_slice %get3A_201 {offsets = [0], sizes = [1], strides = [1]} : vector<16xi32> to vector<1xi32>
      %squeeze3A_203 = vector.extract %slice3A_202[0] : i32 from vector<1xi32>
      %gt3A_204 = arith.cmpi sgt, %squeeze3A_203, %min3A_183 : i32
      %jit3A_205 = arith.constant 1 : i32
      %jit3A_206 = arith.constant 0 : i32
      %select_n3A_207 = arith.select %gt3A_204, %jit3A_205, %jit3A_206 : i32
      %sub3A_208 = arith.subi %scan3A_189, %select_n3A_207 : i32
      %max3A_209 = arith.maxsi %max3A, %sub3A_208 : i32
      %add3A_210 = arith.constant 2 : i32
      %add3A_211 = arith.addi %add3A_168, %add3A_210 : i32
      %lt3A_212 = arith.cmpi slt, %add3A_211, %select_n3A_60 : i32
      %convert_element_type3A_213 = arith.extui %lt3A_212 : i1 to i32
      %cond3A_214 = arith.constant 0 : i32
      %cond3A_215 = arith.cmpi ne, %convert_element_type3A_213, %cond3A_214 : i32
      scf.if %cond3A_215 {
        %add3A_216 = arith.constant 2 : i32
        %add3A_217 = arith.addi %add3A_168, %add3A_216 : i32
        %mul3A_218 = arith.constant 512 : i32
        %mul3A_219 = arith.muli %add3A_217, %mul3A_218 : i32
        %add3A_220 = arith.constant 0 : i32
        %add3A_221 = arith.addi %mul3A_219, %add3A_220 : i32
        %dma_start3A = arith.constant 1 : i32
        %dma_start3A_222 = arith.constant 0 : i32
        %dma_start3A_223 = arith.constant 0 : i32
        %dma_start3A_224 = tpu.memref_slice %arg8[%dma_start3A, %dma_start3A_222, %dma_start3A_223] : memref<2x4x128xi32, #tpu.memory_space<vmem>> -> memref<1x1x128xi32, #tpu.memory_space<vmem>>
        %dma_start3A_225 = tpu.memref_squeeze %dma_start3A_224 : memref<1x1x128xi32, #tpu.memory_space<vmem>> -> memref<128xi32, #tpu.memory_space<vmem>>
        %dma_start3A_226 = tpu.memref_slice %arg2[%add3A_221] : memref<204800xi32, #tpu.memory_space<hbm>> -> memref<128xi32, #tpu.memory_space<hbm>>
        %dma_start3A_227 = arith.constant 0 : i32
        %dma_start3A_228 = tpu.memref_slice %arg8[%dma_start3A, %dma_start3A_222, %dma_start3A_227] : memref<2x4x128xi32, #tpu.memory_space<vmem>> -> memref<1x1x128xi32, #tpu.memory_space<vmem>>
        %dma_start3A_229 = tpu.memref_squeeze %dma_start3A_228 : memref<1x1x128xi32, #tpu.memory_space<vmem>> -> memref<128xi32, #tpu.memory_space<vmem>>
        %dma_start3A_230 = tpu.memref_slice %arg2[%add3A_221] : memref<204800xi32, #tpu.memory_space<hbm>> -> memref<128xi32, #tpu.memory_space<hbm>>
        tpu.enqueue_dma source(%dma_start3A_230 : memref<128xi32, #tpu.memory_space<hbm>>) target(%dma_start3A_229 : memref<128xi32, #tpu.memory_space<vmem>>) target_semaphore(%arg13 : memref<!tpu.dma_semaphore, #tpu.memory_space<semaphore_mem>>)
        %mul3A_231 = arith.constant 512 : i32
        %mul3A_232 = arith.muli %add3A_217, %mul3A_231 : i32
        %add3A_233 = arith.constant 128 : i32
        %add3A_234 = arith.addi %mul3A_232, %add3A_233 : i32
        %dma_start3A_235 = arith.constant 1 : i32
        %dma_start3A_236 = arith.constant 1 : i32
        %dma_start3A_237 = arith.constant 0 : i32
        %dma_start3A_238 = tpu.memref_slice %arg8[%dma_start3A_235, %dma_start3A_236, %dma_start3A_237] : memref<2x4x128xi32, #tpu.memory_space<vmem>> -> memref<1x1x128xi32, #tpu.memory_space<vmem>>
        %dma_start3A_239 = tpu.memref_squeeze %dma_start3A_238 : memref<1x1x128xi32, #tpu.memory_space<vmem>> -> memref<128xi32, #tpu.memory_space<vmem>>
        %dma_start3A_240 = tpu.memref_slice %arg2[%add3A_234] : memref<204800xi32, #tpu.memory_space<hbm>> -> memref<128xi32, #tpu.memory_space<hbm>>
        %dma_start3A_241 = arith.constant 0 : i32
        %dma_start3A_242 = tpu.memref_slice %arg8[%dma_start3A_235, %dma_start3A_236, %dma_start3A_241] : memref<2x4x128xi32, #tpu.memory_space<vmem>> -> memref<1x1x128xi32, #tpu.memory_space<vmem>>
        %dma_start3A_243 = tpu.memref_squeeze %dma_start3A_242 : memref<1x1x128xi32, #tpu.memory_space<vmem>> -> memref<128xi32, #tpu.memory_space<vmem>>
        %dma_start3A_244 = tpu.memref_slice %arg2[%add3A_234] : memref<204800xi32, #tpu.memory_space<hbm>> -> memref<128xi32, #tpu.memory_space<hbm>>
        tpu.enqueue_dma source(%dma_start3A_244 : memref<128xi32, #tpu.memory_space<hbm>>) target(%dma_start3A_243 : memref<128xi32, #tpu.memory_space<vmem>>) target_semaphore(%arg13 : memref<!tpu.dma_semaphore, #tpu.memory_space<semaphore_mem>>)
        %mul3A_245 = arith.constant 512 : i32
        %mul3A_246 = arith.muli %add3A_217, %mul3A_245 : i32
        %add3A_247 = arith.constant 256 : i32
        %add3A_248 = arith.addi %mul3A_246, %add3A_247 : i32
        %dma_start3A_249 = arith.constant 1 : i32
        %dma_start3A_250 = arith.constant 2 : i32
        %dma_start3A_251 = arith.constant 0 : i32
        %dma_start3A_252 = tpu.memref_slice %arg8[%dma_start3A_249, %dma_start3A_250, %dma_start3A_251] : memref<2x4x128xi32, #tpu.memory_space<vmem>> -> memref<1x1x128xi32, #tpu.memory_space<vmem>>
        %dma_start3A_253 = tpu.memref_squeeze %dma_start3A_252 : memref<1x1x128xi32, #tpu.memory_space<vmem>> -> memref<128xi32, #tpu.memory_space<vmem>>
        %dma_start3A_254 = tpu.memref_slice %arg2[%add3A_248] : memref<204800xi32, #tpu.memory_space<hbm>> -> memref<128xi32, #tpu.memory_space<hbm>>
        %dma_start3A_255 = arith.constant 0 : i32
        %dma_start3A_256 = tpu.memref_slice %arg8[%dma_start3A_249, %dma_start3A_250, %dma_start3A_255] : memref<2x4x128xi32, #tpu.memory_space<vmem>> -> memref<1x1x128xi32, #tpu.memory_space<vmem>>
        %dma_start3A_257 = tpu.memref_squeeze %dma_start3A_256 : memref<1x1x128xi32, #tpu.memory_space<vmem>> -> memref<128xi32, #tpu.memory_space<vmem>>
        %dma_start3A_258 = tpu.memref_slice %arg2[%add3A_248] : memref<204800xi32, #tpu.memory_space<hbm>> -> memref<128xi32, #tpu.memory_space<hbm>>
        tpu.enqueue_dma source(%dma_start3A_258 : memref<128xi32, #tpu.memory_space<hbm>>) target(%dma_start3A_257 : memref<128xi32, #tpu.memory_space<vmem>>) target_semaphore(%arg13 : memref<!tpu.dma_semaphore, #tpu.memory_space<semaphore_mem>>)
        %mul3A_259 = arith.constant 512 : i32
        %mul3A_260 = arith.muli %add3A_217, %mul3A_259 : i32
        %add3A_261 = arith.constant 384 : i32
        %add3A_262 = arith.addi %mul3A_260, %add3A_261 : i32
        %dma_start3A_263 = arith.constant 1 : i32
        %dma_start3A_264 = arith.constant 3 : i32
        %dma_start3A_265 = arith.constant 0 : i32
        %dma_start3A_266 = tpu.memref_slice %arg8[%dma_start3A_263, %dma_start3A_264, %dma_start3A_265] : memref<2x4x128xi32, #tpu.memory_space<vmem>> -> memref<1x1x128xi32, #tpu.memory_space<vmem>>
        %dma_start3A_267 = tpu.memref_squeeze %dma_start3A_266 : memref<1x1x128xi32, #tpu.memory_space<vmem>> -> memref<128xi32, #tpu.memory_space<vmem>>
        %dma_start3A_268 = tpu.memref_slice %arg2[%add3A_262] : memref<204800xi32, #tpu.memory_space<hbm>> -> memref<128xi32, #tpu.memory_space<hbm>>
        %dma_start3A_269 = arith.constant 0 : i32
        %dma_start3A_270 = tpu.memref_slice %arg8[%dma_start3A_263, %dma_start3A_264, %dma_start3A_269] : memref<2x4x128xi32, #tpu.memory_space<vmem>> -> memref<1x1x128xi32, #tpu.memory_space<vmem>>
        %dma_start3A_271 = tpu.memref_squeeze %dma_start3A_270 : memref<1x1x128xi32, #tpu.memory_space<vmem>> -> memref<128xi32, #tpu.memory_space<vmem>>
        %dma_start3A_272 = tpu.memref_slice %arg2[%add3A_262] : memref<204800xi32, #tpu.memory_space<hbm>> -> memref<128xi32, #tpu.memory_space<hbm>>
        tpu.enqueue_dma source(%dma_start3A_272 : memref<128xi32, #tpu.memory_space<hbm>>) target(%dma_start3A_271 : memref<128xi32, #tpu.memory_space<vmem>>) target_semaphore(%arg13 : memref<!tpu.dma_semaphore, #tpu.memory_space<semaphore_mem>>)
        %mul3A_273 = arith.constant 512 : i32
        %mul3A_274 = arith.muli %add3A_217, %mul3A_273 : i32
        %dma_start3A_275 = arith.constant 1 : i32
        %dma_start3A_276 = arith.constant 0 : i32
        %dma_start3A_277 = tpu.memref_slice %arg9[%dma_start3A_275, %dma_start3A_276] : memref<2x528xf32, #tpu.memory_space<vmem>> -> memref<1x512xf32, #tpu.memory_space<vmem>>
        %dma_start3A_278 = tpu.memref_squeeze %dma_start3A_277 : memref<1x512xf32, #tpu.memory_space<vmem>> -> memref<512xf32, #tpu.memory_space<vmem>>
        %dma_start3A_279 = tpu.memref_slice %arg4[%mul3A_274] : memref<204800xf32, #tpu.memory_space<hbm>> -> memref<512xf32, #tpu.memory_space<hbm>>
        %dma_start3A_280 = arith.constant 0 : i32
        %dma_start3A_281 = tpu.memref_slice %arg9[%dma_start3A_275, %dma_start3A_280] : memref<2x528xf32, #tpu.memory_space<vmem>> -> memref<1x512xf32, #tpu.memory_space<vmem>>
        %dma_start3A_282 = tpu.memref_squeeze %dma_start3A_281 : memref<1x512xf32, #tpu.memory_space<vmem>> -> memref<512xf32, #tpu.memory_space<vmem>>
        %dma_start3A_283 = tpu.memref_slice %arg4[%mul3A_274] : memref<204800xf32, #tpu.memory_space<hbm>> -> memref<512xf32, #tpu.memory_space<hbm>>
        tpu.enqueue_dma source(%dma_start3A_283 : memref<512xf32, #tpu.memory_space<hbm>>) target(%dma_start3A_282 : memref<512xf32, #tpu.memory_space<vmem>>) target_semaphore(%arg13 : memref<!tpu.dma_semaphore, #tpu.memory_space<semaphore_mem>>)
      } else {
      }
      scf.yield %max3A_209 : i32
    }
    "tpu.region"() ({
      %run_scoped3A = tpu.sem_alloc : memref<!tpu.dma_semaphore, #tpu.memory_space<semaphore_mem>>
      %dma_start3A = arith.constant 0 : i32
      %dma_start3A_113 = tpu.memref_slice %arg6[%mul3A_2, %dma_start3A] : memref<4096x64xf32, #tpu.memory_space<hbm>> -> memref<128x64xf32, #tpu.memory_space<hbm>>
      %dma_start3A_114 = arith.constant 0 : i32
      %dma_start3A_115 = tpu.memref_slice %arg6[%mul3A_2, %dma_start3A_114] : memref<4096x64xf32, #tpu.memory_space<hbm>> -> memref<128x64xf32, #tpu.memory_space<hbm>>
      tpu.enqueue_dma source(%arg11 : memref<128x64xf32, #tpu.memory_space<vmem>>) target(%dma_start3A_115 : memref<128x64xf32, #tpu.memory_space<hbm>>) target_semaphore(%run_scoped3A : memref<!tpu.dma_semaphore, #tpu.memory_space<semaphore_mem>>)
      %dma_wait3A = arith.constant 0 : i32
      %dma_wait3A_116 = tpu.memref_slice %arg6[%mul3A_2, %dma_wait3A] : memref<4096x64xf32, #tpu.memory_space<hbm>> -> memref<128x64xf32, #tpu.memory_space<hbm>>
      %dma_wait3A_117 = arith.constant 0 : i32
      %dma_wait3A_118 = tpu.memref_slice %arg6[%mul3A_2, %dma_wait3A_117] : memref<4096x64xf32, #tpu.memory_space<hbm>> -> memref<128x64xf32, #tpu.memory_space<hbm>>
      tpu.wait_dma2 semaphore(%run_scoped3A : memref<!tpu.dma_semaphore, #tpu.memory_space<semaphore_mem>>) src(%arg11 : memref<128x64xf32, #tpu.memory_space<vmem>>) dst(%dma_wait3A_118 : memref<128x64xf32, #tpu.memory_space<hbm>>)
      tpu.yield
    }) : () -> ()
    return
  }
}

</mosaic_0001>

<sc_bundles>
// kernel: kernel.3.cloned.1.call-start
scs
__scs_entry_jumppad:
0x0: {  	(pc) =	sbr.rel $0x88, $3  }
0x1: {  	(tag) =	ssettag $0x0;
	lr =	simm.s32 $0x1  }
0x2: {  	[smem:$0x3F9D] =	sst lr;
	_ =	strace $0xD0000000  }
0x3: {  	_ = 	snop  }
0x4: {  	_ = 	snop  }
0x5: {  	_ = 	snop  }
0x6: {  	_ = 	snop  }
0x7: {  	_ = 	snop  }
__scs_overlays_trampoline_lowered:
0x8: {  	[smem:$0x3FAC] =	sst s0  }
0x9: {  	[smem:$0x3FAD] =	sst s1  }
0xa: {  	[smem:$0x3FAE] =	sst s2  }
0xb: {  	[smem:$0x3FAF] =	sst s3  }
0xc: {  	[smem:$0x3FB0] =	sst s4  }
0xd: {  	[smem:$0x3FB1] =	sst s5  }
0xe: {  	[smem:$0x3FB2] =	sst s6  }
0xf: {  	[smem:$0x3FB3] =	sst s7  }
0x10: {  	[smem:$0x3FB4] =	sst s8  }
0x11: {  	[smem:$0x3FB5] =	sst s9;
	s0 =	simm.s32 @!p0 $0x0  }
0x12: {  	s1 =	sld [smem:$0x3F9B];
	s0 =	simm.s32 @p0 $0x1  }
0x13: {  	[smem:$0x3FB6] =	sst s0;
	s0 =	simm.s32 @!p1 $0x0  }
0x14: {  	s2 =	sld [smem:$0x3F9A];
	s0 =	simm.s32 @p1 $0x1  }
0x15: {  	[smem:$0x3FB7] =	sst s0;
	s0 =	simm.s32 @!p2 $0x0  }
0x16: {  	s3 =	sld [smem:$0x3FDB];
	s0 =	simm.s32 @p2 $0x1  }
0x17: {  	s4 =	simm.s32 $0x1BF5;
	[smem:$0x3FB9] =	sst s0  }
0x18: {  	s0 =	sld [smem:$0x3F9C];
	_ =	swait.ge [sflag:s4], $0x0  }
0x19: {  	s7 =	sld [smem:$0x3F9D]  }
0x1a: {  	s8 =	sadd.s32 $0xFFFFE003, lr  }
0x1b: {  	s9 =	sadd.s32 $0xFFFFFEF7, lr;
	s5 =	simm.s32 $0xFFFFFFFF;
	p2 =	slt.u32 s8, $0xFFFFF086  }
0x1c: {  	p1 =	slt.u32 s9, $0xF7A;
	s5 =	simm.s32 @!p2 $0x0  }
0x1d: {  	s5 =	simm.s32 @p1 $0x1;
	p0 =	seq.s32 s7, s2  }
0x1e: {  	s7 =	smul.u32 @!p0 $0xF7A, s2;
	p2 =	seq.s32 @!p0 s5, $0x0  }
0x1f: {  	s9 =	smul.u32 $0xF7A, s1;
	s8 =	simm.s32 @!p0 $0x1BF5;
	p2 =	por !p2, p0  }
0x20: {  	[sflag:s8] =	ssyncset.s32 @!p0 $0xFFFFF086;
	s6 =	sadd.s32 @!p0 s3, s7;
	s7 =	simm.s32 @!p0 $0x108  }
0x21: {  	s3 =	sadd.s32 s3, s9;
	s6 =	sadd.s32 @!p0 $0x88, s6;
	s7 =	simm.s32 @p2 $0x1082  }
0x22: {  	[simem:s7], [sflag:s8] =	dma.local @!p0 [hbm:s6], $0xF7A  }
0x23: {  	s9 =	sor.u32 $0xD0000000, s2;
	s6 =	simm.s32 $0x108;
	_ =	swait.ge @!p0 [sflag:s8], $0x0  }
0x24: {  	s3 =	sadd.s32 $0x88, s3;
	s6 =	simm.s32 @!p1 $0x1082;
	[sflag:s4] =	ssyncset.s32 $0xFFFFF086  }
0x25: {  	[simem:s6], [sflag:s4] =	dma.local [hbm:s3], $0xF7A  }
0x26: {  	[smem:$0x3F9D] =	sst s1;
	(tag) =	ssettag s2;
	_ =	strace s9  }
0x27: {  	s1 =	sld [smem:$0x3FAD]  }
0x28: {  	s2 =	sld [smem:$0x3FAE]  }
0x29: {  	s4 =	sld [smem:$0x3FB0]  }
0x2a: {  	p0 =	seq.s32 s5, $0x0;
	s5 =	sld [smem:$0x3FB1]  }
0x2b: {  	s6 =	sld [smem:$0x3FB2]  }
0x2c: {  	s7 =	sld [smem:$0x3FB3]  }
0x2d: {  	s3 =	simm.s32 $0x108;
	s8 =	sld [smem:$0x3FB4]  }
0x2e: {  	s3 =	simm.s32 @!p0 $0x1082;
	s9 =	sld [smem:$0x3FB5]  }
0x2f: {  	lr =	sadd.s32 s0, s3;
	s0 =	sld [smem:$0x3FAC]  }
0x30: {  	s3 =	sld [smem:$0x3FAF]  }
0x31: {  	[smem:$0x3FB8] =	sst s10  }
0x32: {  	s10 =	sld [smem:$0x3FB6];
	_ =	sdelay $0x3  }
0x33: {  	p0 =	seq.s32 s10, $0x1;
	s10 =	sld [smem:$0x3FB8];
	_ =	sdelay $0x3  }
0x34: {  	[smem:$0x3FB8] =	sst s10  }
0x35: {  	s10 =	sld [smem:$0x3FB7];
	_ =	sdelay $0x3  }
0x36: {  	p1 =	seq.s32 s10, $0x1;
	s10 =	sld [smem:$0x3FB8];
	_ =	sdelay $0x3  }
0x37: {  	[smem:$0x3FB8] =	sst s10  }
0x38: {  	s10 =	sld [smem:$0x3FB9]  }
0x39: {  	_ = 	snop;
	(pc) =	sbr.ind lr, $3  }
0x3a: {  	_ = 	snop  }
0x3b: {  	_ = 	snop  }
0x3c: {  	p2 =	seq.s32 s10, $0x1;
	s10 =	sld [smem:$0x3FB8]  }
0x3d: {  	_ =	shalt  }
0x3e: {  	_ =	shalt  }
0x3f: {  	_ =	shalt  }
0x40: {  	_ =	shalt  }
0x41: {  	_ =	shalt  }
0x42: {  	_ =	shalt  }
0x43: {  	_ =	shalt  }
0x44: {  	_ =	shalt  }
0x45: {  	_ =	shalt  }
0x46: {  	_ =	shalt  }
0x47: {  	_ =	shalt  }
0x48: {  	_ =	shalt  }
0x49: {  	_ =	shalt  }
0x4a: {  	_ =	shalt  }
0x4b: {  	_ =	shalt  }
0x4c: {  	_ =	shalt  }
0x4d: {  	_ =	shalt  }
0x4e: {  	_ =	shalt  }
0x4f: {  	_ =	shalt  }
0x50: {  	_ =	shalt  }
0x51: {  	_ =	shalt  }
0x52: {  	_ =	shalt  }
0x53: {  	_ =	shalt  }
0x54: {  	_ =	shalt  }
0x55: {  	_ =	shalt  }
0x56: {  	_ =	shalt  }
0x57: {  	_ =	shalt  }
0x58: {  	_ =	shalt  }
0x59: {  	_ =	shalt  }
0x5a: {  	_ =	shalt  }
0x5b: {  	_ =	shalt  }
0x5c: {  	_ =	shalt  }
0x5d: {  	_ =	shalt  }
0x5e: {  	_ =	shalt  }
0x5f: {  	_ =	shalt  }
0x60: {  	_ =	shalt  }
0x61: {  	_ =	shalt  }
0x62: {  	_ =	shalt  }
0x63: {  	_ =	shalt  }
0x64: {  	_ =	shalt  }
0x65: {  	_ =	shalt  }
0x66: {  	_ =	shalt  }
0x67: {  	_ =	shalt  }
0x68: {  	_ =	shalt  }
0x69: {  	_ =	shalt  }
0x6a: {  	_ =	shalt  }
0x6b: {  	_ =	shalt  }
0x6c: {  	_ =	shalt  }
0x6d: {  	_ =	shalt  }
0x6e: {  	_ =	shalt  }
0x6f: {  	_ =	shalt  }
0x70: {  	_ =	shalt  }
0x71: {  	_ =	shalt  }
0x72: {  	_ =	shalt  }
0x73: {  	_ =	shalt  }
0x74: {  	_ =	shalt  }
0x75: {  	_ =	shalt  }
0x76: {  	_ =	shalt  }
0x77: {  	_ =	shalt  }
0x78: {  	_ =	shalt  }
0x79: {  	_ =	shalt  }
0x7a: {  	_ =	shalt  }
0x7b: {  	_ =	shalt  }
0x7c: {  	_ =	shalt  }
0x7d: {  	_ =	shalt  }
0x7e: {  	_ =	shalt  }
0x7f: {  	_ =	shalt  }
0x80: {  	_ =	shalt  }
0x81: {  	_ =	shalt  }
0x82: {  	_ =	shalt  }
0x83: {  	_ =	shalt  }
0x84: {  	_ =	shalt  }
0x85: {  	_ =	shalt  }
0x86: {  	_ =	shalt  }
0x87: {  	_ =	shalt  }
.Lfunc_end0:
.L_simem_size_0:
called_computation_lowered:
.L_overlay_start_0:
0x88: {  	s2 =	sld [smem:$0x3FD9]  }
0x89: {  	s3 =	sld [smem:$0x3FFE];
	_ =	sdelay $0x1  }
0x8a: {  	s1 =	srdreg.scid  }
0x8b: {  	s0 =	sand.u32 $0x1, s1  }
0x8c: {  	s17 =	sshll.u32 s0, $0xA;
	s2 =	sadd.s32 s3, s2  }
0x8d: {  	s2 =	sadd.s32 s2, s17  }
0x8e: {  	[smem:$0x3FC4] =	sst s2  }
0x8f: {  	_ = 	snop  }
0x90: {  	s2 =	sld [smem:$0x3FC9]  }
0x91: {  	s18 =	sld [smem:$0x3FC8]  }
0x92: {  	s4 =	sld [smem:$0x3FC7]  }
0x93: {  	s5 =	sld [smem:$0x3FD0];
	(tm) =	ssettm $0x1  }
0x94: {  	s6 =	sld [smem:$0x3FFB];
	_ =	sdelay $0x3  }
0x95: {  	_ =	strace s6  }
0x96: {  	s6 =	sld [smem:$0x3FFC];
	_ =	sdelay $0x3  }
0x97: {  	_ =	strace s6  }
0x98: {  	s6 =	sld [smem:$0x3FFD];
	_ =	sdelay $0x3  }
0x99: {  	_ =	strace s6  }
0x9a: {  	_ =	strace $0x8FFFFFFF  }
0x9b: {  	s19 =	sld [smem:$0x3FDB];
	_ =	sdelay $0x1  }
0x9c: {  	s7 =	simm.s32 $_scs_section_size  }
0x9d: {  	s8 =	simm.s32 $_size__tile_overlayer_lowered;
	s9 =	simm.s32 $_tile_overlayer_lowered  }
0x9e: {  	s22 =	simm.s32 $0x1BFF;
	s21 =	sshll.u32 s9, $0x1;
	s6 =	sadd.s32 s7, s19  }
0x9f: {  	s10 =	simm.s32 $0x0;
	s20 =	sshll.u32 s8, $0x1;
	s8 =	sadd.s32 s21, s6  }
0xa0: {  	[timem:s10], [sflag:s22] =	dma.local [hbm:s8], s20  }
0xa1: {  	_ =	swait.ge [sflag:s22], s20  }
0xa2: {  	s7 =	ssub.s32 $0x0, s20;
	[sflag:s22] =	ssyncset.done $0x0  }
0xa3: {  	[sflag:s22] =	ssyncadd.s32 s7;
	_ =	sdelay $0x1  }
0xa4: {  	s23 =	simm.s32 $0x1B8B  }
0xa5: {  	_ =	swait.ge [sflag:s23], $0x1  }
0xa6: {  	[sflag:s23] =	ssyncset.done $0x0  }
0xa7: {  	s25 =	simm.s32 $0x1B8E;
	s24 =	sld [smem:$0x3FFE];
	[sflag:s23] =	ssyncadd.s32 $0xFFFFFFFF  }
0xa8: {  	s26 =	simm.s32 $execute0_lowered;
	[smem:$0x3FD2] =	sst s25  }
0xa9: {  	s8 =	sshll.u32 s26, $0x1;
	_ =	strace $0x80000046;
	[dreg:$0x1] =	wrdreg $0xFFFFFFFF  }
0xaa: {  	s28 =	simm.s32 $_size_execute0_lowered;
	s6 =	sadd.s32 s6, s8;
	[dreg:$0x0] =	wrdreg $0x0  }
0xab: {  	s8 =	sshll.u32 s28, $0x1;
	[dreg:$0x2] =	wrdreg s6  }
0xac: {  	[dreg:$0x3] =	wrdreg s8  }
0xad: {  	[dreg:$0x4] =	wrdreg $0xC0  }
0xae: {  	_ =	task [dreg:s10], $0x5FFFF  }
0xaf: {  	[dreg:$0x1] =	wrdreg $0xFFFFFFFF  }
0xb0: {  	[dreg:$0x0] =	wrdreg $0x60  }
0xb1: {  	[dreg:$0x2] =	wrdreg s2  }
0xb2: {  	[dreg:$0x3] =	wrdreg s18  }
0xb3: {  	[dreg:$0x4] =	wrdreg s4  }
0xb4: {  	[dreg:$0x5] =	wrdreg s24  }
0xb5: {  	[dreg:$0x6] =	wrdreg s5  }
0xb6: {  	[dreg:$0x7] =	wrdreg $0x9  }
0xb7: {  	_ =	task.clear_ibuf [dreg:s10], $0x8FFFF;
	_ =	strace $0x90000046  }
0xb8: {  	s29 =	simm.s32 $0x9;
	_ =	strace $0x80000048  }
0xb9: {  	_ =	swait.ge [sflag:s29], $0x1  }
0xba: {  	[sflag:s29] =	ssyncadd.s32 $0xFFFFFFFF  }
0xbb: {  	_ =	strace $0x90000048  }
0xbc: {  	_ =	sfence  }
0xbd: {  	s30 =	sld [smem:$0x0];
	_ =	sdelay $0x2  }
0xbe: {  	s31 =	sshll.u32 s1, $0xD;
	s1 =	sshrl.u32 s1, $0x2  }
0xbf: {  	s3 =	sand.u32 $0x4000, s31;
	s1 =	sadd.s32 s1, s30  }
0xc0: {  	s0 =	sor.u32 s3, s0;
	s1 =	sshll.u32 s1, $0x11  }
0xc1: {  	s0 =	sor.u32 s1, s0  }
0xc2: {  	s0 =	sadd.s32 $0x8F2B, s0  }
0xc3: {  	[sflag:s0] =	ssyncadd.remote.s32 $0x1  }
0xc4: {  	_ =	sfence.sel $0xFFFF  }
0xc5: {  	[dreg:$0x0] =	wrdreg $0xFFFFFFFF;
	(pc) =	sbr.abs _section_cstart, $3  }
0xc6: {  	[dreg:$0x1] =	wrdreg $0xFFFFFFFF  }
0xc7: {  	_ =	task.clear_ibuf [dreg:s10], $0x2FFFF;
	_ =	strace $0x9FFFFFFF  }
0xc8: {  	(tm) =	ssettm $0x7FFFFFFF  }
0xc9: {  	_ =	shalt  }
tec
execute0_lowered:
.L_overlay_start_1:
0x0: {  	(tag) =	ssettag $0x1  }
0x1: {  	s1 =	rddreg [dreg:$0x0]  }
0x2: {  	s0 =	rddreg [dreg:$0x1]  }
0x3: {  	s2 =	rddreg [dreg:$0x2]  }
0x4: {  	s3 =	rddreg [dreg:$0x3]  }
0x5: {  	s4 =	rddreg [dreg:$0x4]  }
0x6: {  	s5 =	srdreg.scid;
	s6 =	stileid.u32  }
0x7: {  	s11 =	simm.s32 $0x0;
	s13 =	simm.s32 $0x5;
	s15 =	simm.s32 $0x0  }
0x8: {  	s5 =	sand.u32 $0x1, s5;
	s6 =	sshll.u32 s6, $0x1;
	[smem:$0x7FF] =	sst s11  }
0x9: {  	s9 =	sadd.s32 $0x20, s1;
	s7 =	sor.u32 s5, s6;
	_ =	strace $0x80000047  }
0xa: {  	s8 =	ssub.s32 $0x2, s5;
	s5 =	sadd.s32 $0x186E00, s3;
	s6 =	sshll.u32 s7, $0x4  }
.Ltmp0:
0xb: {  	s31 =	sshll.u32 s7, $0xA;
	s6 =	sadd.s32 s0, s6;
	(pc) =	sbr.rel .LBB2_1-.Ltmp0, $4  }
0xc: {  	s28 =	sshrl.u32 s8, $0x1;
	s3 =	sadd.s32 s4, s31;
	[dreg:$0x6] =	wrdreg s6  }
0xd: {  	s29 =	ssub.s32 s8, s28;
	s30 =	sadd.s32 $0x10, s6;
	[dreg:$0x8] =	wrdreg s3  }
0xe: {  	s10 =	sadd.s32 $0x30, s1;
	s0 =	smax.u32 s29, $0x1;
	[dreg:$0x7] =	wrdreg s30  }
0xf: {  	v0 =	vimm.f32 $0.0e+00;
	v1 =	vimm.s32 $0x0;
	p0 =	sne.s32 s7, $0x1F;
	s8 =	sadd.s32 $0x10, s1;
	[dreg:$0x9] =	wrdreg s0  }
.LBB2_26:
0x10: {  	s11 =	simm.s32 $0x0;
	s0 =	rddreg [dreg:$0x8];
	s3 =	simm.s32 $0x108B0  }
0x11: {  	[hbm4b:s0+s11] =	stream.linear.scatter [tilespmem:s3], [sflag:$0x5], $0x2000, $0x38;
	[tilespmem:$0x128B0] =	vst v63  }
0x12: {  	_ =	swait.ge [sflag:s13], $0x2000  }
0x13: {  	s15 =	sadd.s32 $0x1, s15;
	s31 =	rddreg [dreg:$0x9]  }
0x14: {  	p1 =	sne.s32 s15, s31  }
.Ltmp1:
0x15: {  	_ = 	snop;
	(pc) =	sbr.rel @!p1 .LBB2_27-.Ltmp1, $3  }
0x16: {  	_ =	sdelay $0x1  }
0x17: {  	[sflag:s13] =	ssyncset.done $0x0  }
0x18: {  	[sflag:s13] =	ssyncadd.s32 $0xFFFFE000  }
.LBB2_1:
0x19: {  	s0 =	rddreg [dreg:$0x6]  }
0x1a: {  	[tilespmem:s11], [sflag:$0x5] =	stream.linear.gather [hbm4b:s0+s11], $0x80, $0x38;
	[tilespmem:$0x128B0] =	vst v63  }
0x1b: {  	_ =	swait.ge [sflag:s13], $0x80  }
0x1c: {  	s3 =	simm.s32 @p0 $0x80;
	[sflag:s13] =	ssyncset.done $0x0  }
0x1d: {  	s0 =	simm.s32 @p0 $0x0;
	s4 =	rddreg [dreg:$0x7];
	[sflag:s13] =	ssyncadd.s32 $0xFFFFFF80  }
0x1e: {  	[tilespmem:s3], [sflag:$0x5] =	stream.linear.gather @p0 [hbm4b:s4+s0], $0x10, $0x38;
	[tilespmem:$0x128B0] =	vst v63  }
0x1f: {  	s0 =	simm.s32 @p0 $0x5  }
0x20: {  	_ =	swait.ge @p0 [sflag:s0], $0x10  }
0x21: {  	[sflag:s0] =	ssyncset.done @p0 $0x0  }
0x22: {  	v2 =	vimm.s32 @!p0 $0x32000;
	[sflag:s0] =	ssyncadd.s32 @p0 $0xFFFFFFF0  }
0x23: {  	s3 =	simm.s32 $0x100;
	s0 =	simm.s32 $0x0;
	[tilespmem:$0x80] =	vst @!p0 v2  }
.LBB2_2:
0x24: {  	p1 =	sne.s32 s3, $0x7F00;
	[tilespmem:s0+$0x108E0] =	vst v0;
	s4 =	smov.u32 s3;
	s3 =	sadd.s32 $0x100, s3  }
.Ltmp2:
0x25: {  	[tilespmem:s0+$0x108D0] =	vst v0;
	(pc) =	sbr.rel @p1 .LBB2_2-.Ltmp2, $3  }
0x26: {  	[tilespmem:s0+$0x108B0] =	vst v0  }
0x27: {  	[tilespmem:s0+$0x108C0] =	vst v0;
	_ =	sdelay $0x1  }
0x28: {  	s0 =	sshra.s32 s4, $0x2  }
0x29: {  	[tilespmem:s0+$0x108E0] =	vst v0  }
0x2a: {  	[tilespmem:s0+$0x108D0] =	vst v0  }
0x2b: {  	[tilespmem:s0+$0x108B0] =	vst v0  }
0x2c: {  	[tilespmem:s0+$0x108C0] =	vst v0  }
0x2d: {  	v2 =	vld [tilespmem:$0x0]  }
0x2e: {  	v3 =	vld [tilespmem:$0x80];
	_ =	sdelay $0x3  }
0x2f: {  	(v2sf) =	vpush v2, $0x0  }
0x30: {  	(v2sf) =	vpush v3, $0x0;
	_ =	sdelay $0xd  }
0x31: {  	s24 =	spop (v2sf)  }
0x32: {  	s16 =	spop (v2sf);
	s3 =	sshra.s32 s24, $0x1F;
	s4 =	sand.u32 $0x1FF, s24  }
0x33: {  	p1 =	slt.s32 s24, $0x1;
	s3 =	sshrl.u32 s3, $0x17;
	p2 =	sne.s32 s4, $0x0  }
0x34: {  	s25 =	sadd.s32 $0x1FF, s16;
	s4 =	simm.s32 $0x1;
	s0 =	sadd.s32 s3, s24  }
0x35: {  	p1 =	por !p1, !p2;
	s26 =	sand.u32 $0x1FF, s25;
	s7 =	sshra.s32 s25, $0x1F  }
0x36: {  	p4 =	slt.s32 s25, $0x1;
	s0 =	sshra.s32 s0, $0x9;
	p3 =	sne.s32 s26, $0x0  }
0x37: {  	p1 =	por !p1, !p1;
	s7 =	sshrl.u32 s7, $0x17;
	p2 =	por !p4, !p3  }
0x38: {  	s3 =	sadd.s32 s7, s25;
	s7 =	simm.s32 $0x1;
	p2 =	por !p2, !p2  }
0x39: {  	s4 =	simm.s32 @!p1 $0x0;
	s3 =	sshra.s32 s3, $0x9;
	s7 =	simm.s32 @!p2 $0x0  }
0x3a: {  	s17 =	ssub.s32 s0, s4;
	s18 =	ssub.s32 s3, s7  }
0x3b: {  	p2 =	sle.s32 s18, s17  }
0x3c: {  	s3 =	sshll.u32 @!p2 s17, $0x6  }
0x3d: {  	s3 =	sand.u32 @!p2 $0x1FFFFFC0, s3  }
0x3e: {  	s7 =	simm.s32 @!p2 $0x0;
	s14 =	simm.s32 @!p2 $0x90;
	s4 =	sadd.s32 @!p2 s1, s3  }
0x3f: {  	[tilespmem:s14], [sflag:$0x1] =	stream.linear.gather @!p2 [hbm4b:s4+s7], $0x80, $0x38;
	[tilespmem:$0x128B0] =	vst v63  }
0x40: {  	s19 =	simm.s32 @!p2 $0x110;
	s4 =	sadd.s32 @!p2 s3, s8  }
0x41: {  	[tilespmem:s19], [sflag:$0x1] =	stream.linear.gather @!p2 [hbm4b:s4+s7], $0x80, $0x38;
	[tilespmem:$0x128B0] =	vst v63  }
0x42: {  	s20 =	simm.s32 @!p2 $0x190;
	s4 =	sadd.s32 @!p2 s3, s9  }
0x43: {  	[tilespmem:s20], [sflag:$0x1] =	stream.linear.gather @!p2 [hbm4b:s4+s7], $0x80, $0x38;
	[tilespmem:$0x128B0] =	vst v63  }
0x44: {  	s21 =	simm.s32 @!p2 $0x210;
	s4 =	sadd.s32 @!p2 s3, s10  }
0x45: {  	[tilespmem:s21], [sflag:$0x1] =	stream.linear.gather @!p2 [hbm4b:s4+s7], $0x80, $0x38;
	[tilespmem:$0x128B0] =	vst v63  }
0x46: {  	s3 =	sadd.s32 @!p2 s2, s3;
	s4 =	simm.s32 @!p2 $0x490  }
0x47: {  	[tilespmem:s4], [sflag:$0x1] =	stream.linear.gather @!p2 [hbm4b:s3+s7], $0x200, $0x38;
	[tilespmem:$0x128B0] =	vst v63  }
0x48: {  	s3 =	sadd.s32 $0x1, s17  }
0x49: {  	p3 =	sge.s32 s3, s18  }
0x4a: {  	s3 =	sshll.u32 @!p3 s3, $0x6  }
0x4b: {  	s3 =	sand.u32 @!p3 $0x1FFFFFC0, s3  }
0x4c: {  	s7 =	simm.s32 @!p3 $0x0;
	s22 =	simm.s32 @!p3 $0x290;
	s4 =	sadd.s32 @!p3 s1, s3  }
0x4d: {  	[tilespmem:s22], [sflag:$0x2] =	stream.linear.gather @!p3 [hbm4b:s4+s7], $0x80, $0x38;
	[tilespmem:$0x128B0] =	vst v63  }
0x4e: {  	s4 =	sadd.s32 @!p3 s3, s8;
	s22 =	simm.s32 @!p3 $0x310  }
0x4f: {  	[tilespmem:s22], [sflag:$0x2] =	stream.linear.gather @!p3 [hbm4b:s4+s7], $0x80, $0x38;
	[tilespmem:$0x128B0] =	vst v63  }
0x50: {  	s4 =	sadd.s32 @!p3 s3, s9;
	s22 =	simm.s32 @!p3 $0x390  }
0x51: {  	[tilespmem:s22], [sflag:$0x2] =	stream.linear.gather @!p3 [hbm4b:s4+s7], $0x80, $0x38;
	[tilespmem:$0x128B0] =	vst v63  }
0x52: {  	s4 =	sadd.s32 @!p3 s3, s10;
	s22 =	simm.s32 @!p3 $0x410  }
0x53: {  	[tilespmem:s22], [sflag:$0x2] =	stream.linear.gather @!p3 [hbm4b:s4+s7], $0x80, $0x38;
	[tilespmem:$0x128B0] =	vst v63  }
0x54: {  	s3 =	sadd.s32 @!p3 s2, s3;
	s4 =	simm.s32 @!p3 $0x6A0  }
0x55: {  	[tilespmem:s4], [sflag:$0x2] =	stream.linear.gather @!p3 [hbm4b:s3+s7], $0x200, $0x38;
	[tilespmem:$0x128B0] =	vst v63  }
0x56: {  	s3 =	simm.s32 @!p2 $0x1  }
0x57: {  	_ =	swait.ge @!p2 [sflag:s3], $0x80  }
0x58: {  	[sflag:s3] =	ssyncset.done @!p2 $0x0  }
0x59: {  	[sflag:s3] =	ssyncadd.s32 @!p2 $0xFFFFFF80  }
0x5a: {  	_ =	swait.ge @!p2 [sflag:s3], $0x80  }
0x5b: {  	[sflag:s3] =	ssyncset.done @!p2 $0x0  }
0x5c: {  	[sflag:s3] =	ssyncadd.s32 @!p2 $0xFFFFFF80  }
0x5d: {  	_ =	swait.ge @!p2 [sflag:s3], $0x80  }
0x5e: {  	[sflag:s3] =	ssyncset.done @!p2 $0x0  }
0x5f: {  	[sflag:s3] =	ssyncadd.s32 @!p2 $0xFFFFFF80  }
0x60: {  	_ =	swait.ge @!p2 [sflag:s3], $0x80  }
0x61: {  	[sflag:s3] =	ssyncset.done @!p2 $0x0  }
0x62: {  	[sflag:s3] =	ssyncadd.s32 @!p2 $0xFFFFFF80  }
0x63: {  	_ =	swait.ge @!p2 [sflag:s3], $0x200  }
0x64: {  	s28 =	ssub.s32 s18, s17;
	[sflag:s3] =	ssyncset.done @!p2 $0x0  }
0x65: {  	s4 =	simm.s32 @!p2 $0x8B0;
	[sflag:s3] =	ssyncadd.s32 @!p2 $0xFFFFFE00;
	s3 =	simm.s32 @!p2 $0x80  }
0x66: {  	[tilespmem:s4], [sflag:$0x3] =	stream.indirect.gather @!p2 [hbm4b:s5+s3], $0x40, s14, s3, $0xb8;
	[tilespmem:$0x128B0] =	vst v63  }
0x67: {  	s29 =	sadd.s32 $0x1, s28;
	s4 =	simm.s32 @!p2 $0x28B0  }
0x68: {  	[tilespmem:s4], [sflag:$0x3] =	stream.indirect.gather @!p2 [hbm4b:s5+s3], $0x40, s19, s3, $0xb8;
	[tilespmem:$0x128B0] =	vst v63  }
0x69: {  	s30 =	sand.u32 $0x1, s29;
	s4 =	simm.s32 @!p2 $0x48B0  }
0x6a: {  	[tilespmem:s4], [sflag:$0x3] =	stream.indirect.gather @!p2 [hbm4b:s5+s3], $0x40, s20, s3, $0xb8;
	[tilespmem:$0x128B0] =	vst v63  }
0x6b: {  	p5 =	slt.s32 s28, $0x0;
	p6 =	seq.s32 s30, $0x1;
	s4 =	simm.s32 @!p2 $0x68B0  }
0x6c: {  	[tilespmem:s4], [sflag:$0x3] =	stream.indirect.gather @!p2 [hbm4b:s5+s3], $0x40, s21, s3, $0xb8;
	[tilespmem:$0x128B0] =	vst v63  }
0x6d: {  	s31 =	sshrl.u32 s29, $0x1F;
	p2 =	por !p5, !p6  }
0x6e: {  	s3 =	sadd.s32 s31, s29;
	s4 =	simm.s32 $0x1;
	p2 =	por !p2, !p2  }
0x6f: {  	s3 =	sshra.s32 s3, $0x1;
	s4 =	simm.s32 @!p2 $0x0  }
0x70: {  	s19 =	ssub.s32 s3, s4  }
0x71: {  	p2 =	slt.s32 s19, $0x1  }
.Ltmp3:
0x72: {  	_ = 	snop;
	(pc) =	sbr.rel @p2 .LBB2_26-.Ltmp3, $1  }
0x73: {  	_ =	sdelay $0x3  }
.Ltmp4:
0x74: {  	s3 =	simm.s32 $0xFFFFFFFF;
	(pc) =	sbr.rel .LBB2_5-.Ltmp4, $4  }
0x75: {  	s3 =	simm.s32 @!p1 $0x0  }
0x76: {  	s20 =	sshll.u32 s17, $0x9;
	s25 =	simm.s32 $0x0;
	s0 =	sadd.s32 s3, s0  }
0x77: {  	s21 =	ssub.s32 $0x0, s20;
	s22 =	sxor.u32 $0xFFFFFE00, s20;
	s0 =	sshll.u32 s0, $0x9  }
0x78: {  	s3 =	simm.s32 $0x0;
	s23 =	sxor.u32 $0xFFFFFE00, s0;
	s24 =	sadd.s32 $0x200, s0  }
.LBB2_25:
0x79: {  	v2 =	vld [tilespmem:s28+$0x0];
	_ =	sdelay $0x4  }
0x7a: {  	(v2sf) =	vpush v2, $0x0  }
0x7b: {  	s0 =	sadd.s32 $0x3, s26  }
0x7c: {  	p1 =	sge.s32 s0, s18  }
0x7d: {  	s0 =	sshll.u32 @!p1 s0, $0x6  }
0x7e: {  	s0 =	sand.u32 @!p1 $0x1FFFFFC0, s0  }
0x7f: {  	s4 =	simm.s32 @!p1 $0x0;
	s6 =	simm.s32 @!p1 $0x290;
	s3 =	sadd.s32 @!p1 s1, s0  }
0x80: {  	[tilespmem:s6], [sflag:$0x2] =	stream.linear.gather @!p1 [hbm4b:s3+s4], $0x80, $0x38;
	[tilespmem:$0x128B0] =	vst v63  }
0x81: {  	s3 =	sadd.s32 @!p1 s0, s8;
	s6 =	simm.s32 @!p1 $0x310  }
0x82: {  	[tilespmem:s6], [sflag:$0x2] =	stream.linear.gather @!p1 [hbm4b:s3+s4], $0x80, $0x38;
	[tilespmem:$0x128B0] =	vst v63  }
0x83: {  	s3 =	sadd.s32 @!p1 s0, s9;
	s6 =	simm.s32 @!p1 $0x390  }
0x84: {  	[tilespmem:s6], [sflag:$0x2] =	stream.linear.gather @!p1 [hbm4b:s3+s4], $0x80, $0x38;
	[tilespmem:$0x128B0] =	vst v63  }
0x85: {  	s3 =	sadd.s32 @!p1 s0, s10;
	s6 =	simm.s32 @!p1 $0x410  }
0x86: {  	[tilespmem:s6], [sflag:$0x2] =	stream.linear.gather @!p1 [hbm4b:s3+s4], $0x80, $0x38;
	[tilespmem:$0x128B0] =	vst v63  }
0x87: {  	s0 =	sadd.s32 @!p1 s2, s0;
	s6 =	simm.s32 @!p1 $0x6A0  }
0x88: {  	[tilespmem:s6], [sflag:$0x2] =	stream.linear.gather @!p1 [hbm4b:s0+s4], $0x200, $0x38;
	[tilespmem:$0x128B0] =	vst v63  }
0x89: {  	s31 =	spop (v2sf)  }
0x8a: {  	s3 =	simm.s32 $0x1;
	p2 =	sgt.s32 s31, s30  }
0x8b: {  	s3 =	simm.s32 @!p2 $0x0  }
0x8c: {  	s3 =	ssub.s32 s28, s3  }
0x8d: {  	s25 =	sadd.s32 $0x1, s25;
	p1 =	sgt.s32 s29, s3  }
0x8e: {  	s3 =	smov.u32 @p1 s29;
	p1 =	sne.s32 s25, s19  }
.Ltmp5:
0x8f: {  	_ = 	snop;
	(pc) =	sbr.rel @!p1 .LBB2_26-.Ltmp5, $3  }
0x90: {  	_ =	sdelay $0x1  }
0x91: {  	s21 =	sadd.s32 $0xFFFFFC00, s21;
	s20 =	sadd.s32 $0x400, s20  }
0x92: {  	s22 =	sadd.s32 $0xFFFFFC00, s22;
	s23 =	sadd.s32 $0xFFFFFC00, s23;
	s24 =	sadd.s32 $0x400, s24  }
.LBB2_5:
0x93: {  	s0 =	sshll.u32 s25, $0x1  }
0x94: {  	s26 =	sadd.s32 s17, s0  }
0x95: {  	s30 =	sadd.s32 $0x1, s26  }
0x96: {  	p1 =	sge.s32 s30, s18  }
0x97: {  	s0 =	simm.s32 @!p1 $0x2  }
0x98: {  	_ =	swait.ge @!p1 [sflag:s0], $0x80  }
0x99: {  	[sflag:s0] =	ssyncset.done @!p1 $0x0  }
0x9a: {  	[sflag:s0] =	ssyncadd.s32 @!p1 $0xFFFFFF80  }
0x9b: {  	_ =	swait.ge @!p1 [sflag:s0], $0x80  }
0x9c: {  	[sflag:s0] =	ssyncset.done @!p1 $0x0  }
0x9d: {  	[sflag:s0] =	ssyncadd.s32 @!p1 $0xFFFFFF80  }
0x9e: {  	_ =	swait.ge @!p1 [sflag:s0], $0x80  }
0x9f: {  	[sflag:s0] =	ssyncset.done @!p1 $0x0  }
0xa0: {  	[sflag:s0] =	ssyncadd.s32 @!p1 $0xFFFFFF80  }
0xa1: {  	_ =	swait.ge @!p1 [sflag:s0], $0x80  }
0xa2: {  	[sflag:s0] =	ssyncset.done @!p1 $0x0  }
0xa3: {  	[sflag:s0] =	ssyncadd.s32 @!p1 $0xFFFFFF80  }
0xa4: {  	_ =	swait.ge @!p1 [sflag:s0], $0x200  }
0xa5: {  	s4 =	simm.s32 @!p1 $0x290;
	[sflag:s0] =	ssyncset.done @!p1 $0x0  }
0xa6: {  	s7 =	simm.s32 @!p1 $0x88B0;
	[sflag:s0] =	ssyncadd.s32 @!p1 $0xFFFFFE00;
	s0 =	simm.s32 @!p1 $0x80  }
0xa7: {  	[tilespmem:s7], [sflag:$0x4] =	stream.indirect.gather @!p1 [hbm4b:s5+s0], $0x40, s4, s0, $0xb8;
	[tilespmem:$0x128B0] =	vst v63  }
0xa8: {  	s4 =	simm.s32 @!p1 $0x310;
	s7 =	simm.s32 @!p1 $0xA8B0  }
0xa9: {  	[tilespmem:s7], [sflag:$0x4] =	stream.indirect.gather @!p1 [hbm4b:s5+s0], $0x40, s4, s0, $0xb8;
	[tilespmem:$0x128B0] =	vst v63  }
0xaa: {  	s4 =	simm.s32 @!p1 $0x390;
	s7 =	simm.s32 @!p1 $0xC8B0  }
0xab: {  	[tilespmem:s7], [sflag:$0x4] =	stream.indirect.gather @!p1 [hbm4b:s5+s0], $0x40, s4, s0, $0xb8;
	[tilespmem:$0x128B0] =	vst v63  }
0xac: {  	p2 =	sge.s32 s26, s18;
	s4 =	simm.s32 @!p1 $0x410;
	s7 =	simm.s32 @!p1 $0xE8B0  }
0xad: {  	[tilespmem:s7], [sflag:$0x4] =	stream.indirect.gather @!p1 [hbm4b:s5+s0], $0x40, s4, s0, $0xb8;
	[tilespmem:$0x128B0] =	vst v63  }
0xae: {  	s0 =	simm.s32 @!p2 $0x3  }
0xaf: {  	_ =	swait.ge @!p2 [sflag:s0], $0x2000  }
0xb0: {  	[sflag:s0] =	ssyncset.done @!p2 $0x0  }
0xb1: {  	[sflag:s0] =	ssyncadd.s32 @!p2 $0xFFFFE000  }
0xb2: {  	_ =	swait.ge @!p2 [sflag:s0], $0x2000  }
0xb3: {  	[sflag:s0] =	ssyncset.done @!p2 $0x0  }
0xb4: {  	[sflag:s0] =	ssyncadd.s32 @!p2 $0xFFFFE000  }
0xb5: {  	_ =	swait.ge @!p2 [sflag:s0], $0x2000  }
0xb6: {  	[sflag:s0] =	ssyncset.done @!p2 $0x0  }
0xb7: {  	[sflag:s0] =	ssyncadd.s32 @!p2 $0xFFFFE000  }
0xb8: {  	_ =	swait.ge @!p2 [sflag:s0], $0x2000  }
0xb9: {  	[sflag:s0] =	ssyncset.done @!p2 $0x0  }
0xba: {  	[sflag:s0] =	ssyncadd.s32 @!p2 $0xFFFFE000  }
0xbb: {  	v2 =	vld [tilespmem:$0x0]  }
0xbc: {  	s0 =	sshll.u32 s26, $0x9;
	v3 =	vld [tilespmem:$0x10]  }
0xbd: {  	s14 =	sadd.s32 $0x200, s0;
	v4 =	vld [tilespmem:$0x20]  }
0xbe: {  	v5 =	vld [tilespmem:$0x30];
	p2 =	slt.s32 s16, s14  }
0xbf: {  	v6 =	vld [tilespmem:$0x40];
	s14 =	smov.u32 @p2 s16  }
0xc0: {  	v7 =	vld [tilespmem:$0x50];
	v2 =	vsub.s32 s14, v2  }
0xc1: {  	vm0 =	vgt.s32 v2, $0x0;
	v2 =	vsub.s32 s14, v3;
	v3 =	vld [tilespmem:$0x60]  }
0xc2: {  	v59 =	vld [tilespmem:$0x70];
	vm9 =	vgt.s32 v2, $0x0;
	v2 =	vsub.s32 s14, v4  }
0xc3: {  	v8 =	vsel vm0, $0x1, v1;
	vm10 =	vgt.s32 v2, $0x0;
	v2 =	vsub.s32 s14, v5  }
0xc4: {  	(xrf0) =	vadd.scan.msk.s32 $0xffff, v8;
	v60 =	vsel vm9, $0x1, v1;
	vm11 =	vgt.s32 v2, $0x0;
	v2 =	vsub.s32 s14, v6  }
0xc5: {  	(xrf0) =	vadd.scan.msk.s32 $0xffff, v60;
	v61 =	vsel vm10, $0x1, v1;
	vm12 =	vgt.s32 v2, $0x0;
	v2 =	vsub.s32 s14, v7  }
0xc6: {  	(xrf0) =	vadd.scan.msk.s32 $0xffff, v61;
	v62 =	vsel vm11, $0x1, v1;
	vm13 =	vgt.s32 v2, $0x0;
	v2 =	vsub.s32 s14, v3  }
0xc7: {  	(xrf0) =	vadd.scan.msk.s32 $0xffff, v62;
	v63 =	vsel vm12, $0x1, v1;
	vm14 =	vgt.s32 v2, $0x0;
	v2 =	vsub.s32 s14, v59  }
0xc8: {  	(xrf0) =	vadd.scan.msk.s32 $0xffff, v63;
	v3 =	vsel vm13, $0x1, v1  }
0xc9: {  	(xrf0) =	vadd.scan.msk.s32 $0xffff, v3;
	v3 =	vsel vm14, $0x1, v1;
	vm15 =	vgt.s32 v2, $0x0  }
0xca: {  	v2, _, _ =	vpop (xrf0);
	(xrf0) =	vadd.scan.msk.s32 $0xffff, v3;
	v3 =	vsel vm15, $0x1, v1;
	_ =	sdelay $0x1  }
0xcb: {  	(v2sf) =	vpush v2, $0xF;
	v2, _, _ =	vpop (xrf0);
	(xrf0) =	vadd.scan.msk.s32 $0xffff, v3  }
0xcc: {  	(v2sf) =	vpush v2, $0xF;
	v3, _, _ =	vpop (xrf0)  }
0xcd: {  	v2, _, _ =	vpop (xrf0);
	(v2sf) =	vpush v3, $0xF  }
0xce: {  	v3, _, _ =	vpop (xrf0);
	(v2sf) =	vpush v2, $0xF  }
0xcf: {  	v2, _, _ =	vpop (xrf0);
	(v2sf) =	vpush v3, $0xF  }
0xd0: {  	v3, _, _ =	vpop (xrf0);
	(v2sf) =	vpush v2, $0xF  }
0xd1: {  	(v2sf) =	vpush v3, $0xF;
	v2, _, _ =	vpop (xrf0)  }
0xd2: {  	(v2sf) =	vpush v2, $0xF;
	_ =	sdelay $0x7  }
0xd3: {  	s7 =	spop (v2sf)  }
0xd4: {  	s11 =	spop (v2sf)  }
0xd5: {  	s4 =	sadd.s32 s7, s11;
	s12 =	spop (v2sf)  }
0xd6: {  	s4 =	sadd.s32 s4, s12;
	s29 =	spop (v2sf)  }
0xd7: {  	s4 =	sadd.s32 s4, s29;
	s6 =	spop (v2sf)  }
0xd8: {  	s4 =	sadd.s32 s4, s6;
	s11 =	spop (v2sf)  }
0xd9: {  	s4 =	sadd.s32 s4, s11;
	s12 =	spop (v2sf)  }
0xda: {  	s4 =	sadd.s32 s4, s12;
	s29 =	spop (v2sf)  }
0xdb: {  	s31 =	sadd.s32 s4, s29  }
0xdc: {  	p2 =	sge.s32 s3, s31  }
.Ltmp6:
0xdd: {  	_ = 	snop;
	(pc) =	sbr.rel @!p2 .LBB2_6-.Ltmp6, $2  }
0xde: {  	_ =	sdelay $0x2  }
0xdf: {  	s28 =	smov.u32 s3  }
.LBB2_15:
0xe0: {  	v2 =	vld [tilespmem:s31+$0x0];
	_ =	sdelay $0x4  }
0xe1: {  	(v2sf) =	vpush v2, $0x0  }
0xe2: {  	s0 =	sadd.s32 $0x2, s26  }
0xe3: {  	p2 =	sge.s32 s0, s18  }
0xe4: {  	s0 =	sshll.u32 @!p2 s0, $0x6  }
0xe5: {  	s0 =	sand.u32 @!p2 $0x1FFFFFC0, s0  }
0xe6: {  	s7 =	simm.s32 @!p2 $0x0;
	s11 =	simm.s32 @!p2 $0x90;
	s4 =	sadd.s32 @!p2 s1, s0  }
0xe7: {  	[tilespmem:s11], [sflag:$0x1] =	stream.linear.gather @!p2 [hbm4b:s4+s7], $0x80, $0x38;
	[tilespmem:$0x128B0] =	vst v63  }
0xe8: {  	s12 =	simm.s32 @!p2 $0x110;
	s4 =	sadd.s32 @!p2 s0, s8  }
0xe9: {  	[tilespmem:s12], [sflag:$0x1] =	stream.linear.gather @!p2 [hbm4b:s4+s7], $0x80, $0x38;
	[tilespmem:$0x128B0] =	vst v63  }
0xea: {  	s29 =	simm.s32 @!p2 $0x190;
	s4 =	sadd.s32 @!p2 s0, s9  }
0xeb: {  	[tilespmem:s29], [sflag:$0x1] =	stream.linear.gather @!p2 [hbm4b:s4+s7], $0x80, $0x38;
	[tilespmem:$0x128B0] =	vst v63  }
0xec: {  	s6 =	simm.s32 @!p2 $0x210;
	s4 =	sadd.s32 @!p2 s0, s10  }
0xed: {  	[tilespmem:s6], [sflag:$0x1] =	stream.linear.gather @!p2 [hbm4b:s4+s7], $0x80, $0x38;
	[tilespmem:$0x128B0] =	vst v63  }
0xee: {  	s0 =	sadd.s32 @!p2 s2, s0;
	s4 =	simm.s32 @!p2 $0x490  }
0xef: {  	[tilespmem:s4], [sflag:$0x1] =	stream.linear.gather @!p2 [hbm4b:s0+s7], $0x200, $0x38;
	[tilespmem:$0x128B0] =	vst v63  }
0xf0: {  	s0 =	simm.s32 @!p2 $0x1;
	s28 =	spop (v2sf)  }
0xf1: {  	_ =	swait.ge @!p2 [sflag:s0], $0x80  }
0xf2: {  	[sflag:s0] =	ssyncset.done @!p2 $0x0  }
0xf3: {  	[sflag:s0] =	ssyncadd.s32 @!p2 $0xFFFFFF80  }
0xf4: {  	_ =	swait.ge @!p2 [sflag:s0], $0x80  }
0xf5: {  	[sflag:s0] =	ssyncset.done @!p2 $0x0  }
0xf6: {  	[sflag:s0] =	ssyncadd.s32 @!p2 $0xFFFFFF80  }
0xf7: {  	_ =	swait.ge @!p2 [sflag:s0], $0x80  }
0xf8: {  	[sflag:s0] =	ssyncset.done @!p2 $0x0  }
0xf9: {  	[sflag:s0] =	ssyncadd.s32 @!p2 $0xFFFFFF80  }
0xfa: {  	_ =	swait.ge @!p2 [sflag:s0], $0x80  }
0xfb: {  	[sflag:s0] =	ssyncset.done @!p2 $0x0  }
0xfc: {  	[sflag:s0] =	ssyncadd.s32 @!p2 $0xFFFFFF80  }
0xfd: {  	_ =	swait.ge @!p2 [sflag:s0], $0x200  }
0xfe: {  	[sflag:s0] =	ssyncset.done @!p2 $0x0  }
0xff: {  	s4 =	simm.s32 @!p2 $0x8B0;
	[sflag:s0] =	ssyncadd.s32 @!p2 $0xFFFFFE00;
	s0 =	simm.s32 @!p2 $0x80  }
0x100: {  	[tilespmem:s4], [sflag:$0x3] =	stream.indirect.gather @!p2 [hbm4b:s5+s0], $0x40, s11, s0, $0xb8;
	[tilespmem:$0x128B0] =	vst v63  }
0x101: {  	s4 =	simm.s32 @!p2 $0x28B0  }
0x102: {  	[tilespmem:s4], [sflag:$0x3] =	stream.indirect.gather @!p2 [hbm4b:s5+s0], $0x40, s12, s0, $0xb8;
	[tilespmem:$0x128B0] =	vst v63  }
0x103: {  	s4 =	simm.s32 @!p2 $0x48B0  }
0x104: {  	[tilespmem:s4], [sflag:$0x3] =	stream.indirect.gather @!p2 [hbm4b:s5+s0], $0x40, s29, s0, $0xb8;
	[tilespmem:$0x128B0] =	vst v63  }
0x105: {  	s4 =	simm.s32 @!p2 $0x68B0  }
0x106: {  	[tilespmem:s4], [sflag:$0x3] =	stream.indirect.gather @!p2 [hbm4b:s5+s0], $0x40, s6, s0, $0xb8;
	[tilespmem:$0x128B0] =	vst v63  }
0x107: {  	s0 =	simm.s32 @!p1 $0x4  }
0x108: {  	_ =	swait.ge @!p1 [sflag:s0], $0x2000  }
0x109: {  	[sflag:s0] =	ssyncset.done @!p1 $0x0  }
0x10a: {  	[sflag:s0] =	ssyncadd.s32 @!p1 $0xFFFFE000  }
0x10b: {  	_ =	swait.ge @!p1 [sflag:s0], $0x2000  }
0x10c: {  	[sflag:s0] =	ssyncset.done @!p1 $0x0  }
0x10d: {  	[sflag:s0] =	ssyncadd.s32 @!p1 $0xFFFFE000  }
0x10e: {  	_ =	swait.ge @!p1 [sflag:s0], $0x2000  }
0x10f: {  	[sflag:s0] =	ssyncset.done @!p1 $0x0  }
0x110: {  	[sflag:s0] =	ssyncadd.s32 @!p1 $0xFFFFE000  }
0x111: {  	_ =	swait.ge @!p1 [sflag:s0], $0x2000  }
0x112: {  	[sflag:s0] =	ssyncset.done @!p1 $0x0  }
0x113: {  	[sflag:s0] =	ssyncadd.s32 @!p1 $0xFFFFE000  }
0x114: {  	v2 =	vld [tilespmem:$0x0]  }
0x115: {  	s0 =	sshll.u32 s30, $0x9;
	v3 =	vld [tilespmem:$0x10]  }
0x116: {  	s30 =	sadd.s32 $0x200, s0;
	v4 =	vld [tilespmem:$0x20]  }
0x117: {  	v5 =	vld [tilespmem:$0x30];
	p1 =	slt.s32 s16, s30  }
0x118: {  	v6 =	vld [tilespmem:$0x40];
	s30 =	smov.u32 @p1 s16  }
0x119: {  	v2 =	vsub.s32 s30, v2  }
0x11a: {  	v58 =	vld [tilespmem:$0x60];
	vm0 =	vgt.s32 v2, $0x0;
	v2 =	vsub.s32 s30, v3  }
0x11b: {  	v3 =	vld [tilespmem:$0x50];
	v7 =	vsel vm0, $0x1, v1;
	vm9 =	vgt.s32 v2, $0x0;
	v2 =	vsub.s32 s30, v4  }
0x11c: {  	v60 =	vld [tilespmem:$0x70];
	(xrf0) =	vadd.scan.msk.s32 $0xffff, v7;
	v59 =	vsel vm9, $0x1, v1;
	vm10 =	vgt.s32 v2, $0x0;
	v2 =	vsub.s32 s30, v5  }
0x11d: {  	(xrf0) =	vadd.scan.msk.s32 $0xffff, v59;
	v61 =	vsel vm10, $0x1, v1;
	vm11 =	vgt.s32 v2, $0x0;
	v2 =	vsub.s32 s30, v6  }
0x11e: {  	(xrf0) =	vadd.scan.msk.s32 $0xffff, v61;
	v62 =	vsel vm11, $0x1, v1;
	vm12 =	vgt.s32 v2, $0x0  }
0x11f: {  	(xrf0) =	vadd.scan.msk.s32 $0xffff, v62;
	v2 =	vsel vm12, $0x1, v1  }
0x120: {  	v3 =	vsub.s32 s30, v3;
	(xrf0) =	vadd.scan.msk.s32 $0xffff, v2;
	v2 =	vsub.s32 s30, v58  }
0x121: {  	vm13 =	vgt.s32 v3, $0x0;
	vm14 =	vgt.s32 v2, $0x0;
	v2 =	vsub.s32 s30, v60  }
0x122: {  	v3 =	vsel vm13, $0x1, v1  }
0x123: {  	v63, _, _ =	vpop (xrf0);
	(xrf0) =	vadd.scan.msk.s32 $0xffff, v3;
	v3 =	vsel vm14, $0x1, v1;
	vm15 =	vgt.s32 v2, $0x0  }
0x124: {  	(v2sf) =	vpush v63, $0xF;
	v2, _, _ =	vpop (xrf0);
	(xrf0) =	vadd.scan.msk.s32 $0xffff, v3;
	v3 =	vsel vm15, $0x1, v1  }
0x125: {  	(v2sf) =	vpush v2, $0xF;
	v2, _, _ =	vpop (xrf0);
	(xrf0) =	vadd.scan.msk.s32 $0xffff, v3;
	_ =	sdelay $0x1  }
0x126: {  	(v2sf) =	vpush v2, $0xF;
	v3, _, _ =	vpop (xrf0)  }
0x127: {  	v2, _, _ =	vpop (xrf0);
	(v2sf) =	vpush v3, $0xF  }
0x128: {  	(v2sf) =	vpush v2, $0xF;
	v2, _, _ =	vpop (xrf0)  }
0x129: {  	v3, _, _ =	vpop (xrf0);
	(v2sf) =	vpush v2, $0xF  }
0x12a: {  	(v2sf) =	vpush v3, $0xF;
	v2, _, _ =	vpop (xrf0)  }
0x12b: {  	(v2sf) =	vpush v2, $0xF;
	_ =	sdelay $0x7  }
0x12c: {  	s6 =	spop (v2sf)  }
0x12d: {  	s7 =	spop (v2sf)  }
0x12e: {  	s11 =	spop (v2sf);
	s4 =	sadd.s32 s6, s7  }
0x12f: {  	p1 =	sgt.s32 s28, s14;
	s4 =	sadd.s32 s4, s11;
	s12 =	spop (v2sf)  }
0x130: {  	s11 =	simm.s32 $0x1;
	s7 =	spop (v2sf);
	s4 =	sadd.s32 s4, s12  }
0x131: {  	s11 =	simm.s32 @!p1 $0x0;
	s12 =	spop (v2sf);
	s4 =	sadd.s32 s4, s7  }
0x132: {  	s29 =	ssub.s32 s31, s11;
	s14 =	spop (v2sf);
	s4 =	sadd.s32 s4, s12  }
0x133: {  	p1 =	sgt.s32 s3, s29;
	s4 =	sadd.s32 s4, s14;
	s31 =	spop (v2sf)  }
0x134: {  	s29 =	smov.u32 @p1 s3;
	s28 =	sadd.s32 s4, s31  }
0x135: {  	p1 =	sge.s32 s29, s28  }
.Ltmp7:
0x136: {  	_ = 	snop;
	(pc) =	sbr.rel @p1 .LBB2_25-.Ltmp7, $4  }
.Ltmp8:
0x137: {  	_ = 	snop;
	(pc) =	sbr.rel @!p1 .LBB2_16-.Ltmp8, $4  }
0x138: {  	_ = 	snop  }
0x139: {  	_ = 	snop  }
0x13a: {  	s3 =	smov.u32 s29  }
0x13b: {  	_ = 	snop  }
.LBB2_8:
0x13c: {  	v5 =	vimm.f32 $0.0e+00  }
0x13d: {  	v6 =	vimm.f32 $0.0e+00;
	v7 =	vimm.f32 $0.0e+00;
	v8 =	vimm.f32 $0.0e+00  }
.LBB2_13:
0x13e: {  	v4 =	vadd.f32 @p2 v12, v5  }
0x13f: {  	v5 =	vadd.f32 @p2 v14, v6;
	v6 =	vadd.f32 @p2 v18, v7  }
0x140: {  	v7 =	vadd.f32 @p2 v19, v8;
	v61 =	vmul.f32 v17, v16  }
0x141: {  	v9 =	vmul.f32 v15, v16;
	v62 =	vmul.f32 v13, v16;
	v6 =	vpsel p2, v6, v2  }
0x142: {  	s4 =	sshll.u32 s28, $0x8;
	v3 =	vmul.f32 v3, v16;
	v7 =	vpsel p2, v7, v2;
	v6 =	vadd.f32 v61, v6  }
0x143: {  	s4 =	sshra.s32 s4, $0x2;
	v4 =	vpsel p2, v4, v2;
	v2 =	vpsel p2, v5, v2;
	v63 =	vadd.f32 v9, v7  }
0x144: {  	v2 =	vadd.f32 v62, v2;
	[tilespmem:s4+$0x108C0] =	vst.add.f32.msk $0xffff, v6  }
0x145: {  	v3 =	vadd.f32 v3, v4;
	[tilespmem:s4+$0x108D0] =	vst.add.f32.msk $0xffff, v63  }
0x146: {  	[tilespmem:s4+$0x108E0] =	vst.add.f32.msk $0xffff, v2  }
0x147: {  	[tilespmem:s4+$0x108B0] =	vst.add.f32.msk $0xffff, v3  }
.LBB2_14:
0x148: {  	s28 =	sadd.s32 $0x1, s28  }
0x149: {  	p2 =	slt.s32 s28, s31  }
.Ltmp9:
0x14a: {  	_ = 	snop;
	(pc) =	sbr.rel @!p2 .LBB2_15-.Ltmp9, $1  }
0x14b: {  	_ =	sdelay $0x3  }
.LBB2_6:
0x14c: {  	v2 =	vld [tilespmem:s28+$0x0];
	_ =	sdelay $0x4  }
0x14d: {  	(v2sf) =	vpush v2, $0x0  }
0x14e: {  	(v2sf) =	vpush v2, $0x1;
	_ =	sdelay $0xd  }
0x14f: {  	s7 =	spop (v2sf)  }
0x150: {  	s4 =	smov.u32 s0;
	s11 =	spop (v2sf)  }
0x151: {  	s29 =	smov.u32 s14;
	p2 =	sgt.s32 s7, s0;
	p3 =	slt.s32 s11, s14  }
0x152: {  	s4 =	smov.u32 @p2 s7;
	s29 =	smov.u32 @p3 s11  }
0x153: {  	p2 =	sge.s32 s4, s29  }
.Ltmp10:
0x154: {  	_ = 	snop;
	(pc) =	sbr.rel @p2 .LBB2_14-.Ltmp10, $1  }
0x155: {  	_ =	sdelay $0x3  }
0x156: {  	p2 =	sgt.s32 s7, s20;
	s11 =	smov.u32 s20  }
0x157: {  	s12 =	sadd.s32 s4, s21;
	s11 =	smov.u32 @p2 s7  }
0x158: {  	s7 =	sadd.s32 s11, s21;
	s11 =	sand.u32 $0xFFFFFFF8, s12  }
0x159: {  	s12 =	sand.u32 $0x7, s4;
	s4 =	sadd.s32 $0x1, s4;
	s7 =	sshll.u32 s7, $0x8  }
0x15a: {  	s11 =	sor.u32 s12, s11;
	p3 =	slt.s32 s4, s29;
	s7 =	sshra.s32 s7, $0x2  }
.Ltmp11:
0x15b: {  	v16 =	vld.msk [tilespmem:s11+$0x490 ss:$0x0], $0xffff;
	s7 =	sadd.s32 $0x8D0, s7;
	(pc) =	sbr.rel @!p3 .LBB2_8-.Ltmp11, $4  }
0x15c: {  	v17 =	vld [tilespmem:s7+$0xFFFFFFF0]  }
0x15d: {  	v13 =	vld [tilespmem:s7+$0x10]  }
0x15e: {  	v15 =	vld [tilespmem:s7+$0x0]  }
0x15f: {  	v2 =	vimm.f32 $0.0e+00;
	p2 =	por $0x0, $0x0;
	v3 =	vld [tilespmem:s7+$0xFFFFFFE0];
	s7 =	sadd.s32 $0x40, s7  }
0x160: {  	s11 =	sadd.s32 s4, s21;
	s12 =	sand.u32 $0x7, s4;
	s4 =	sadd.s32 $0x1, s4  }
0x161: {  	p3 =	slt.s32 s4, s29  }
.Ltmp12:
0x162: {  	v4 =	vld [tilespmem:s7+$0xFFFFFFF0];
	(pc) =	sbr.rel @!p3 .LBB2_10-.Ltmp12, $4  }
0x163: {  	v9 =	vld [tilespmem:s7+$0x10];
	s11 =	sand.u32 $0xFFFFFFF8, s11  }
0x164: {  	v10 =	vld [tilespmem:s7+$0x0];
	v5 =	vimm.f32 $0.0e+00;
	v6 =	vimm.f32 $0.0e+00;
	s11 =	sor.u32 s12, s11  }
0x165: {  	v7 =	vimm.f32 $0.0e+00;
	v18 =	vmul.f32 v17, v16;
	v11 =	vld.msk [tilespmem:s11+$0x490 ss:$0x0], $0xffff;
	v12 =	vmul.f32 v3, v16  }
0x166: {  	p2 =	por $0x1, $0x1;
	v8 =	vimm.f32 $0.0e+00;
	v14 =	vmul.f32 v13, v16;
	v19 =	vmul.f32 v15, v16;
	v3 =	vld [tilespmem:s7+$0xFFFFFFE0];
	s7 =	sadd.s32 $0x40, s7  }
.LBB2_11:
0x167: {  	s11 =	smov.u32 s4;
	s4 =	sadd.s32 $0x1, s4  }
0x168: {  	v13 =	vld [tilespmem:s7+$0xFFFFFFF0];
	v5 =	vadd.f32 v12, v5;
	v6 =	vadd.f32 v14, v6;
	p3 =	slt.s32 s4, s29  }
.Ltmp13:
0x169: {  	s12 =	sadd.s32 s11, s21;
	v7 =	vadd.f32 v18, v7;
	v8 =	vadd.f32 v19, v8;
	v14 =	vmov v9;
	(pc) =	sbr.rel @p3 .LBB2_11-.Ltmp13, $4  }
0x16a: {  	s11 =	sand.u32 $0x7, s11;
	s12 =	sand.u32 $0xFFFFFFF8, s12;
	v9 =	vld [tilespmem:s7+$0x10];
	v15 =	vmov v10  }
0x16b: {  	s11 =	sor.u32 s11, s12;
	v10 =	vld [tilespmem:s7+$0x0]  }
0x16c: {  	v14 =	vmul.f32 v14, v11;
	v16 =	vmov v11;
	v12 =	vmul.f32 v3, v11;
	v11 =	vld.msk [tilespmem:s11+$0x490 ss:$0x0], $0xffff  }
0x16d: {  	v18 =	vmul.f32 v4, v16;
	v19 =	vmul.f32 v15, v16;
	v3 =	vld [tilespmem:s7+$0xFFFFFFE0];
	s7 =	sadd.s32 $0x40, s7;
	v4 =	vmov v13  }
.Ltmp14:
0x16e: {  	(pc) =	sbr.rel .LBB2_13-.Ltmp14, $2  }
0x16f: {  	_ =	sdelay $0x2  }
0x170: {  	v17 =	vmovc v4;
	v13 =	vmov v9;
	v15 =	vmov v10;
	v16 =	vmov v11  }
.LBB2_10:
.Ltmp15:
0x171: {  	(pc) =	sbr.rel .LBB2_13-.Ltmp15, $3  }
0x172: {  	_ =	sdelay $0x1  }
0x173: {  	v5 =	vimm.f32 $0.0e+00;
	v6 =	vimm.f32 $0.0e+00;
	v7 =	vimm.f32 $0.0e+00  }
0x174: {  	v8 =	vimm.f32 $0.0e+00;
	v17 =	vmovc v4;
	v13 =	vmovc v9;
	v15 =	vmov v10;
	v16 =	vmov v11  }
.LBB2_18:
0x175: {  	v5 =	vimm.f32 $0.0e+00  }
0x176: {  	v6 =	vimm.f32 $0.0e+00;
	v7 =	vimm.f32 $0.0e+00;
	v8 =	vimm.f32 $0.0e+00  }
.LBB2_23:
0x177: {  	v4 =	vadd.f32 @p1 v12, v5  }
0x178: {  	v5 =	vadd.f32 @p1 v14, v6;
	v6 =	vadd.f32 @p1 v18, v7  }
0x179: {  	v7 =	vadd.f32 @p1 v19, v8;
	v61 =	vmul.f32 v17, v16  }
0x17a: {  	v9 =	vmul.f32 v15, v16;
	v62 =	vmul.f32 v13, v16;
	v6 =	vpsel p1, v6, v2  }
0x17b: {  	s4 =	sshll.u32 s3, $0x8;
	v3 =	vmul.f32 v3, v16;
	v7 =	vpsel p1, v7, v2;
	v6 =	vadd.f32 v61, v6  }
0x17c: {  	s4 =	sshra.s32 s4, $0x2;
	v4 =	vpsel p1, v4, v2;
	v2 =	vpsel p1, v5, v2;
	v63 =	vadd.f32 v9, v7  }
0x17d: {  	v2 =	vadd.f32 v62, v2;
	[tilespmem:s4+$0x108C0] =	vst.add.f32.msk $0xffff, v6  }
0x17e: {  	v3 =	vadd.f32 v3, v4;
	[tilespmem:s4+$0x108D0] =	vst.add.f32.msk $0xffff, v63  }
0x17f: {  	[tilespmem:s4+$0x108E0] =	vst.add.f32.msk $0xffff, v2  }
0x180: {  	[tilespmem:s4+$0x108B0] =	vst.add.f32.msk $0xffff, v3  }
.LBB2_24:
0x181: {  	s3 =	sadd.s32 $0x1, s3  }
0x182: {  	p1 =	slt.s32 s3, s28  }
.Ltmp16:
0x183: {  	_ = 	snop;
	(pc) =	sbr.rel @!p1 .LBB2_25-.Ltmp16, $1  }
0x184: {  	_ =	sdelay $0x3  }
.LBB2_16:
0x185: {  	v2 =	vld [tilespmem:s3+$0x0];
	_ =	sdelay $0x4  }
0x186: {  	(v2sf) =	vpush v2, $0x0  }
0x187: {  	(v2sf) =	vpush v2, $0x1;
	_ =	sdelay $0xd  }
0x188: {  	s7 =	spop (v2sf)  }
0x189: {  	s4 =	smov.u32 s0;
	s6 =	spop (v2sf)  }
0x18a: {  	s14 =	smov.u32 s30;
	p1 =	sgt.s32 s7, s0;
	p2 =	slt.s32 s6, s30  }
0x18b: {  	s4 =	smov.u32 @p1 s7;
	s14 =	smov.u32 @p2 s6  }
0x18c: {  	p1 =	sge.s32 s4, s14  }
.Ltmp17:
0x18d: {  	_ = 	snop;
	(pc) =	sbr.rel @p1 .LBB2_24-.Ltmp17, $1  }
0x18e: {  	_ =	sdelay $0x3  }
0x18f: {  	p1 =	sgt.s32 s7, s24;
	s6 =	smov.u32 s24  }
0x190: {  	s6 =	smov.u32 @p1 s7  }
0x191: {  	s31 =	sadd.s32 s4, s22;
	s11 =	sand.u32 $0x7, s4;
	s6 =	sadd.s32 s6, s23  }
0x192: {  	s4 =	sadd.s32 $0x1, s4;
	s7 =	sand.u32 $0xFFFFFFF8, s31;
	s6 =	sshll.u32 s6, $0x8  }
0x193: {  	p2 =	slt.s32 s4, s14;
	s7 =	sor.u32 s11, s7;
	s6 =	sshra.s32 s6, $0x2  }
.Ltmp18:
0x194: {  	v16 =	vld.msk [tilespmem:s7+$0x6A0 ss:$0x0], $0xffff;
	s6 =	sadd.s32 $0x88D0, s6;
	(pc) =	sbr.rel @!p2 .LBB2_18-.Ltmp18, $4  }
0x195: {  	v17 =	vld [tilespmem:s6+$0xFFFFFFF0]  }
0x196: {  	v13 =	vld [tilespmem:s6+$0x10]  }
0x197: {  	v15 =	vld [tilespmem:s6+$0x0]  }
0x198: {  	v2 =	vimm.f32 $0.0e+00;
	p1 =	por $0x0, $0x0;
	v3 =	vld [tilespmem:s6+$0xFFFFFFE0];
	s7 =	sadd.s32 $0x40, s6  }
0x199: {  	s6 =	sadd.s32 s4, s22;
	s11 =	sand.u32 $0x7, s4;
	s4 =	sadd.s32 $0x1, s4  }
0x19a: {  	p2 =	slt.s32 s4, s14  }
.Ltmp19:
0x19b: {  	v4 =	vld [tilespmem:s7+$0xFFFFFFF0];
	(pc) =	sbr.rel @!p2 .LBB2_20-.Ltmp19, $4  }
0x19c: {  	v9 =	vld [tilespmem:s7+$0x10];
	s6 =	sand.u32 $0xFFFFFFF8, s6  }
0x19d: {  	v10 =	vld [tilespmem:s7+$0x0];
	v5 =	vimm.f32 $0.0e+00;
	v6 =	vimm.f32 $0.0e+00;
	s6 =	sor.u32 s11, s6  }
0x19e: {  	v7 =	vimm.f32 $0.0e+00;
	v18 =	vmul.f32 v17, v16;
	v11 =	vld.msk [tilespmem:s6+$0x6A0 ss:$0x0], $0xffff;
	v12 =	vmul.f32 v3, v16  }
0x19f: {  	p1 =	por $0x1, $0x1;
	v8 =	vimm.f32 $0.0e+00;
	v14 =	vmul.f32 v13, v16;
	v19 =	vmul.f32 v15, v16;
	v3 =	vld [tilespmem:s7+$0xFFFFFFE0];
	s7 =	sadd.s32 $0x40, s7  }
.LBB2_21:
0x1a0: {  	s6 =	smov.u32 s4;
	s4 =	sadd.s32 $0x1, s4  }
0x1a1: {  	v13 =	vld [tilespmem:s7+$0xFFFFFFF0];
	v5 =	vadd.f32 v12, v5;
	v6 =	vadd.f32 v14, v6;
	p2 =	slt.s32 s4, s14  }
.Ltmp20:
0x1a2: {  	s11 =	sadd.s32 s6, s22;
	v7 =	vadd.f32 v18, v7;
	v8 =	vadd.f32 v19, v8;
	v14 =	vmov v9;
	(pc) =	sbr.rel @p2 .LBB2_21-.Ltmp20, $4  }
0x1a3: {  	s6 =	sand.u32 $0x7, s6;
	s11 =	sand.u32 $0xFFFFFFF8, s11;
	v9 =	vld [tilespmem:s7+$0x10];
	v15 =	vmov v10  }
0x1a4: {  	s6 =	sor.u32 s6, s11;
	v10 =	vld [tilespmem:s7+$0x0]  }
0x1a5: {  	v14 =	vmul.f32 v14, v11;
	v16 =	vmov v11;
	v12 =	vmul.f32 v3, v11;
	v11 =	vld.msk [tilespmem:s6+$0x6A0 ss:$0x0], $0xffff  }
0x1a6: {  	v18 =	vmul.f32 v4, v16;
	v19 =	vmul.f32 v15, v16;
	v3 =	vld [tilespmem:s7+$0xFFFFFFE0];
	s7 =	sadd.s32 $0x40, s7;
	v4 =	vmov v13  }
.Ltmp21:
0x1a7: {  	(pc) =	sbr.rel .LBB2_23-.Ltmp21, $2  }
0x1a8: {  	_ =	sdelay $0x2  }
0x1a9: {  	v17 =	vmovc v4;
	v13 =	vmov v9;
	v15 =	vmov v10;
	v16 =	vmov v11  }
.LBB2_20:
.Ltmp22:
0x1aa: {  	(pc) =	sbr.rel .LBB2_23-.Ltmp22, $3  }
0x1ab: {  	_ =	sdelay $0x1  }
0x1ac: {  	v5 =	vimm.f32 $0.0e+00;
	v6 =	vimm.f32 $0.0e+00;
	v7 =	vimm.f32 $0.0e+00  }
0x1ad: {  	v8 =	vimm.f32 $0.0e+00;
	v17 =	vmovc v4;
	v13 =	vmovc v9;
	v15 =	vmov v10;
	v16 =	vmov v11  }
.LBB2_27:
0x1ae: {  	_ =	sfence.sel $0x180000  }
0x1af: {  	[bflag:$0x0] =	sbarrier.arrive $0xFFFF  }
0x1b0: {  	_ =	strace $0x90000047  }
0x1b1: {  	s0 =	stileid.u32;
	[bflag:$0x2] =	sbarrier.arrive $0xFFFF  }
0x1b2: {  	p0 =	sne.s32 s0, $0x0;
	s0 =	rddreg [dreg:$0x5]  }
0x1b3: {  	s0 =	sadd.s32 @!p0 $0x100000, s0  }
0x1b4: {  	[sflag:s0] =	ssyncadd.tile.s32 @!p0 $0x1;
	_ =	shalt  }
.Lfunc_end2:
_tile_overlayer_lowered:
.L_overlay_start_2:
0x1b5: {  	(tag) =	ssettag $0x2  }
0x1b6: {  	s0 =	rddreg [dreg:$0x0];
	s2 =	stileid.u32  }
0x1b7: {  	s1 =	rddreg [dreg:$0x1];
	p0 =	sne.s32 s2, $0x0  }
0x1b8: {  	s3 =	rddreg [dreg:$0x2];
	[bflag:$0x3] =	sbarrier.arrive $0xFFFF;
	s2 =	simm.s32 @!p0 $0x1C05  }
0x1b9: {  	[timem:s3], [sflag:s2] =	dma.local @!p0 [hbm:s0], s1  }
0x1ba: {  	s0 =	simm.s32 @!p0 $0x5  }
0x1bb: {  	_ =	swait.ge @!p0 [sflag:s0], s1  }
0x1bc: {  	s1 =	ssub.s32 @!p0 $0x0, s1;
	[sflag:s0] =	ssyncset.done @!p0 $0x0  }
0x1bd: {  	[sflag:s0] =	ssyncadd.s32 @!p0 s1  }
0x1be: {  	[bflag:$0x3] =	sbarrier.arrive $0xFFFF  }
0x1bf: {  	_ =	shalt  }

</sc_bundles>
